<compile_context>
chip_gen: v7x
topology: tpu7x:2x2x1
jax: 0.10.2.dev20260603
libtpu: 0.0.44.dev20260713+nightly
codegen_flags: <defaults>
</compile_context>

<pallas_src>
import functools
import math

import jax
import jax.numpy as jnp
from jax import lax
from jax.experimental import pallas as pl
from jax.experimental.pallas import tpu as pltpu
from jax.experimental.pallas import tpu_sc as plsc

DIM = 64
SCALE = (1.0 / math.sqrt(DIM)) * math.sqrt(DIM)
EPS = 1e-12

NC = 2
NS = 16
NW = NC * NS
LANE = 128

ROW_BLOCK = 5000


def _norm_half(w):
    ss = jnp.sum(w * w, axis=1, keepdims=True)
    norm = jnp.maximum(jnp.sqrt(ss), EPS)
    return w * (SCALE / norm)


def _normalize_body(wa_ref, wb_ref, o_ref):
    o_ref[...] = jnp.concatenate(
        [_norm_half(wa_ref[...]), _norm_half(wb_ref[...])], axis=1)


def _normalize(weight):
    v = weight.shape[0]
    h_blocks = (v // 2) // ROW_BLOCK
    return pl.pallas_call(
        _normalize_body,
        out_shape=jax.ShapeDtypeStruct((v // 2, 2 * DIM), weight.dtype),
        grid=(h_blocks,),
        in_specs=[
            pl.BlockSpec((ROW_BLOCK, DIM), lambda i: (i, 0)),
            pl.BlockSpec((ROW_BLOCK, DIM), lambda i, h=h_blocks: (i + h, 0)),
        ],
        out_specs=pl.BlockSpec((ROW_BLOCK, 2 * DIM), lambda i: (i, 0)),
    )(weight, weight)


def _make_gather(nb, r, vocab_half):
    assert nb == NW * LANE and r % 2 == 0
    mesh = plsc.VectorSubcoreMesh(
        core_axis_name="c", subcore_axis_name="s",
        num_cores=NC, num_subcores=NS)
    half = jnp.int32(vocab_half)
    odd_off = jnp.int32(2 * vocab_half - 1)

    @functools.partial(
        pl.kernel,
        out_type=jax.ShapeDtypeStruct((r, 8, NW, 8, LANE), jnp.float32),
        mesh=mesh,
        scratch_types=[
            pltpu.VMEM((LANE * r,), jnp.int32),
            pltpu.VMEM((r, LANE), jnp.int32),
            pltpu.VMEM((2, LANE, DIM), jnp.float32),
            pltpu.VMEM((2, 8, 8, LANE + 1), jnp.float32),
            pltpu.SemaphoreType.DMA,
            pltpu.SemaphoreType.DMA,
        ],
        compiler_params=pltpu.CompilerParams(
            use_tc_tiling_on_sc=False, needs_layout_passes=False),
    )
    def gather(table_hbm, idx_hbm, out_hbm, idxv, idxt, rows, obufp,
               gsem, ssem):
        wid = lax.axis_index("s") * NC + lax.axis_index("c")
        pltpu.sync_copy(idx_hbm.at[pl.ds(wid * LANE * r, LANE * r)], idxv)

        lanes = lax.iota(jnp.int32, 16)
        row_base = [(lanes + j * 16) * r for j in range(8)]

        @pl.loop(0, r)
        def _(t):
            vs = [plsc.load_gather(idxv, [row_base[j] + t]) for j in range(8)]
            for j, v in enumerate(vs):
                g = v + v - jnp.where(v >= half, odd_off, jnp.int32(0))
                idxt[t, pl.ds(j * 16, 16)] = g

        pltpu.async_copy(table_hbm.at[idxt.at[0]], rows.at[0], gsem)

        dvec = [lanes + k * 16 for k in range(4)]
        dhi = [d // 8 for d in dvec]
        dlo = [d % 8 for d in dvec]

        @pl.loop(0, r, step=2)
        def _(t):
            for b in range(2):
                cur = t + b
                pltpu.make_async_copy(
                    table_hbm.at[idxt.at[0]], rows.at[b], gsem).wait()

                @pl.when(cur + 1 < r)
                def _():
                    pltpu.async_copy(
                        table_hbm.at[idxt.at[cur + 1]], rows.at[1 - b], gsem)


                @pl.when(cur >= 2)
                def _():
                    pltpu.make_async_copy(
                        obufp.at[b].at[:, :, pl.ds(0, LANE)],
                        out_hbm.at[0, :, 0], ssem).wait()

                @pl.loop(0, LANE, step=8)
                def _(r0):
                    vals = [rows[b, r0 + g, pl.ds(k * 16, 16)]
                            for g in range(8) for k in range(4)]
                    for g in range(8):
                        rsp = jnp.full((16,), r0 + g, jnp.int32)
                        for k in range(4):
                            plsc.store_scatter(
                                obufp.at[b], [dhi[k], dlo[k], rsp],
                                vals[g * 4 + k])

                pltpu.async_copy(
                    obufp.at[b].at[:, :, pl.ds(0, LANE)],
                    out_hbm.at[cur, :, wid], ssem)

        for b in range(2):
            pltpu.make_async_copy(
                obufp.at[b].at[:, :, pl.ds(0, LANE)],
                out_hbm.at[0, :, 0], ssem).wait()

    return gather


def kernel(input, weight):
    nb, r = input.shape
    table = _normalize(weight).reshape(-1, DIM)
    idx = input.reshape(-1).astype(jnp.int32)
    out5 = _make_gather(nb, r, weight.shape[0] // 2)(table, idx)
    out3 = jnp.transpose(out5, (0, 1, 3, 2, 4)).reshape(r, DIM, nb)
    return jnp.transpose(out3, (2, 0, 1))

# --- scband reference (transcript-rebuilt; emitter-appended) ---
"""Pipeline reference for scband-normalized-embedding-60447369724215 (READ-ONLY COPY).

The authoritative reference and input builder live on the scoring server;
editing this copy changes nothing except your own understanding.
"""

import jax, jax.numpy as jnp
import numpy as np
import math

VOCAB = 100000
DIM = 64
EMBED_SCALE = 1.0 / math.sqrt(DIM)
EPS = 1e-06


def setup_inputs(seed: int = 0) -> dict:
    key = jax.random.key(seed)
    k1, k2 = jax.random.split(key)
    input_ids = jax.random.randint(k1, (4096, 200), 0, VOCAB, dtype=jnp.int64 if jax.config.jax_enable_x64 else jnp.int32)
    weight = jax.random.normal(k2, (VOCAB, DIM), dtype=jnp.float32)
    return {"input": input_ids, "weight": weight}


def reference(input, weight):
    # In-place RMS normalization of weights (no grad in torch; here it's just
    # part of the forward computation but gradients are not taken in fwd-only).
    # F.normalize(w, p=2, dim=1) * embed_scale * sqrt(dim)
    norm = jnp.sqrt(jnp.sum(weight * weight, axis=1, keepdims=True))
    norm = jnp.maximum(norm, 1e-12)
    w_normed = (weight / norm) * (EMBED_SCALE * math.sqrt(DIM))
    # embedding lookup
    out = jnp.take(w_normed, input, axis=0)
    return out

if __name__ == "__main__":
    import jax
    _d = setup_inputs()
    print(jax.jit(kernel)(*tuple(_d.values())))

</pallas_src>

<mosaic_0001>
#map = affine_map<(d0, d1) -> (0, 0)>
#map1 = affine_map<(d0, d1) -> (0)>
#map2 = affine_map<(d0, d1) -> (0, 0, 0, 0, 0)>
module attributes {stable_mosaic.version = 14 : i64} {
  func.func @_rewritten_body(%arg0: i32, %arg1: i32, %arg2: memref<100000x64xf32, #tpu.memory_space<hbm>>, %arg3: memref<819200xi32, #tpu.memory_space<hbm>>, %arg4: memref<1xi32, #tpu.memory_space<hbm>>, %arg5: memref<1xi32, #tpu.memory_space<hbm>>, %arg6: memref<200x8x32x8x128xf32, #tpu.memory_space<hbm>>, %arg7: memref<25600xi32, #tpu.memory_space<vmem>>, %arg8: memref<200x128xi32, #tpu.memory_space<vmem>>, %arg9: memref<2x128x64xf32, #tpu.memory_space<vmem>>, %arg10: memref<2x8x8x129xf32, #tpu.memory_space<vmem>>, %arg11: memref<!tpu.dma_semaphore, #tpu.memory_space<semaphore_mem>>, %arg12: memref<!tpu.dma_semaphore, #tpu.memory_space<semaphore_mem>>) attributes {dimension_semantics = [#tpu.dimension_semantics<core_parallel>, #tpu.dimension_semantics<subcore_parallel>], iteration_bounds = array<i64: 2, 16>, scalar_prefetch = 0 : i64, scratch_operands = 6 : i64, tpu.core_type = #tpu.core_type<sc_vector_subcore>, window_params = [{transform_indices = #map}, {transform_indices = #map1}, {transform_indices = #map1}, {transform_indices = #map1}, {transform_indices = #map2}]} {
    %empty_ref3A = memref.alloca() : memref<16xi32, #tpu.memory_space<vmem>>
    %empty_ref3A_0 = memref.alloca() : memref<16xi32, #tpu.memory_space<vmem>>
    "tpu.region"() ({
      %run_scoped3A = tpu.sem_alloc : memref<!tpu.dma_semaphore, #tpu.memory_space<semaphore_mem>>
      %dma_start3A_354 = arith.constant 0 : i32
      %dma_start3A_355 = tpu.memref_slice %empty_ref3A[%dma_start3A_354] : memref<16xi32, #tpu.memory_space<vmem>> -> memref<1xi32, #tpu.memory_space<vmem>>
      %dma_start3A_356 = arith.constant 0 : i32
      %dma_start3A_357 = tpu.memref_slice %empty_ref3A[%dma_start3A_356] : memref<16xi32, #tpu.memory_space<vmem>> -> memref<1xi32, #tpu.memory_space<vmem>>
      tpu.enqueue_dma source(%arg4 : memref<1xi32, #tpu.memory_space<hbm>>) target(%dma_start3A_357 : memref<1xi32, #tpu.memory_space<vmem>>) target_semaphore(%run_scoped3A : memref<!tpu.dma_semaphore, #tpu.memory_space<semaphore_mem>>)
      %dma_start3A_358 = arith.constant 0 : i32
      %dma_start3A_359 = tpu.memref_slice %empty_ref3A_0[%dma_start3A_358] : memref<16xi32, #tpu.memory_space<vmem>> -> memref<1xi32, #tpu.memory_space<vmem>>
      %dma_start3A_360 = arith.constant 0 : i32
      %dma_start3A_361 = tpu.memref_slice %empty_ref3A_0[%dma_start3A_360] : memref<16xi32, #tpu.memory_space<vmem>> -> memref<1xi32, #tpu.memory_space<vmem>>
      tpu.enqueue_dma source(%arg5 : memref<1xi32, #tpu.memory_space<hbm>>) target(%dma_start3A_361 : memref<1xi32, #tpu.memory_space<vmem>>) target_semaphore(%run_scoped3A : memref<!tpu.dma_semaphore, #tpu.memory_space<semaphore_mem>>)
      %dma_wait3A_362 = arith.constant 0 : i32
      %dma_wait3A_363 = tpu.memref_slice %empty_ref3A[%dma_wait3A_362] : memref<16xi32, #tpu.memory_space<vmem>> -> memref<1xi32, #tpu.memory_space<vmem>>
      %dma_wait3A_364 = arith.constant 0 : i32
      %dma_wait3A_365 = tpu.memref_slice %empty_ref3A[%dma_wait3A_364] : memref<16xi32, #tpu.memory_space<vmem>> -> memref<1xi32, #tpu.memory_space<vmem>>
      tpu.wait_dma2 semaphore(%run_scoped3A : memref<!tpu.dma_semaphore, #tpu.memory_space<semaphore_mem>>) src(%arg4 : memref<1xi32, #tpu.memory_space<hbm>>) dst(%dma_wait3A_365 : memref<1xi32, #tpu.memory_space<vmem>>)
      %dma_wait3A_366 = arith.constant 0 : i32
      %dma_wait3A_367 = tpu.memref_slice %empty_ref3A_0[%dma_wait3A_366] : memref<16xi32, #tpu.memory_space<vmem>> -> memref<1xi32, #tpu.memory_space<vmem>>
      %dma_wait3A_368 = arith.constant 0 : i32
      %dma_wait3A_369 = tpu.memref_slice %empty_ref3A_0[%dma_wait3A_368] : memref<16xi32, #tpu.memory_space<vmem>> -> memref<1xi32, #tpu.memory_space<vmem>>
      tpu.wait_dma2 semaphore(%run_scoped3A : memref<!tpu.dma_semaphore, #tpu.memory_space<semaphore_mem>>) src(%arg5 : memref<1xi32, #tpu.memory_space<hbm>>) dst(%dma_wait3A_369 : memref<1xi32, #tpu.memory_space<vmem>>)
      tpu.yield
    }) : () -> ()
    %get3A = arith.constant 0 : index
    %get3A_1 = tpu.vector_load %empty_ref3A[%get3A] {strides = array<i32>} : memref<16xi32, #tpu.memory_space<vmem>>, vector<16xi32>,
    %slice3A = vector.extract_strided_slice %get3A_1 {offsets = [0], sizes = [1], strides = [1]} : vector<16xi32> to vector<1xi32>
    %squeeze3A = vector.extract %slice3A[0] : i32 from vector<1xi32>
    %get3A_2 = arith.constant 0 : index
    %get3A_3 = tpu.vector_load %empty_ref3A_0[%get3A_2] {strides = array<i32>} : memref<16xi32, #tpu.memory_space<vmem>>, vector<16xi32>,
    %slice3A_4 = vector.extract_strided_slice %get3A_3 {offsets = [0], sizes = [1], strides = [1]} : vector<16xi32> to vector<1xi32>
    %squeeze3A_5 = vector.extract %slice3A_4[0] : i32 from vector<1xi32>
    %mul3A = arith.constant 2 : i32
    %mul3A_6 = arith.muli %arg1, %mul3A : i32
    %add3A = arith.addi %mul3A_6, %arg0 : i32
    %mul3A_7 = arith.constant 128 : i32
    %mul3A_8 = arith.muli %add3A, %mul3A_7 : i32
    %mul3A_9 = arith.constant 200 : i32
    %mul3A_10 = arith.muli %mul3A_8, %mul3A_9 : i32
    "tpu.region"() ({
      %run_scoped3A = tpu.sem_alloc : memref<!tpu.dma_semaphore, #tpu.memory_space<semaphore_mem>>
      %dma_start3A_354 = tpu.memref_slice %arg3[%mul3A_10] : memref<819200xi32, #tpu.memory_space<hbm>> -> memref<25600xi32, #tpu.memory_space<hbm>>
      %dma_start3A_355 = tpu.memref_slice %arg3[%mul3A_10] : memref<819200xi32, #tpu.memory_space<hbm>> -> memref<25600xi32, #tpu.memory_space<hbm>>
      tpu.enqueue_dma source(%dma_start3A_355 : memref<25600xi32, #tpu.memory_space<hbm>>) target(%arg7 : memref<25600xi32, #tpu.memory_space<vmem>>) target_semaphore(%run_scoped3A : memref<!tpu.dma_semaphore, #tpu.memory_space<semaphore_mem>>)
      %dma_wait3A_356 = tpu.memref_slice %arg3[%mul3A_10] : memref<819200xi32, #tpu.memory_space<hbm>> -> memref<25600xi32, #tpu.memory_space<hbm>>
      %dma_wait3A_357 = tpu.memref_slice %arg3[%mul3A_10] : memref<819200xi32, #tpu.memory_space<hbm>> -> memref<25600xi32, #tpu.memory_space<hbm>>
      tpu.wait_dma2 semaphore(%run_scoped3A : memref<!tpu.dma_semaphore, #tpu.memory_space<semaphore_mem>>) src(%dma_wait3A_357 : memref<25600xi32, #tpu.memory_space<hbm>>) dst(%arg7 : memref<25600xi32, #tpu.memory_space<vmem>>)
      tpu.yield
    }) : () -> ()
    %iota3A = tpu.iota {dimensions = array<i32: 0>} : vector<16xi32>
    %add3A_11 = arith.constant 0 : i32
    %add3A_12 = vector.broadcast %add3A_11 : i32 to vector<16xi32>
    %add3A_13 = arith.addi %iota3A, %add3A_12 : vector<16xi32>
    %mul3A_14 = arith.constant 200 : i32
    %mul3A_15 = vector.broadcast %mul3A_14 : i32 to vector<16xi32>
    %mul3A_16 = arith.muli %add3A_13, %mul3A_15 : vector<16xi32>
    %add3A_17 = arith.constant 16 : i32
    %add3A_18 = vector.broadcast %add3A_17 : i32 to vector<16xi32>
    %add3A_19 = arith.addi %iota3A, %add3A_18 : vector<16xi32>
    %mul3A_20 = arith.constant 200 : i32
    %mul3A_21 = vector.broadcast %mul3A_20 : i32 to vector<16xi32>
    %mul3A_22 = arith.muli %add3A_19, %mul3A_21 : vector<16xi32>
    %add3A_23 = arith.constant 32 : i32
    %add3A_24 = vector.broadcast %add3A_23 : i32 to vector<16xi32>
    %add3A_25 = arith.addi %iota3A, %add3A_24 : vector<16xi32>
    %mul3A_26 = arith.constant 200 : i32
    %mul3A_27 = vector.broadcast %mul3A_26 : i32 to vector<16xi32>
    %mul3A_28 = arith.muli %add3A_25, %mul3A_27 : vector<16xi32>
    %add3A_29 = arith.constant 48 : i32
    %add3A_30 = vector.broadcast %add3A_29 : i32 to vector<16xi32>
    %add3A_31 = arith.addi %iota3A, %add3A_30 : vector<16xi32>
    %mul3A_32 = arith.constant 200 : i32
    %mul3A_33 = vector.broadcast %mul3A_32 : i32 to vector<16xi32>
    %mul3A_34 = arith.muli %add3A_31, %mul3A_33 : vector<16xi32>
    %add3A_35 = arith.constant 64 : i32
    %add3A_36 = vector.broadcast %add3A_35 : i32 to vector<16xi32>
    %add3A_37 = arith.addi %iota3A, %add3A_36 : vector<16xi32>
    %mul3A_38 = arith.constant 200 : i32
    %mul3A_39 = vector.broadcast %mul3A_38 : i32 to vector<16xi32>
    %mul3A_40 = arith.muli %add3A_37, %mul3A_39 : vector<16xi32>
    %add3A_41 = arith.constant 80 : i32
    %add3A_42 = vector.broadcast %add3A_41 : i32 to vector<16xi32>
    %add3A_43 = arith.addi %iota3A, %add3A_42 : vector<16xi32>
    %mul3A_44 = arith.constant 200 : i32
    %mul3A_45 = vector.broadcast %mul3A_44 : i32 to vector<16xi32>
    %mul3A_46 = arith.muli %add3A_43, %mul3A_45 : vector<16xi32>
    %add3A_47 = arith.constant 96 : i32
    %add3A_48 = vector.broadcast %add3A_47 : i32 to vector<16xi32>
    %add3A_49 = arith.addi %iota3A, %add3A_48 : vector<16xi32>
    %mul3A_50 = arith.constant 200 : i32
    %mul3A_51 = vector.broadcast %mul3A_50 : i32 to vector<16xi32>
    %mul3A_52 = arith.muli %add3A_49, %mul3A_51 : vector<16xi32>
    %add3A_53 = arith.constant 112 : i32
    %add3A_54 = vector.broadcast %add3A_53 : i32 to vector<16xi32>
    %add3A_55 = arith.addi %iota3A, %add3A_54 : vector<16xi32>
    %mul3A_56 = arith.constant 200 : i32
    %mul3A_57 = vector.broadcast %mul3A_56 : i32 to vector<16xi32>
    %mul3A_58 = arith.muli %add3A_55, %mul3A_57 : vector<16xi32>
    %scan3A = arith.constant 0 : i32
    %scan3A_59 = arith.constant 200 : i32
    %scan3A_60 = arith.addi %scan3A, %scan3A_59 : i32
    %scan3A_61 = arith.constant 1 : i32
    scf.for %scan3A_354 = %scan3A to %scan3A_60 step %scan3A_61  : i32 {
      %mul3A_355 = arith.constant 1 : i32
      %mul3A_356 = arith.muli %scan3A_354, %mul3A_355 : i32
      %add3A_357 = arith.constant 0 : i32
      %add3A_358 = arith.addi %add3A_357, %mul3A_356 : i32
      %add3A_359 = vector.broadcast %add3A_358 : i32 to vector<16xi32>
      %add3A_360 = arith.addi %mul3A_16, %add3A_359 : vector<16xi32>
      %gather3A = tpu.vector_load_idx %arg7[%add3A_360] : memref<25600xi32, #tpu.memory_space<vmem>>[vector<16xi32>], vector<16xi32>,
      %add3A_361 = vector.broadcast %add3A_358 : i32 to vector<16xi32>
      %add3A_362 = arith.addi %mul3A_22, %add3A_361 : vector<16xi32>
      %gather3A_363 = tpu.vector_load_idx %arg7[%add3A_362] : memref<25600xi32, #tpu.memory_space<vmem>>[vector<16xi32>], vector<16xi32>,
      %add3A_364 = vector.broadcast %add3A_358 : i32 to vector<16xi32>
      %add3A_365 = arith.addi %mul3A_28, %add3A_364 : vector<16xi32>
      %gather3A_366 = tpu.vector_load_idx %arg7[%add3A_365] : memref<25600xi32, #tpu.memory_space<vmem>>[vector<16xi32>], vector<16xi32>,
      %add3A_367 = vector.broadcast %add3A_358 : i32 to vector<16xi32>
      %add3A_368 = arith.addi %mul3A_34, %add3A_367 : vector<16xi32>
      %gather3A_369 = tpu.vector_load_idx %arg7[%add3A_368] : memref<25600xi32, #tpu.memory_space<vmem>>[vector<16xi32>], vector<16xi32>,
      %add3A_370 = vector.broadcast %add3A_358 : i32 to vector<16xi32>
      %add3A_371 = arith.addi %mul3A_40, %add3A_370 : vector<16xi32>
      %gather3A_372 = tpu.vector_load_idx %arg7[%add3A_371] : memref<25600xi32, #tpu.memory_space<vmem>>[vector<16xi32>], vector<16xi32>,
      %add3A_373 = vector.broadcast %add3A_358 : i32 to vector<16xi32>
      %add3A_374 = arith.addi %mul3A_46, %add3A_373 : vector<16xi32>
      %gather3A_375 = tpu.vector_load_idx %arg7[%add3A_374] : memref<25600xi32, #tpu.memory_space<vmem>>[vector<16xi32>], vector<16xi32>,
      %add3A_376 = vector.broadcast %add3A_358 : i32 to vector<16xi32>
      %add3A_377 = arith.addi %mul3A_52, %add3A_376 : vector<16xi32>
      %gather3A_378 = tpu.vector_load_idx %arg7[%add3A_377] : memref<25600xi32, #tpu.memory_space<vmem>>[vector<16xi32>], vector<16xi32>,
      %add3A_379 = vector.broadcast %add3A_358 : i32 to vector<16xi32>
      %add3A_380 = arith.addi %mul3A_58, %add3A_379 : vector<16xi32>
      %gather3A_381 = tpu.vector_load_idx %arg7[%add3A_380] : memref<25600xi32, #tpu.memory_space<vmem>>[vector<16xi32>], vector<16xi32>,
      %add3A_382 = arith.addi %gather3A, %gather3A : vector<16xi32>
      %ge3A = vector.broadcast %squeeze3A : i32 to vector<16xi32>
      %ge3A_383 = arith.cmpi sge, %gather3A, %ge3A : vector<16xi32>
      %jit3A_384 = arith.constant 0 : i32
      %broadcast_in_dim3A = vector.broadcast %squeeze3A_5 : i32 to vector<16xi32>
      %broadcast_in_dim3A_385 = vector.broadcast %jit3A_384 : i32 to vector<16xi32>
      %select_n3A_386 = arith.select %ge3A_383, %broadcast_in_dim3A, %broadcast_in_dim3A_385 : vector<16xi1>, vector<16xi32>
      %sub3A_387 = arith.subi %add3A_382, %select_n3A_386 : vector<16xi32>
      %swap3A = arith.index_cast %add3A_358 : i32 to index
      %swap3A_388 = arith.constant 0 : index
      %swap3A_389 = tpu.vector_load %arg8[%swap3A, %swap3A_388] {strides = array<i32>} : memref<200x128xi32, #tpu.memory_space<vmem>>, vector<16xi32>,
      tpu.vector_store %arg8[%swap3A, %swap3A_388], %sub3A_387 {strides = array<i32>} : memref<200x128xi32, #tpu.memory_space<vmem>>, vector<16xi32>,
      %add3A_390 = arith.addi %gather3A_363, %gather3A_363 : vector<16xi32>
      %ge3A_391 = vector.broadcast %squeeze3A : i32 to vector<16xi32>
      %ge3A_392 = arith.cmpi sge, %gather3A_363, %ge3A_391 : vector<16xi32>
      %jit3A_393 = arith.constant 0 : i32
      %broadcast_in_dim3A_394 = vector.broadcast %squeeze3A_5 : i32 to vector<16xi32>
      %broadcast_in_dim3A_395 = vector.broadcast %jit3A_393 : i32 to vector<16xi32>
      %select_n3A_396 = arith.select %ge3A_392, %broadcast_in_dim3A_394, %broadcast_in_dim3A_395 : vector<16xi1>, vector<16xi32>
      %sub3A_397 = arith.subi %add3A_390, %select_n3A_396 : vector<16xi32>
      %swap3A_398 = arith.index_cast %add3A_358 : i32 to index
      %swap3A_399 = arith.constant 16 : index
      %swap3A_400 = tpu.vector_load %arg8[%swap3A_398, %swap3A_399] {strides = array<i32>} : memref<200x128xi32, #tpu.memory_space<vmem>>, vector<16xi32>,
      tpu.vector_store %arg8[%swap3A_398, %swap3A_399], %sub3A_397 {strides = array<i32>} : memref<200x128xi32, #tpu.memory_space<vmem>>, vector<16xi32>,
      %add3A_401 = arith.addi %gather3A_366, %gather3A_366 : vector<16xi32>
      %ge3A_402 = vector.broadcast %squeeze3A : i32 to vector<16xi32>
      %ge3A_403 = arith.cmpi sge, %gather3A_366, %ge3A_402 : vector<16xi32>
      %jit3A_404 = arith.constant 0 : i32
      %broadcast_in_dim3A_405 = vector.broadcast %squeeze3A_5 : i32 to vector<16xi32>
      %broadcast_in_dim3A_406 = vector.broadcast %jit3A_404 : i32 to vector<16xi32>
      %select_n3A_407 = arith.select %ge3A_403, %broadcast_in_dim3A_405, %broadcast_in_dim3A_406 : vector<16xi1>, vector<16xi32>
      %sub3A_408 = arith.subi %add3A_401, %select_n3A_407 : vector<16xi32>
      %swap3A_409 = arith.index_cast %add3A_358 : i32 to index
      %swap3A_410 = arith.constant 32 : index
      %swap3A_411 = tpu.vector_load %arg8[%swap3A_409, %swap3A_410] {strides = array<i32>} : memref<200x128xi32, #tpu.memory_space<vmem>>, vector<16xi32>,
      tpu.vector_store %arg8[%swap3A_409, %swap3A_410], %sub3A_408 {strides = array<i32>} : memref<200x128xi32, #tpu.memory_space<vmem>>, vector<16xi32>,
      %add3A_412 = arith.addi %gather3A_369, %gather3A_369 : vector<16xi32>
      %ge3A_413 = vector.broadcast %squeeze3A : i32 to vector<16xi32>
      %ge3A_414 = arith.cmpi sge, %gather3A_369, %ge3A_413 : vector<16xi32>
      %jit3A_415 = arith.constant 0 : i32
      %broadcast_in_dim3A_416 = vector.broadcast %squeeze3A_5 : i32 to vector<16xi32>
      %broadcast_in_dim3A_417 = vector.broadcast %jit3A_415 : i32 to vector<16xi32>
      %select_n3A_418 = arith.select %ge3A_414, %broadcast_in_dim3A_416, %broadcast_in_dim3A_417 : vector<16xi1>, vector<16xi32>
      %sub3A_419 = arith.subi %add3A_412, %select_n3A_418 : vector<16xi32>
      %swap3A_420 = arith.index_cast %add3A_358 : i32 to index
      %swap3A_421 = arith.constant 48 : index
      %swap3A_422 = tpu.vector_load %arg8[%swap3A_420, %swap3A_421] {strides = array<i32>} : memref<200x128xi32, #tpu.memory_space<vmem>>, vector<16xi32>,
      tpu.vector_store %arg8[%swap3A_420, %swap3A_421], %sub3A_419 {strides = array<i32>} : memref<200x128xi32, #tpu.memory_space<vmem>>, vector<16xi32>,
      %add3A_423 = arith.addi %gather3A_372, %gather3A_372 : vector<16xi32>
      %ge3A_424 = vector.broadcast %squeeze3A : i32 to vector<16xi32>
      %ge3A_425 = arith.cmpi sge, %gather3A_372, %ge3A_424 : vector<16xi32>
      %jit3A_426 = arith.constant 0 : i32
      %broadcast_in_dim3A_427 = vector.broadcast %squeeze3A_5 : i32 to vector<16xi32>
      %broadcast_in_dim3A_428 = vector.broadcast %jit3A_426 : i32 to vector<16xi32>
      %select_n3A_429 = arith.select %ge3A_425, %broadcast_in_dim3A_427, %broadcast_in_dim3A_428 : vector<16xi1>, vector<16xi32>
      %sub3A_430 = arith.subi %add3A_423, %select_n3A_429 : vector<16xi32>
      %swap3A_431 = arith.index_cast %add3A_358 : i32 to index
      %swap3A_432 = arith.constant 64 : index
      %swap3A_433 = tpu.vector_load %arg8[%swap3A_431, %swap3A_432] {strides = array<i32>} : memref<200x128xi32, #tpu.memory_space<vmem>>, vector<16xi32>,
      tpu.vector_store %arg8[%swap3A_431, %swap3A_432], %sub3A_430 {strides = array<i32>} : memref<200x128xi32, #tpu.memory_space<vmem>>, vector<16xi32>,
      %add3A_434 = arith.addi %gather3A_375, %gather3A_375 : vector<16xi32>
      %ge3A_435 = vector.broadcast %squeeze3A : i32 to vector<16xi32>
      %ge3A_436 = arith.cmpi sge, %gather3A_375, %ge3A_435 : vector<16xi32>
      %jit3A_437 = arith.constant 0 : i32
      %broadcast_in_dim3A_438 = vector.broadcast %squeeze3A_5 : i32 to vector<16xi32>
      %broadcast_in_dim3A_439 = vector.broadcast %jit3A_437 : i32 to vector<16xi32>
      %select_n3A_440 = arith.select %ge3A_436, %broadcast_in_dim3A_438, %broadcast_in_dim3A_439 : vector<16xi1>, vector<16xi32>
      %sub3A_441 = arith.subi %add3A_434, %select_n3A_440 : vector<16xi32>
      %swap3A_442 = arith.index_cast %add3A_358 : i32 to index
      %swap3A_443 = arith.constant 80 : index
      %swap3A_444 = tpu.vector_load %arg8[%swap3A_442, %swap3A_443] {strides = array<i32>} : memref<200x128xi32, #tpu.memory_space<vmem>>, vector<16xi32>,
      tpu.vector_store %arg8[%swap3A_442, %swap3A_443], %sub3A_441 {strides = array<i32>} : memref<200x128xi32, #tpu.memory_space<vmem>>, vector<16xi32>,
      %add3A_445 = arith.addi %gather3A_378, %gather3A_378 : vector<16xi32>
      %ge3A_446 = vector.broadcast %squeeze3A : i32 to vector<16xi32>
      %ge3A_447 = arith.cmpi sge, %gather3A_378, %ge3A_446 : vector<16xi32>
      %jit3A_448 = arith.constant 0 : i32
      %broadcast_in_dim3A_449 = vector.broadcast %squeeze3A_5 : i32 to vector<16xi32>
      %broadcast_in_dim3A_450 = vector.broadcast %jit3A_448 : i32 to vector<16xi32>
      %select_n3A_451 = arith.select %ge3A_447, %broadcast_in_dim3A_449, %broadcast_in_dim3A_450 : vector<16xi1>, vector<16xi32>
      %sub3A_452 = arith.subi %add3A_445, %select_n3A_451 : vector<16xi32>
      %swap3A_453 = arith.index_cast %add3A_358 : i32 to index
      %swap3A_454 = arith.constant 96 : index
      %swap3A_455 = tpu.vector_load %arg8[%swap3A_453, %swap3A_454] {strides = array<i32>} : memref<200x128xi32, #tpu.memory_space<vmem>>, vector<16xi32>,
      tpu.vector_store %arg8[%swap3A_453, %swap3A_454], %sub3A_452 {strides = array<i32>} : memref<200x128xi32, #tpu.memory_space<vmem>>, vector<16xi32>,
      %add3A_456 = arith.addi %gather3A_381, %gather3A_381 : vector<16xi32>
      %ge3A_457 = vector.broadcast %squeeze3A : i32 to vector<16xi32>
      %ge3A_458 = arith.cmpi sge, %gather3A_381, %ge3A_457 : vector<16xi32>
      %jit3A_459 = arith.constant 0 : i32
      %broadcast_in_dim3A_460 = vector.broadcast %squeeze3A_5 : i32 to vector<16xi32>
      %broadcast_in_dim3A_461 = vector.broadcast %jit3A_459 : i32 to vector<16xi32>
      %select_n3A_462 = arith.select %ge3A_458, %broadcast_in_dim3A_460, %broadcast_in_dim3A_461 : vector<16xi1>, vector<16xi32>
      %sub3A_463 = arith.subi %add3A_456, %select_n3A_462 : vector<16xi32>
      %swap3A_464 = arith.index_cast %add3A_358 : i32 to index
      %swap3A_465 = arith.constant 112 : index
      %swap3A_466 = tpu.vector_load %arg8[%swap3A_464, %swap3A_465] {strides = array<i32>} : memref<200x128xi32, #tpu.memory_space<vmem>>, vector<16xi32>,
      tpu.vector_store %arg8[%swap3A_464, %swap3A_465], %sub3A_463 {strides = array<i32>} : memref<200x128xi32, #tpu.memory_space<vmem>>, vector<16xi32>,
    }
    %scan3A_62 = arith.constant 200 : i32
    %dma_start3A = arith.constant 0 : i32
    %dma_start3A_63 = arith.constant 0 : i32
    %dma_start3A_64 = arith.constant 0 : i32
    %dma_start3A_65 = arith.constant 0 : i32
    %dma_start3A_66 = tpu.memref_slice %arg9[%dma_start3A_63, %dma_start3A_64, %dma_start3A_65] : memref<2x128x64xf32, #tpu.memory_space<vmem>> -> memref<1x128x64xf32, #tpu.memory_space<vmem>>
    %dma_start3A_67 = tpu.memref_squeeze %dma_start3A_66 : memref<1x128x64xf32, #tpu.memory_space<vmem>> -> memref<128x64xf32, #tpu.memory_space<vmem>>
    %dma_start3A_68 = arith.constant 0 : i32
    %dma_start3A_69 = tpu.memref_slice %arg8[%dma_start3A, %dma_start3A_68] : memref<200x128xi32, #tpu.memory_space<vmem>> -> memref<1x128xi32, #tpu.memory_space<vmem>>
    %dma_start3A_70 = tpu.memref_squeeze %dma_start3A_69 : memref<1x128xi32, #tpu.memory_space<vmem>> -> memref<128xi32, #tpu.memory_space<vmem>>
    %dma_start3A_71 = arith.constant 0 : i32
    %dma_start3A_72 = arith.constant 0 : i32
    %dma_start3A_73 = tpu.memref_slice %arg2[%dma_start3A_71, %dma_start3A_72] : memref<100000x64xf32, #tpu.memory_space<hbm>> -> memref<100000x64xf32, #tpu.memory_space<hbm>>
    tpu.enqueue_indirect_dma source(%dma_start3A_73 : memref<100000x64xf32, #tpu.memory_space<hbm>>) target(%dma_start3A_67 : memref<128x64xf32, #tpu.memory_space<vmem>>) offsets(%dma_start3A_70 : memref<128xi32, #tpu.memory_space<vmem>>) semaphore(%arg11 : memref<!tpu.dma_semaphore, #tpu.memory_space<semaphore_mem>>)
    %add3A_74 = arith.constant 0 : i32
    %add3A_75 = vector.broadcast %add3A_74 : i32 to vector<16xi32>
    %add3A_76 = arith.addi %iota3A, %add3A_75 : vector<16xi32>
    %add3A_77 = arith.constant 16 : i32
    %add3A_78 = vector.broadcast %add3A_77 : i32 to vector<16xi32>
    %add3A_79 = arith.addi %iota3A, %add3A_78 : vector<16xi32>
    %add3A_80 = arith.constant 32 : i32
    %add3A_81 = vector.broadcast %add3A_80 : i32 to vector<16xi32>
    %add3A_82 = arith.addi %iota3A, %add3A_81 : vector<16xi32>
    %add3A_83 = arith.constant 48 : i32
    %add3A_84 = vector.broadcast %add3A_83 : i32 to vector<16xi32>
    %add3A_85 = arith.addi %iota3A, %add3A_84 : vector<16xi32>
    %jit3A = arith.constant 8 : i32
    %div3A = vector.broadcast %jit3A : i32 to vector<16xi32>
    %div3A_86 = arith.divsi %add3A_76, %div3A : vector<16xi32>
    %sign3A = arith.constant 0 : i32
    %sign3A_87 = vector.broadcast %sign3A : i32 to vector<16xi32>
    %sign3A_88 = arith.cmpi sgt, %add3A_76, %sign3A_87 : vector<16xi32>
    %sign3A_89 = arith.extui %sign3A_88 : vector<16xi1> to vector<16xi32>
    %sign3A_90 = arith.constant 0 : i32
    %sign3A_91 = vector.broadcast %sign3A_90 : i32 to vector<16xi32>
    %sign3A_92 = arith.cmpi slt, %add3A_76, %sign3A_91 : vector<16xi32>
    %sign3A_93 = arith.extui %sign3A_92 : vector<16xi1> to vector<16xi32>
    %sign3A_94 = arith.subi %sign3A_89, %sign3A_93 : vector<16xi32>
    %sign3A_95 = arith.constant 0 : i32
    %sign3A_96 = arith.cmpi sgt, %jit3A, %sign3A_95 : i32
    %sign3A_97 = arith.extui %sign3A_96 : i1 to i32
    %sign3A_98 = arith.constant 0 : i32
    %sign3A_99 = arith.cmpi slt, %jit3A, %sign3A_98 : i32
    %sign3A_100 = arith.extui %sign3A_99 : i1 to i32
    %sign3A_101 = arith.subi %sign3A_97, %sign3A_100 : i32
    %ne3A = vector.broadcast %sign3A_101 : i32 to vector<16xi32>
    %ne3A_102 = arith.cmpi ne, %sign3A_94, %ne3A : vector<16xi32>
    %rem3A = vector.broadcast %jit3A : i32 to vector<16xi32>
    %rem3A_103 = arith.remsi %add3A_76, %rem3A : vector<16xi32>
    %ne3A_104 = arith.constant 0 : i32
    %ne3A_105 = vector.broadcast %ne3A_104 : i32 to vector<16xi32>
    %ne3A_106 = arith.cmpi ne, %rem3A_103, %ne3A_105 : vector<16xi32>
    %and3A = arith.andi %ne3A_102, %ne3A_106 : vector<16xi1>
    %sub3A = arith.constant 1 : i32
    %sub3A_107 = vector.broadcast %sub3A : i32 to vector<16xi32>
    %sub3A_108 = arith.subi %div3A_86, %sub3A_107 : vector<16xi32>
    %select_n3A = arith.select %and3A, %sub3A_108, %div3A_86 : vector<16xi1>, vector<16xi32>
    %jit3A_109 = arith.constant 8 : i32
    %div3A_110 = vector.broadcast %jit3A_109 : i32 to vector<16xi32>
    %div3A_111 = arith.divsi %add3A_79, %div3A_110 : vector<16xi32>
    %sign3A_112 = arith.constant 0 : i32
    %sign3A_113 = vector.broadcast %sign3A_112 : i32 to vector<16xi32>
    %sign3A_114 = arith.cmpi sgt, %add3A_79, %sign3A_113 : vector<16xi32>
    %sign3A_115 = arith.extui %sign3A_114 : vector<16xi1> to vector<16xi32>
    %sign3A_116 = arith.constant 0 : i32
    %sign3A_117 = vector.broadcast %sign3A_116 : i32 to vector<16xi32>
    %sign3A_118 = arith.cmpi slt, %add3A_79, %sign3A_117 : vector<16xi32>
    %sign3A_119 = arith.extui %sign3A_118 : vector<16xi1> to vector<16xi32>
    %sign3A_120 = arith.subi %sign3A_115, %sign3A_119 : vector<16xi32>
    %sign3A_121 = arith.constant 0 : i32
    %sign3A_122 = arith.cmpi sgt, %jit3A_109, %sign3A_121 : i32
    %sign3A_123 = arith.extui %sign3A_122 : i1 to i32
    %sign3A_124 = arith.constant 0 : i32
    %sign3A_125 = arith.cmpi slt, %jit3A_109, %sign3A_124 : i32
    %sign3A_126 = arith.extui %sign3A_125 : i1 to i32
    %sign3A_127 = arith.subi %sign3A_123, %sign3A_126 : i32
    %ne3A_128 = vector.broadcast %sign3A_127 : i32 to vector<16xi32>
    %ne3A_129 = arith.cmpi ne, %sign3A_120, %ne3A_128 : vector<16xi32>
    %rem3A_130 = vector.broadcast %jit3A_109 : i32 to vector<16xi32>
    %rem3A_131 = arith.remsi %add3A_79, %rem3A_130 : vector<16xi32>
    %ne3A_132 = arith.constant 0 : i32
    %ne3A_133 = vector.broadcast %ne3A_132 : i32 to vector<16xi32>
    %ne3A_134 = arith.cmpi ne, %rem3A_131, %ne3A_133 : vector<16xi32>
    %and3A_135 = arith.andi %ne3A_129, %ne3A_134 : vector<16xi1>
    %sub3A_136 = arith.constant 1 : i32
    %sub3A_137 = vector.broadcast %sub3A_136 : i32 to vector<16xi32>
    %sub3A_138 = arith.subi %div3A_111, %sub3A_137 : vector<16xi32>
    %select_n3A_139 = arith.select %and3A_135, %sub3A_138, %div3A_111 : vector<16xi1>, vector<16xi32>
    %jit3A_140 = arith.constant 8 : i32
    %div3A_141 = vector.broadcast %jit3A_140 : i32 to vector<16xi32>
    %div3A_142 = arith.divsi %add3A_82, %div3A_141 : vector<16xi32>
    %sign3A_143 = arith.constant 0 : i32
    %sign3A_144 = vector.broadcast %sign3A_143 : i32 to vector<16xi32>
    %sign3A_145 = arith.cmpi sgt, %add3A_82, %sign3A_144 : vector<16xi32>
    %sign3A_146 = arith.extui %sign3A_145 : vector<16xi1> to vector<16xi32>
    %sign3A_147 = arith.constant 0 : i32
    %sign3A_148 = vector.broadcast %sign3A_147 : i32 to vector<16xi32>
    %sign3A_149 = arith.cmpi slt, %add3A_82, %sign3A_148 : vector<16xi32>
    %sign3A_150 = arith.extui %sign3A_149 : vector<16xi1> to vector<16xi32>
    %sign3A_151 = arith.subi %sign3A_146, %sign3A_150 : vector<16xi32>
    %sign3A_152 = arith.constant 0 : i32
    %sign3A_153 = arith.cmpi sgt, %jit3A_140, %sign3A_152 : i32
    %sign3A_154 = arith.extui %sign3A_153 : i1 to i32
    %sign3A_155 = arith.constant 0 : i32
    %sign3A_156 = arith.cmpi slt, %jit3A_140, %sign3A_155 : i32
    %sign3A_157 = arith.extui %sign3A_156 : i1 to i32
    %sign3A_158 = arith.subi %sign3A_154, %sign3A_157 : i32
    %ne3A_159 = vector.broadcast %sign3A_158 : i32 to vector<16xi32>
    %ne3A_160 = arith.cmpi ne, %sign3A_151, %ne3A_159 : vector<16xi32>
    %rem3A_161 = vector.broadcast %jit3A_140 : i32 to vector<16xi32>
    %rem3A_162 = arith.remsi %add3A_82, %rem3A_161 : vector<16xi32>
    %ne3A_163 = arith.constant 0 : i32
    %ne3A_164 = vector.broadcast %ne3A_163 : i32 to vector<16xi32>
    %ne3A_165 = arith.cmpi ne, %rem3A_162, %ne3A_164 : vector<16xi32>
    %and3A_166 = arith.andi %ne3A_160, %ne3A_165 : vector<16xi1>
    %sub3A_167 = arith.constant 1 : i32
    %sub3A_168 = vector.broadcast %sub3A_167 : i32 to vector<16xi32>
    %sub3A_169 = arith.subi %div3A_142, %sub3A_168 : vector<16xi32>
    %select_n3A_170 = arith.select %and3A_166, %sub3A_169, %div3A_142 : vector<16xi1>, vector<16xi32>
    %jit3A_171 = arith.constant 8 : i32
    %div3A_172 = vector.broadcast %jit3A_171 : i32 to vector<16xi32>
    %div3A_173 = arith.divsi %add3A_85, %div3A_172 : vector<16xi32>
    %sign3A_174 = arith.constant 0 : i32
    %sign3A_175 = vector.broadcast %sign3A_174 : i32 to vector<16xi32>
    %sign3A_176 = arith.cmpi sgt, %add3A_85, %sign3A_175 : vector<16xi32>
    %sign3A_177 = arith.extui %sign3A_176 : vector<16xi1> to vector<16xi32>
    %sign3A_178 = arith.constant 0 : i32
    %sign3A_179 = vector.broadcast %sign3A_178 : i32 to vector<16xi32>
    %sign3A_180 = arith.cmpi slt, %add3A_85, %sign3A_179 : vector<16xi32>
    %sign3A_181 = arith.extui %sign3A_180 : vector<16xi1> to vector<16xi32>
    %sign3A_182 = arith.subi %sign3A_177, %sign3A_181 : vector<16xi32>
    %sign3A_183 = arith.constant 0 : i32
    %sign3A_184 = arith.cmpi sgt, %jit3A_171, %sign3A_183 : i32
    %sign3A_185 = arith.extui %sign3A_184 : i1 to i32
    %sign3A_186 = arith.constant 0 : i32
    %sign3A_187 = arith.cmpi slt, %jit3A_171, %sign3A_186 : i32
    %sign3A_188 = arith.extui %sign3A_187 : i1 to i32
    %sign3A_189 = arith.subi %sign3A_185, %sign3A_188 : i32
    %ne3A_190 = vector.broadcast %sign3A_189 : i32 to vector<16xi32>
    %ne3A_191 = arith.cmpi ne, %sign3A_182, %ne3A_190 : vector<16xi32>
    %rem3A_192 = vector.broadcast %jit3A_171 : i32 to vector<16xi32>
    %rem3A_193 = arith.remsi %add3A_85, %rem3A_192 : vector<16xi32>
    %ne3A_194 = arith.constant 0 : i32
    %ne3A_195 = vector.broadcast %ne3A_194 : i32 to vector<16xi32>
    %ne3A_196 = arith.cmpi ne, %rem3A_193, %ne3A_195 : vector<16xi32>
    %and3A_197 = arith.andi %ne3A_191, %ne3A_196 : vector<16xi1>
    %sub3A_198 = arith.constant 1 : i32
    %sub3A_199 = vector.broadcast %sub3A_198 : i32 to vector<16xi32>
    %sub3A_200 = arith.subi %div3A_173, %sub3A_199 : vector<16xi32>
    %select_n3A_201 = arith.select %and3A_197, %sub3A_200, %div3A_173 : vector<16xi1>, vector<16xi32>
    %jit3A_202 = arith.constant 8 : i32
    %eq3A = arith.constant 0 : i32
    %eq3A_203 = arith.cmpi eq, %jit3A_202, %eq3A : i32
    %jit3A_204 = arith.constant 1 : i32
    %select_n3A_205 = arith.select %eq3A_203, %jit3A_204, %jit3A_202 : i32
    %rem3A_206 = vector.broadcast %select_n3A_205 : i32 to vector<16xi32>
    %rem3A_207 = arith.remsi %add3A_76, %rem3A_206 : vector<16xi32>
    %ne3A_208 = arith.constant 0 : i32
    %ne3A_209 = vector.broadcast %ne3A_208 : i32 to vector<16xi32>
    %ne3A_210 = arith.cmpi ne, %rem3A_207, %ne3A_209 : vector<16xi32>
    %lt3A = arith.constant 0 : i32
    %lt3A_211 = vector.broadcast %lt3A : i32 to vector<16xi32>
    %lt3A_212 = arith.cmpi slt, %rem3A_207, %lt3A_211 : vector<16xi32>
    %lt3A_213 = arith.constant 0 : i32
    %lt3A_214 = arith.cmpi slt, %select_n3A_205, %lt3A_213 : i32
    %ne3A_215 = vector.broadcast %lt3A_214 : i1 to vector<16xi1>
    %ne3A_216 = vector.broadcast %ne3A_215 : vector<16xi1> to vector<16xi1>
    %ne3A_217 = arith.xori %lt3A_212, %ne3A_216 : vector<16xi1>
    %and3A_218 = arith.andi %ne3A_217, %ne3A_210 : vector<16xi1>
    %add3A_219 = vector.broadcast %select_n3A_205 : i32 to vector<16xi32>
    %add3A_220 = arith.addi %rem3A_207, %add3A_219 : vector<16xi32>
    %select_n3A_221 = arith.select %and3A_218, %add3A_220, %rem3A_207 : vector<16xi1>, vector<16xi32>
    %jit3A_222 = arith.constant 8 : i32
    %eq3A_223 = arith.constant 0 : i32
    %eq3A_224 = arith.cmpi eq, %jit3A_222, %eq3A_223 : i32
    %jit3A_225 = arith.constant 1 : i32
    %select_n3A_226 = arith.select %eq3A_224, %jit3A_225, %jit3A_222 : i32
    %rem3A_227 = vector.broadcast %select_n3A_226 : i32 to vector<16xi32>
    %rem3A_228 = arith.remsi %add3A_79, %rem3A_227 : vector<16xi32>
    %ne3A_229 = arith.constant 0 : i32
    %ne3A_230 = vector.broadcast %ne3A_229 : i32 to vector<16xi32>
    %ne3A_231 = arith.cmpi ne, %rem3A_228, %ne3A_230 : vector<16xi32>
    %lt3A_232 = arith.constant 0 : i32
    %lt3A_233 = vector.broadcast %lt3A_232 : i32 to vector<16xi32>
    %lt3A_234 = arith.cmpi slt, %rem3A_228, %lt3A_233 : vector<16xi32>
    %lt3A_235 = arith.constant 0 : i32
    %lt3A_236 = arith.cmpi slt, %select_n3A_226, %lt3A_235 : i32
    %ne3A_237 = vector.broadcast %lt3A_236 : i1 to vector<16xi1>
    %ne3A_238 = vector.broadcast %ne3A_237 : vector<16xi1> to vector<16xi1>
    %ne3A_239 = arith.xori %lt3A_234, %ne3A_238 : vector<16xi1>
    %and3A_240 = arith.andi %ne3A_239, %ne3A_231 : vector<16xi1>
    %add3A_241 = vector.broadcast %select_n3A_226 : i32 to vector<16xi32>
    %add3A_242 = arith.addi %rem3A_228, %add3A_241 : vector<16xi32>
    %select_n3A_243 = arith.select %and3A_240, %add3A_242, %rem3A_228 : vector<16xi1>, vector<16xi32>
    %jit3A_244 = arith.constant 8 : i32
    %eq3A_245 = arith.constant 0 : i32
    %eq3A_246 = arith.cmpi eq, %jit3A_244, %eq3A_245 : i32
    %jit3A_247 = arith.constant 1 : i32
    %select_n3A_248 = arith.select %eq3A_246, %jit3A_247, %jit3A_244 : i32
    %rem3A_249 = vector.broadcast %select_n3A_248 : i32 to vector<16xi32>
    %rem3A_250 = arith.remsi %add3A_82, %rem3A_249 : vector<16xi32>
    %ne3A_251 = arith.constant 0 : i32
    %ne3A_252 = vector.broadcast %ne3A_251 : i32 to vector<16xi32>
    %ne3A_253 = arith.cmpi ne, %rem3A_250, %ne3A_252 : vector<16xi32>
    %lt3A_254 = arith.constant 0 : i32
    %lt3A_255 = vector.broadcast %lt3A_254 : i32 to vector<16xi32>
    %lt3A_256 = arith.cmpi slt, %rem3A_250, %lt3A_255 : vector<16xi32>
    %lt3A_257 = arith.constant 0 : i32
    %lt3A_258 = arith.cmpi slt, %select_n3A_248, %lt3A_257 : i32
    %ne3A_259 = vector.broadcast %lt3A_258 : i1 to vector<16xi1>
    %ne3A_260 = vector.broadcast %ne3A_259 : vector<16xi1> to vector<16xi1>
    %ne3A_261 = arith.xori %lt3A_256, %ne3A_260 : vector<16xi1>
    %and3A_262 = arith.andi %ne3A_261, %ne3A_253 : vector<16xi1>
    %add3A_263 = vector.broadcast %select_n3A_248 : i32 to vector<16xi32>
    %add3A_264 = arith.addi %rem3A_250, %add3A_263 : vector<16xi32>
    %select_n3A_265 = arith.select %and3A_262, %add3A_264, %rem3A_250 : vector<16xi1>, vector<16xi32>
    %jit3A_266 = arith.constant 8 : i32
    %eq3A_267 = arith.constant 0 : i32
    %eq3A_268 = arith.cmpi eq, %jit3A_266, %eq3A_267 : i32
    %jit3A_269 = arith.constant 1 : i32
    %select_n3A_270 = arith.select %eq3A_268, %jit3A_269, %jit3A_266 : i32
    %rem3A_271 = vector.broadcast %select_n3A_270 : i32 to vector<16xi32>
    %rem3A_272 = arith.remsi %add3A_85, %rem3A_271 : vector<16xi32>
    %ne3A_273 = arith.constant 0 : i32
    %ne3A_274 = vector.broadcast %ne3A_273 : i32 to vector<16xi32>
    %ne3A_275 = arith.cmpi ne, %rem3A_272, %ne3A_274 : vector<16xi32>
    %lt3A_276 = arith.constant 0 : i32
    %lt3A_277 = vector.broadcast %lt3A_276 : i32 to vector<16xi32>
    %lt3A_278 = arith.cmpi slt, %rem3A_272, %lt3A_277 : vector<16xi32>
    %lt3A_279 = arith.constant 0 : i32
    %lt3A_280 = arith.cmpi slt, %select_n3A_270, %lt3A_279 : i32
    %ne3A_281 = vector.broadcast %lt3A_280 : i1 to vector<16xi1>
    %ne3A_282 = vector.broadcast %ne3A_281 : vector<16xi1> to vector<16xi1>
    %ne3A_283 = arith.xori %lt3A_278, %ne3A_282 : vector<16xi1>
    %and3A_284 = arith.andi %ne3A_283, %ne3A_275 : vector<16xi1>
    %add3A_285 = vector.broadcast %select_n3A_270 : i32 to vector<16xi32>
    %add3A_286 = arith.addi %rem3A_272, %add3A_285 : vector<16xi32>
    %select_n3A_287 = arith.select %and3A_284, %add3A_286, %rem3A_272 : vector<16xi1>, vector<16xi32>
    %scan3A_288 = arith.constant 0 : i32
    %scan3A_289 = arith.constant 100 : i32
    %scan3A_290 = arith.addi %scan3A_288, %scan3A_289 : i32
    %scan3A_291 = arith.constant 1 : i32
    scf.for %scan3A_354 = %scan3A_288 to %scan3A_290 step %scan3A_291  : i32 {
      %mul3A_355 = arith.constant 2 : i32
      %mul3A_356 = arith.muli %scan3A_354, %mul3A_355 : i32
      %add3A_357 = arith.constant 0 : i32
      %add3A_358 = arith.addi %add3A_357, %mul3A_356 : i32
      %add3A_359 = arith.constant 0 : i32
      %add3A_360 = arith.addi %add3A_358, %add3A_359 : i32
      %dma_wait3A_361 = arith.constant 0 : i32
      %dma_wait3A_362 = arith.constant 0 : i32
      %dma_wait3A_363 = arith.constant 0 : i32
      %dma_wait3A_364 = arith.constant 0 : i32
      %dma_wait3A_365 = tpu.memref_slice %arg9[%dma_wait3A_362, %dma_wait3A_363, %dma_wait3A_364] : memref<2x128x64xf32, #tpu.memory_space<vmem>> -> memref<1x128x64xf32, #tpu.memory_space<vmem>>
      %dma_wait3A_366 = tpu.memref_squeeze %dma_wait3A_365 : memref<1x128x64xf32, #tpu.memory_space<vmem>> -> memref<128x64xf32, #tpu.memory_space<vmem>>
      %dma_wait3A_367 = arith.constant 0 : i32
      %dma_wait3A_368 = tpu.memref_slice %arg8[%dma_wait3A_361, %dma_wait3A_367] : memref<200x128xi32, #tpu.memory_space<vmem>> -> memref<1x128xi32, #tpu.memory_space<vmem>>
      %dma_wait3A_369 = tpu.memref_squeeze %dma_wait3A_368 : memref<1x128xi32, #tpu.memory_space<vmem>> -> memref<128xi32, #tpu.memory_space<vmem>>
      %dma_wait3A_370 = arith.constant 0 : i32
      %dma_wait3A_371 = arith.constant 0 : i32
      %dma_wait3A_372 = tpu.memref_slice %arg2[%dma_wait3A_370, %dma_wait3A_371] : memref<100000x64xf32, #tpu.memory_space<hbm>> -> memref<100000x64xf32, #tpu.memory_space<hbm>>
      tpu.wait_indirect_dma semaphore(%arg11 : memref<!tpu.dma_semaphore, #tpu.memory_space<semaphore_mem>>) src(%dma_wait3A_372 : memref<100000x64xf32, #tpu.memory_space<hbm>>) dst(%dma_wait3A_366 : memref<128x64xf32, #tpu.memory_space<vmem>>)
      %add3A_373 = arith.constant 1 : i32
      %add3A_374 = arith.addi %add3A_360, %add3A_373 : i32
      %lt3A_375 = arith.constant 200 : i32
      %lt3A_376 = arith.cmpi slt, %add3A_374, %lt3A_375 : i32
      %convert_element_type3A = arith.extui %lt3A_376 : i1 to i32
      %cond3A = arith.constant 0 : i32
      %cond3A_377 = arith.cmpi ne, %convert_element_type3A, %cond3A : i32
      scf.if %cond3A_377 {
        %add3A_476 = arith.constant 1 : i32
        %add3A_477 = arith.addi %add3A_360, %add3A_476 : i32
        %dma_start3A_478 = arith.constant 1 : i32
        %dma_start3A_479 = arith.constant 0 : i32
        %dma_start3A_480 = arith.constant 0 : i32
        %dma_start3A_481 = tpu.memref_slice %arg9[%dma_start3A_478, %dma_start3A_479, %dma_start3A_480] : memref<2x128x64xf32, #tpu.memory_space<vmem>> -> memref<1x128x64xf32, #tpu.memory_space<vmem>>
        %dma_start3A_482 = tpu.memref_squeeze %dma_start3A_481 : memref<1x128x64xf32, #tpu.memory_space<vmem>> -> memref<128x64xf32, #tpu.memory_space<vmem>>
        %dma_start3A_483 = arith.constant 0 : i32
        %dma_start3A_484 = tpu.memref_slice %arg8[%add3A_477, %dma_start3A_483] : memref<200x128xi32, #tpu.memory_space<vmem>> -> memref<1x128xi32, #tpu.memory_space<vmem>>
        %dma_start3A_485 = tpu.memref_squeeze %dma_start3A_484 : memref<1x128xi32, #tpu.memory_space<vmem>> -> memref<128xi32, #tpu.memory_space<vmem>>
        %dma_start3A_486 = arith.constant 0 : i32
        %dma_start3A_487 = arith.constant 0 : i32
        %dma_start3A_488 = tpu.memref_slice %arg2[%dma_start3A_486, %dma_start3A_487] : memref<100000x64xf32, #tpu.memory_space<hbm>> -> memref<100000x64xf32, #tpu.memory_space<hbm>>
        tpu.enqueue_indirect_dma source(%dma_start3A_488 : memref<100000x64xf32, #tpu.memory_space<hbm>>) target(%dma_start3A_482 : memref<128x64xf32, #tpu.memory_space<vmem>>) offsets(%dma_start3A_485 : memref<128xi32, #tpu.memory_space<vmem>>) semaphore(%arg11 : memref<!tpu.dma_semaphore, #tpu.memory_space<semaphore_mem>>)
      } else {
      }
      %ge3A = arith.constant 2 : i32
      %ge3A_378 = arith.cmpi sge, %add3A_360, %ge3A : i32
      %convert_element_type3A_379 = arith.extui %ge3A_378 : i1 to i32
      %cond3A_380 = arith.constant 0 : i32
      %cond3A_381 = arith.cmpi ne, %convert_element_type3A_379, %cond3A_380 : i32
      scf.if %cond3A_381 {
        %dma_wait3A_476 = arith.constant 0 : i32
        %dma_wait3A_477 = arith.constant 0 : i32
        %dma_wait3A_478 = arith.constant 0 : i32
        %dma_wait3A_479 = arith.constant 0 : i32
        %dma_wait3A_480 = arith.constant 0 : i32
        %dma_wait3A_481 = arith.constant 0 : i32
        %dma_wait3A_482 = tpu.memref_slice %arg10[%dma_wait3A_476, %dma_wait3A_479, %dma_wait3A_480, %dma_wait3A_481] : memref<2x8x8x129xf32, #tpu.memory_space<vmem>> -> memref<1x8x8x129xf32, #tpu.memory_space<vmem>>
        %dma_wait3A_483 = tpu.memref_squeeze %dma_wait3A_482 : memref<1x8x8x129xf32, #tpu.memory_space<vmem>> -> memref<8x8x129xf32, #tpu.memory_space<vmem>>
        %dma_wait3A_484 = arith.constant 0 : i32
        %dma_wait3A_485 = arith.constant 0 : i32
        %dma_wait3A_486 = arith.constant 0 : i32
        %dma_wait3A_487 = tpu.memref_slice %dma_wait3A_483[%dma_wait3A_484, %dma_wait3A_485, %dma_wait3A_486] : memref<8x8x129xf32, #tpu.memory_space<vmem>> -> memref<8x8x128xf32, #tpu.memory_space<vmem>>
        %dma_wait3A_488 = arith.constant 0 : i32
        %dma_wait3A_489 = arith.constant 0 : i32
        %dma_wait3A_490 = arith.constant 0 : i32
        %dma_wait3A_491 = tpu.memref_slice %arg6[%dma_wait3A_477, %dma_wait3A_488, %dma_wait3A_478, %dma_wait3A_489, %dma_wait3A_490] : memref<200x8x32x8x128xf32, #tpu.memory_space<hbm>> -> memref<1x8x1x8x128xf32, #tpu.memory_space<hbm>>
        %dma_wait3A_492 = tpu.memref_squeeze %dma_wait3A_491 : memref<1x8x1x8x128xf32, #tpu.memory_space<hbm>> -> memref<8x8x128xf32, #tpu.memory_space<hbm>>
        %dma_wait3A_493 = arith.constant 0 : i32
        %dma_wait3A_494 = arith.constant 0 : i32
        %dma_wait3A_495 = arith.constant 0 : i32
        %dma_wait3A_496 = tpu.memref_slice %arg6[%dma_wait3A_477, %dma_wait3A_493, %dma_wait3A_478, %dma_wait3A_494, %dma_wait3A_495] : memref<200x8x32x8x128xf32, #tpu.memory_space<hbm>> -> memref<1x8x1x8x128xf32, #tpu.memory_space<hbm>>
        %dma_wait3A_497 = tpu.memref_squeeze %dma_wait3A_496 : memref<1x8x1x8x128xf32, #tpu.memory_space<hbm>> -> memref<8x8x128xf32, #tpu.memory_space<hbm>>
        %dma_wait3A_498 = arith.constant 0 : i32
        %dma_wait3A_499 = arith.constant 0 : i32
        %dma_wait3A_500 = arith.constant 0 : i32
        %dma_wait3A_501 = tpu.memref_slice %arg10[%dma_wait3A_476, %dma_wait3A_498, %dma_wait3A_499, %dma_wait3A_500] : memref<2x8x8x129xf32, #tpu.memory_space<vmem>> -> memref<1x8x8x129xf32, #tpu.memory_space<vmem>>
        %dma_wait3A_502 = tpu.memref_squeeze %dma_wait3A_501 : memref<1x8x8x129xf32, #tpu.memory_space<vmem>> -> memref<8x8x129xf32, #tpu.memory_space<vmem>>
        %dma_wait3A_503 = arith.constant 0 : i32
        %dma_wait3A_504 = arith.constant 0 : i32
        %dma_wait3A_505 = arith.constant 0 : i32
        %dma_wait3A_506 = tpu.memref_slice %dma_wait3A_502[%dma_wait3A_503, %dma_wait3A_504, %dma_wait3A_505] : memref<8x8x129xf32, #tpu.memory_space<vmem>> -> memref<8x8x128xf32, #tpu.memory_space<vmem>>
        tpu.wait_dma2 semaphore(%arg12 : memref<!tpu.dma_semaphore, #tpu.memory_space<semaphore_mem>>) src(%dma_wait3A_506 : memref<8x8x128xf32, #tpu.memory_space<vmem>>) dst(%dma_wait3A_497 : memref<8x8x128xf32, #tpu.memory_space<hbm>>)
      } else {
      }
      %scan3A_382 = arith.constant 0 : i32
      %scan3A_383 = arith.constant 16 : i32
      %scan3A_384 = arith.addi %scan3A_382, %scan3A_383 : i32
      %scan3A_385 = arith.constant 1 : i32
      scf.for %scan3A_476 = %scan3A_382 to %scan3A_384 step %scan3A_385  : i32 {
        %mul3A_477 = arith.constant 8 : i32
        %mul3A_478 = arith.muli %scan3A_476, %mul3A_477 : i32
        %add3A_479 = arith.constant 0 : i32
        %add3A_480 = arith.addi %add3A_479, %mul3A_478 : i32
        %add3A_481 = arith.constant 0 : i32
        %add3A_482 = arith.addi %add3A_480, %add3A_481 : i32
        %get3A_483 = arith.constant 0 : i32
        %get3A_484 = arith.index_cast %get3A_483 : i32 to index
        %get3A_485 = arith.index_cast %add3A_482 : i32 to index
        %get3A_486 = arith.constant 0 : index
        %get3A_487 = tpu.vector_load %arg9[%get3A_484, %get3A_485, %get3A_486] {strides = array<i32>} : memref<2x128x64xf32, #tpu.memory_space<vmem>>, vector<16xf32>,
        %add3A_488 = arith.constant 0 : i32
        %add3A_489 = arith.addi %add3A_480, %add3A_488 : i32
        %get3A_490 = arith.constant 0 : i32
        %get3A_491 = arith.index_cast %get3A_490 : i32 to index
        %get3A_492 = arith.index_cast %add3A_489 : i32 to index
        %get3A_493 = arith.constant 16 : index
        %get3A_494 = tpu.vector_load %arg9[%get3A_491, %get3A_492, %get3A_493] {strides = array<i32>} : memref<2x128x64xf32, #tpu.memory_space<vmem>>, vector<16xf32>,
        %add3A_495 = arith.constant 0 : i32
        %add3A_496 = arith.addi %add3A_480, %add3A_495 : i32
        %get3A_497 = arith.constant 0 : i32
        %get3A_498 = arith.index_cast %get3A_497 : i32 to index
        %get3A_499 = arith.index_cast %add3A_496 : i32 to index
        %get3A_500 = arith.constant 32 : index
        %get3A_501 = tpu.vector_load %arg9[%get3A_498, %get3A_499, %get3A_500] {strides = array<i32>} : memref<2x128x64xf32, #tpu.memory_space<vmem>>, vector<16xf32>,
        %add3A_502 = arith.constant 0 : i32
        %add3A_503 = arith.addi %add3A_480, %add3A_502 : i32
        %get3A_504 = arith.constant 0 : i32
        %get3A_505 = arith.index_cast %get3A_504 : i32 to index
        %get3A_506 = arith.index_cast %add3A_503 : i32 to index
        %get3A_507 = arith.constant 48 : index
        %get3A_508 = tpu.vector_load %arg9[%get3A_505, %get3A_506, %get3A_507] {strides = array<i32>} : memref<2x128x64xf32, #tpu.memory_space<vmem>>, vector<16xf32>,
        %add3A_509 = arith.constant 1 : i32
        %add3A_510 = arith.addi %add3A_480, %add3A_509 : i32
        %get3A_511 = arith.constant 0 : i32
        %get3A_512 = arith.index_cast %get3A_511 : i32 to index
        %get3A_513 = arith.index_cast %add3A_510 : i32 to index
        %get3A_514 = arith.constant 0 : index
        %get3A_515 = tpu.vector_load %arg9[%get3A_512, %get3A_513, %get3A_514] {strides = array<i32>} : memref<2x128x64xf32, #tpu.memory_space<vmem>>, vector<16xf32>,
        %add3A_516 = arith.constant 1 : i32
        %add3A_517 = arith.addi %add3A_480, %add3A_516 : i32
        %get3A_518 = arith.constant 0 : i32
        %get3A_519 = arith.index_cast %get3A_518 : i32 to index
        %get3A_520 = arith.index_cast %add3A_517 : i32 to index
        %get3A_521 = arith.constant 16 : index
        %get3A_522 = tpu.vector_load %arg9[%get3A_519, %get3A_520, %get3A_521] {strides = array<i32>} : memref<2x128x64xf32, #tpu.memory_space<vmem>>, vector<16xf32>,
        %add3A_523 = arith.constant 1 : i32
        %add3A_524 = arith.addi %add3A_480, %add3A_523 : i32
        %get3A_525 = arith.constant 0 : i32
        %get3A_526 = arith.index_cast %get3A_525 : i32 to index
        %get3A_527 = arith.index_cast %add3A_524 : i32 to index
        %get3A_528 = arith.constant 32 : index
        %get3A_529 = tpu.vector_load %arg9[%get3A_526, %get3A_527, %get3A_528] {strides = array<i32>} : memref<2x128x64xf32, #tpu.memory_space<vmem>>, vector<16xf32>,
        %add3A_530 = arith.constant 1 : i32
        %add3A_531 = arith.addi %add3A_480, %add3A_530 : i32
        %get3A_532 = arith.constant 0 : i32
        %get3A_533 = arith.index_cast %get3A_532 : i32 to index
        %get3A_534 = arith.index_cast %add3A_531 : i32 to index
        %get3A_535 = arith.constant 48 : index
        %get3A_536 = tpu.vector_load %arg9[%get3A_533, %get3A_534, %get3A_535] {strides = array<i32>} : memref<2x128x64xf32, #tpu.memory_space<vmem>>, vector<16xf32>,
        %add3A_537 = arith.constant 2 : i32
        %add3A_538 = arith.addi %add3A_480, %add3A_537 : i32
        %get3A_539 = arith.constant 0 : i32
        %get3A_540 = arith.index_cast %get3A_539 : i32 to index
        %get3A_541 = arith.index_cast %add3A_538 : i32 to index
        %get3A_542 = arith.constant 0 : index
        %get3A_543 = tpu.vector_load %arg9[%get3A_540, %get3A_541, %get3A_542] {strides = array<i32>} : memref<2x128x64xf32, #tpu.memory_space<vmem>>, vector<16xf32>,
        %add3A_544 = arith.constant 2 : i32
        %add3A_545 = arith.addi %add3A_480, %add3A_544 : i32
        %get3A_546 = arith.constant 0 : i32
        %get3A_547 = arith.index_cast %get3A_546 : i32 to index
        %get3A_548 = arith.index_cast %add3A_545 : i32 to index
        %get3A_549 = arith.constant 16 : index
        %get3A_550 = tpu.vector_load %arg9[%get3A_547, %get3A_548, %get3A_549] {strides = array<i32>} : memref<2x128x64xf32, #tpu.memory_space<vmem>>, vector<16xf32>,
        %add3A_551 = arith.constant 2 : i32
        %add3A_552 = arith.addi %add3A_480, %add3A_551 : i32
        %get3A_553 = arith.constant 0 : i32
        %get3A_554 = arith.index_cast %get3A_553 : i32 to index
        %get3A_555 = arith.index_cast %add3A_552 : i32 to index
        %get3A_556 = arith.constant 32 : index
        %get3A_557 = tpu.vector_load %arg9[%get3A_554, %get3A_555, %get3A_556] {strides = array<i32>} : memref<2x128x64xf32, #tpu.memory_space<vmem>>, vector<16xf32>,
        %add3A_558 = arith.constant 2 : i32
        %add3A_559 = arith.addi %add3A_480, %add3A_558 : i32
        %get3A_560 = arith.constant 0 : i32
        %get3A_561 = arith.index_cast %get3A_560 : i32 to index
        %get3A_562 = arith.index_cast %add3A_559 : i32 to index
        %get3A_563 = arith.constant 48 : index
        %get3A_564 = tpu.vector_load %arg9[%get3A_561, %get3A_562, %get3A_563] {strides = array<i32>} : memref<2x128x64xf32, #tpu.memory_space<vmem>>, vector<16xf32>,
        %add3A_565 = arith.constant 3 : i32
        %add3A_566 = arith.addi %add3A_480, %add3A_565 : i32
        %get3A_567 = arith.constant 0 : i32
        %get3A_568 = arith.index_cast %get3A_567 : i32 to index
        %get3A_569 = arith.index_cast %add3A_566 : i32 to index
        %get3A_570 = arith.constant 0 : index
        %get3A_571 = tpu.vector_load %arg9[%get3A_568, %get3A_569, %get3A_570] {strides = array<i32>} : memref<2x128x64xf32, #tpu.memory_space<vmem>>, vector<16xf32>,
        %add3A_572 = arith.constant 3 : i32
        %add3A_573 = arith.addi %add3A_480, %add3A_572 : i32
        %get3A_574 = arith.constant 0 : i32
        %get3A_575 = arith.index_cast %get3A_574 : i32 to index
        %get3A_576 = arith.index_cast %add3A_573 : i32 to index
        %get3A_577 = arith.constant 16 : index
        %get3A_578 = tpu.vector_load %arg9[%get3A_575, %get3A_576, %get3A_577] {strides = array<i32>} : memref<2x128x64xf32, #tpu.memory_space<vmem>>, vector<16xf32>,
        %add3A_579 = arith.constant 3 : i32
        %add3A_580 = arith.addi %add3A_480, %add3A_579 : i32
        %get3A_581 = arith.constant 0 : i32
        %get3A_582 = arith.index_cast %get3A_581 : i32 to index
        %get3A_583 = arith.index_cast %add3A_580 : i32 to index
        %get3A_584 = arith.constant 32 : index
        %get3A_585 = tpu.vector_load %arg9[%get3A_582, %get3A_583, %get3A_584] {strides = array<i32>} : memref<2x128x64xf32, #tpu.memory_space<vmem>>, vector<16xf32>,
        %add3A_586 = arith.constant 3 : i32
        %add3A_587 = arith.addi %add3A_480, %add3A_586 : i32
        %get3A_588 = arith.constant 0 : i32
        %get3A_589 = arith.index_cast %get3A_588 : i32 to index
        %get3A_590 = arith.index_cast %add3A_587 : i32 to index
        %get3A_591 = arith.constant 48 : index
        %get3A_592 = tpu.vector_load %arg9[%get3A_589, %get3A_590, %get3A_591] {strides = array<i32>} : memref<2x128x64xf32, #tpu.memory_space<vmem>>, vector<16xf32>,
        %add3A_593 = arith.constant 4 : i32
        %add3A_594 = arith.addi %add3A_480, %add3A_593 : i32
        %get3A_595 = arith.constant 0 : i32
        %get3A_596 = arith.index_cast %get3A_595 : i32 to index
        %get3A_597 = arith.index_cast %add3A_594 : i32 to index
        %get3A_598 = arith.constant 0 : index
        %get3A_599 = tpu.vector_load %arg9[%get3A_596, %get3A_597, %get3A_598] {strides = array<i32>} : memref<2x128x64xf32, #tpu.memory_space<vmem>>, vector<16xf32>,
        %add3A_600 = arith.constant 4 : i32
        %add3A_601 = arith.addi %add3A_480, %add3A_600 : i32
        %get3A_602 = arith.constant 0 : i32
        %get3A_603 = arith.index_cast %get3A_602 : i32 to index
        %get3A_604 = arith.index_cast %add3A_601 : i32 to index
        %get3A_605 = arith.constant 16 : index
        %get3A_606 = tpu.vector_load %arg9[%get3A_603, %get3A_604, %get3A_605] {strides = array<i32>} : memref<2x128x64xf32, #tpu.memory_space<vmem>>, vector<16xf32>,
        %add3A_607 = arith.constant 4 : i32
        %add3A_608 = arith.addi %add3A_480, %add3A_607 : i32
        %get3A_609 = arith.constant 0 : i32
        %get3A_610 = arith.index_cast %get3A_609 : i32 to index
        %get3A_611 = arith.index_cast %add3A_608 : i32 to index
        %get3A_612 = arith.constant 32 : index
        %get3A_613 = tpu.vector_load %arg9[%get3A_610, %get3A_611, %get3A_612] {strides = array<i32>} : memref<2x128x64xf32, #tpu.memory_space<vmem>>, vector<16xf32>,
        %add3A_614 = arith.constant 4 : i32
        %add3A_615 = arith.addi %add3A_480, %add3A_614 : i32
        %get3A_616 = arith.constant 0 : i32
        %get3A_617 = arith.index_cast %get3A_616 : i32 to index
        %get3A_618 = arith.index_cast %add3A_615 : i32 to index
        %get3A_619 = arith.constant 48 : index
        %get3A_620 = tpu.vector_load %arg9[%get3A_617, %get3A_618, %get3A_619] {strides = array<i32>} : memref<2x128x64xf32, #tpu.memory_space<vmem>>, vector<16xf32>,
        %add3A_621 = arith.constant 5 : i32
        %add3A_622 = arith.addi %add3A_480, %add3A_621 : i32
        %get3A_623 = arith.constant 0 : i32
        %get3A_624 = arith.index_cast %get3A_623 : i32 to index
        %get3A_625 = arith.index_cast %add3A_622 : i32 to index
        %get3A_626 = arith.constant 0 : index
        %get3A_627 = tpu.vector_load %arg9[%get3A_624, %get3A_625, %get3A_626] {strides = array<i32>} : memref<2x128x64xf32, #tpu.memory_space<vmem>>, vector<16xf32>,
        %add3A_628 = arith.constant 5 : i32
        %add3A_629 = arith.addi %add3A_480, %add3A_628 : i32
        %get3A_630 = arith.constant 0 : i32
        %get3A_631 = arith.index_cast %get3A_630 : i32 to index
        %get3A_632 = arith.index_cast %add3A_629 : i32 to index
        %get3A_633 = arith.constant 16 : index
        %get3A_634 = tpu.vector_load %arg9[%get3A_631, %get3A_632, %get3A_633] {strides = array<i32>} : memref<2x128x64xf32, #tpu.memory_space<vmem>>, vector<16xf32>,
        %add3A_635 = arith.constant 5 : i32
        %add3A_636 = arith.addi %add3A_480, %add3A_635 : i32
        %get3A_637 = arith.constant 0 : i32
        %get3A_638 = arith.index_cast %get3A_637 : i32 to index
        %get3A_639 = arith.index_cast %add3A_636 : i32 to index
        %get3A_640 = arith.constant 32 : index
        %get3A_641 = tpu.vector_load %arg9[%get3A_638, %get3A_639, %get3A_640] {strides = array<i32>} : memref<2x128x64xf32, #tpu.memory_space<vmem>>, vector<16xf32>,
        %add3A_642 = arith.constant 5 : i32
        %add3A_643 = arith.addi %add3A_480, %add3A_642 : i32
        %get3A_644 = arith.constant 0 : i32
        %get3A_645 = arith.index_cast %get3A_644 : i32 to index
        %get3A_646 = arith.index_cast %add3A_643 : i32 to index
        %get3A_647 = arith.constant 48 : index
        %get3A_648 = tpu.vector_load %arg9[%get3A_645, %get3A_646, %get3A_647] {strides = array<i32>} : memref<2x128x64xf32, #tpu.memory_space<vmem>>, vector<16xf32>,
        %add3A_649 = arith.constant 6 : i32
        %add3A_650 = arith.addi %add3A_480, %add3A_649 : i32
        %get3A_651 = arith.constant 0 : i32
        %get3A_652 = arith.index_cast %get3A_651 : i32 to index
        %get3A_653 = arith.index_cast %add3A_650 : i32 to index
        %get3A_654 = arith.constant 0 : index
        %get3A_655 = tpu.vector_load %arg9[%get3A_652, %get3A_653, %get3A_654] {strides = array<i32>} : memref<2x128x64xf32, #tpu.memory_space<vmem>>, vector<16xf32>,
        %add3A_656 = arith.constant 6 : i32
        %add3A_657 = arith.addi %add3A_480, %add3A_656 : i32
        %get3A_658 = arith.constant 0 : i32
        %get3A_659 = arith.index_cast %get3A_658 : i32 to index
        %get3A_660 = arith.index_cast %add3A_657 : i32 to index
        %get3A_661 = arith.constant 16 : index
        %get3A_662 = tpu.vector_load %arg9[%get3A_659, %get3A_660, %get3A_661] {strides = array<i32>} : memref<2x128x64xf32, #tpu.memory_space<vmem>>, vector<16xf32>,
        %add3A_663 = arith.constant 6 : i32
        %add3A_664 = arith.addi %add3A_480, %add3A_663 : i32
        %get3A_665 = arith.constant 0 : i32
        %get3A_666 = arith.index_cast %get3A_665 : i32 to index
        %get3A_667 = arith.index_cast %add3A_664 : i32 to index
        %get3A_668 = arith.constant 32 : index
        %get3A_669 = tpu.vector_load %arg9[%get3A_666, %get3A_667, %get3A_668] {strides = array<i32>} : memref<2x128x64xf32, #tpu.memory_space<vmem>>, vector<16xf32>,
        %add3A_670 = arith.constant 6 : i32
        %add3A_671 = arith.addi %add3A_480, %add3A_670 : i32
        %get3A_672 = arith.constant 0 : i32
        %get3A_673 = arith.index_cast %get3A_672 : i32 to index
        %get3A_674 = arith.index_cast %add3A_671 : i32 to index
        %get3A_675 = arith.constant 48 : index
        %get3A_676 = tpu.vector_load %arg9[%get3A_673, %get3A_674, %get3A_675] {strides = array<i32>} : memref<2x128x64xf32, #tpu.memory_space<vmem>>, vector<16xf32>,
        %add3A_677 = arith.constant 7 : i32
        %add3A_678 = arith.addi %add3A_480, %add3A_677 : i32
        %get3A_679 = arith.constant 0 : i32
        %get3A_680 = arith.index_cast %get3A_679 : i32 to index
        %get3A_681 = arith.index_cast %add3A_678 : i32 to index
        %get3A_682 = arith.constant 0 : index
        %get3A_683 = tpu.vector_load %arg9[%get3A_680, %get3A_681, %get3A_682] {strides = array<i32>} : memref<2x128x64xf32, #tpu.memory_space<vmem>>, vector<16xf32>,
        %add3A_684 = arith.constant 7 : i32
        %add3A_685 = arith.addi %add3A_480, %add3A_684 : i32
        %get3A_686 = arith.constant 0 : i32
        %get3A_687 = arith.index_cast %get3A_686 : i32 to index
        %get3A_688 = arith.index_cast %add3A_685 : i32 to index
        %get3A_689 = arith.constant 16 : index
        %get3A_690 = tpu.vector_load %arg9[%get3A_687, %get3A_688, %get3A_689] {strides = array<i32>} : memref<2x128x64xf32, #tpu.memory_space<vmem>>, vector<16xf32>,
        %add3A_691 = arith.constant 7 : i32
        %add3A_692 = arith.addi %add3A_480, %add3A_691 : i32
        %get3A_693 = arith.constant 0 : i32
        %get3A_694 = arith.index_cast %get3A_693 : i32 to index
        %get3A_695 = arith.index_cast %add3A_692 : i32 to index
        %get3A_696 = arith.constant 32 : index
        %get3A_697 = tpu.vector_load %arg9[%get3A_694, %get3A_695, %get3A_696] {strides = array<i32>} : memref<2x128x64xf32, #tpu.memory_space<vmem>>, vector<16xf32>,
        %add3A_698 = arith.constant 7 : i32
        %add3A_699 = arith.addi %add3A_480, %add3A_698 : i32
        %get3A_700 = arith.constant 0 : i32
        %get3A_701 = arith.index_cast %get3A_700 : i32 to index
        %get3A_702 = arith.index_cast %add3A_699 : i32 to index
        %get3A_703 = arith.constant 48 : index
        %get3A_704 = tpu.vector_load %arg9[%get3A_701, %get3A_702, %get3A_703] {strides = array<i32>} : memref<2x128x64xf32, #tpu.memory_space<vmem>>, vector<16xf32>,
        %add3A_705 = arith.constant 0 : i32
        %add3A_706 = arith.addi %add3A_480, %add3A_705 : i32
        %broadcast_in_dim3A = vector.broadcast %add3A_706 : i32 to vector<16xi32>
        %scatter3A = arith.constant 0 : i32
        %scatter3A_707 = arith.constant 0 : i32
        %scatter3A_708 = arith.constant 0 : i32
        %scatter3A_709 = arith.constant 0 : i32
        %scatter3A_710 = tpu.memref_slice %arg10[%scatter3A, %scatter3A_707, %scatter3A_708, %scatter3A_709] : memref<2x8x8x129xf32, #tpu.memory_space<vmem>> -> memref<1x8x8x129xf32, #tpu.memory_space<vmem>>
        %scatter3A_711 = tpu.memref_squeeze %scatter3A_710 : memref<1x8x8x129xf32, #tpu.memory_space<vmem>> -> memref<8x8x129xf32, #tpu.memory_space<vmem>>
        tpu.vector_store_idx %scatter3A_711[%select_n3A, %select_n3A_221, %broadcast_in_dim3A], %get3A_487 : memref<8x8x129xf32, #tpu.memory_space<vmem>>[vector<16xi32>, vector<16xi32>, vector<16xi32>], vector<16xf32>,
        %scatter3A_712 = arith.constant 0 : i32
        %scatter3A_713 = arith.constant 0 : i32
        %scatter3A_714 = arith.constant 0 : i32
        %scatter3A_715 = arith.constant 0 : i32
        %scatter3A_716 = tpu.memref_slice %arg10[%scatter3A_712, %scatter3A_713, %scatter3A_714, %scatter3A_715] : memref<2x8x8x129xf32, #tpu.memory_space<vmem>> -> memref<1x8x8x129xf32, #tpu.memory_space<vmem>>
        %scatter3A_717 = tpu.memref_squeeze %scatter3A_716 : memref<1x8x8x129xf32, #tpu.memory_space<vmem>> -> memref<8x8x129xf32, #tpu.memory_space<vmem>>
        tpu.vector_store_idx %scatter3A_717[%select_n3A_139, %select_n3A_243, %broadcast_in_dim3A], %get3A_494 : memref<8x8x129xf32, #tpu.memory_space<vmem>>[vector<16xi32>, vector<16xi32>, vector<16xi32>], vector<16xf32>,
        %scatter3A_718 = arith.constant 0 : i32
        %scatter3A_719 = arith.constant 0 : i32
        %scatter3A_720 = arith.constant 0 : i32
        %scatter3A_721 = arith.constant 0 : i32
        %scatter3A_722 = tpu.memref_slice %arg10[%scatter3A_718, %scatter3A_719, %scatter3A_720, %scatter3A_721] : memref<2x8x8x129xf32, #tpu.memory_space<vmem>> -> memref<1x8x8x129xf32, #tpu.memory_space<vmem>>
        %scatter3A_723 = tpu.memref_squeeze %scatter3A_722 : memref<1x8x8x129xf32, #tpu.memory_space<vmem>> -> memref<8x8x129xf32, #tpu.memory_space<vmem>>
        tpu.vector_store_idx %scatter3A_723[%select_n3A_170, %select_n3A_265, %broadcast_in_dim3A], %get3A_501 : memref<8x8x129xf32, #tpu.memory_space<vmem>>[vector<16xi32>, vector<16xi32>, vector<16xi32>], vector<16xf32>,
        %scatter3A_724 = arith.constant 0 : i32
        %scatter3A_725 = arith.constant 0 : i32
        %scatter3A_726 = arith.constant 0 : i32
        %scatter3A_727 = arith.constant 0 : i32
        %scatter3A_728 = tpu.memref_slice %arg10[%scatter3A_724, %scatter3A_725, %scatter3A_726, %scatter3A_727] : memref<2x8x8x129xf32, #tpu.memory_space<vmem>> -> memref<1x8x8x129xf32, #tpu.memory_space<vmem>>
        %scatter3A_729 = tpu.memref_squeeze %scatter3A_728 : memref<1x8x8x129xf32, #tpu.memory_space<vmem>> -> memref<8x8x129xf32, #tpu.memory_space<vmem>>
        tpu.vector_store_idx %scatter3A_729[%select_n3A_201, %select_n3A_287, %broadcast_in_dim3A], %get3A_508 : memref<8x8x129xf32, #tpu.memory_space<vmem>>[vector<16xi32>, vector<16xi32>, vector<16xi32>], vector<16xf32>,
        %add3A_730 = arith.constant 1 : i32
        %add3A_731 = arith.addi %add3A_480, %add3A_730 : i32
        %broadcast_in_dim3A_732 = vector.broadcast %add3A_731 : i32 to vector<16xi32>
        %scatter3A_733 = arith.constant 0 : i32
        %scatter3A_734 = arith.constant 0 : i32
        %scatter3A_735 = arith.constant 0 : i32
        %scatter3A_736 = arith.constant 0 : i32
        %scatter3A_737 = tpu.memref_slice %arg10[%scatter3A_733, %scatter3A_734, %scatter3A_735, %scatter3A_736] : memref<2x8x8x129xf32, #tpu.memory_space<vmem>> -> memref<1x8x8x129xf32, #tpu.memory_space<vmem>>
        %scatter3A_738 = tpu.memref_squeeze %scatter3A_737 : memref<1x8x8x129xf32, #tpu.memory_space<vmem>> -> memref<8x8x129xf32, #tpu.memory_space<vmem>>
        tpu.vector_store_idx %scatter3A_738[%select_n3A, %select_n3A_221, %broadcast_in_dim3A_732], %get3A_515 : memref<8x8x129xf32, #tpu.memory_space<vmem>>[vector<16xi32>, vector<16xi32>, vector<16xi32>], vector<16xf32>,
        %scatter3A_739 = arith.constant 0 : i32
        %scatter3A_740 = arith.constant 0 : i32
        %scatter3A_741 = arith.constant 0 : i32
        %scatter3A_742 = arith.constant 0 : i32
        %scatter3A_743 = tpu.memref_slice %arg10[%scatter3A_739, %scatter3A_740, %scatter3A_741, %scatter3A_742] : memref<2x8x8x129xf32, #tpu.memory_space<vmem>> -> memref<1x8x8x129xf32, #tpu.memory_space<vmem>>
        %scatter3A_744 = tpu.memref_squeeze %scatter3A_743 : memref<1x8x8x129xf32, #tpu.memory_space<vmem>> -> memref<8x8x129xf32, #tpu.memory_space<vmem>>
        tpu.vector_store_idx %scatter3A_744[%select_n3A_139, %select_n3A_243, %broadcast_in_dim3A_732], %get3A_522 : memref<8x8x129xf32, #tpu.memory_space<vmem>>[vector<16xi32>, vector<16xi32>, vector<16xi32>], vector<16xf32>,
        %scatter3A_745 = arith.constant 0 : i32
        %scatter3A_746 = arith.constant 0 : i32
        %scatter3A_747 = arith.constant 0 : i32
        %scatter3A_748 = arith.constant 0 : i32
        %scatter3A_749 = tpu.memref_slice %arg10[%scatter3A_745, %scatter3A_746, %scatter3A_747, %scatter3A_748] : memref<2x8x8x129xf32, #tpu.memory_space<vmem>> -> memref<1x8x8x129xf32, #tpu.memory_space<vmem>>
        %scatter3A_750 = tpu.memref_squeeze %scatter3A_749 : memref<1x8x8x129xf32, #tpu.memory_space<vmem>> -> memref<8x8x129xf32, #tpu.memory_space<vmem>>
        tpu.vector_store_idx %scatter3A_750[%select_n3A_170, %select_n3A_265, %broadcast_in_dim3A_732], %get3A_529 : memref<8x8x129xf32, #tpu.memory_space<vmem>>[vector<16xi32>, vector<16xi32>, vector<16xi32>], vector<16xf32>,
        %scatter3A_751 = arith.constant 0 : i32
        %scatter3A_752 = arith.constant 0 : i32
        %scatter3A_753 = arith.constant 0 : i32
        %scatter3A_754 = arith.constant 0 : i32
        %scatter3A_755 = tpu.memref_slice %arg10[%scatter3A_751, %scatter3A_752, %scatter3A_753, %scatter3A_754] : memref<2x8x8x129xf32, #tpu.memory_space<vmem>> -> memref<1x8x8x129xf32, #tpu.memory_space<vmem>>
        %scatter3A_756 = tpu.memref_squeeze %scatter3A_755 : memref<1x8x8x129xf32, #tpu.memory_space<vmem>> -> memref<8x8x129xf32, #tpu.memory_space<vmem>>
        tpu.vector_store_idx %scatter3A_756[%select_n3A_201, %select_n3A_287, %broadcast_in_dim3A_732], %get3A_536 : memref<8x8x129xf32, #tpu.memory_space<vmem>>[vector<16xi32>, vector<16xi32>, vector<16xi32>], vector<16xf32>,
        %add3A_757 = arith.constant 2 : i32
        %add3A_758 = arith.addi %add3A_480, %add3A_757 : i32
        %broadcast_in_dim3A_759 = vector.broadcast %add3A_758 : i32 to vector<16xi32>
        %scatter3A_760 = arith.constant 0 : i32
        %scatter3A_761 = arith.constant 0 : i32
        %scatter3A_762 = arith.constant 0 : i32
        %scatter3A_763 = arith.constant 0 : i32
        %scatter3A_764 = tpu.memref_slice %arg10[%scatter3A_760, %scatter3A_761, %scatter3A_762, %scatter3A_763] : memref<2x8x8x129xf32, #tpu.memory_space<vmem>> -> memref<1x8x8x129xf32, #tpu.memory_space<vmem>>
        %scatter3A_765 = tpu.memref_squeeze %scatter3A_764 : memref<1x8x8x129xf32, #tpu.memory_space<vmem>> -> memref<8x8x129xf32, #tpu.memory_space<vmem>>
        tpu.vector_store_idx %scatter3A_765[%select_n3A, %select_n3A_221, %broadcast_in_dim3A_759], %get3A_543 : memref<8x8x129xf32, #tpu.memory_space<vmem>>[vector<16xi32>, vector<16xi32>, vector<16xi32>], vector<16xf32>,
        %scatter3A_766 = arith.constant 0 : i32
        %scatter3A_767 = arith.constant 0 : i32
        %scatter3A_768 = arith.constant 0 : i32
        %scatter3A_769 = arith.constant 0 : i32
        %scatter3A_770 = tpu.memref_slice %arg10[%scatter3A_766, %scatter3A_767, %scatter3A_768, %scatter3A_769] : memref<2x8x8x129xf32, #tpu.memory_space<vmem>> -> memref<1x8x8x129xf32, #tpu.memory_space<vmem>>
        %scatter3A_771 = tpu.memref_squeeze %scatter3A_770 : memref<1x8x8x129xf32, #tpu.memory_space<vmem>> -> memref<8x8x129xf32, #tpu.memory_space<vmem>>
        tpu.vector_store_idx %scatter3A_771[%select_n3A_139, %select_n3A_243, %broadcast_in_dim3A_759], %get3A_550 : memref<8x8x129xf32, #tpu.memory_space<vmem>>[vector<16xi32>, vector<16xi32>, vector<16xi32>], vector<16xf32>,
        %scatter3A_772 = arith.constant 0 : i32
        %scatter3A_773 = arith.constant 0 : i32
        %scatter3A_774 = arith.constant 0 : i32
        %scatter3A_775 = arith.constant 0 : i32
        %scatter3A_776 = tpu.memref_slice %arg10[%scatter3A_772, %scatter3A_773, %scatter3A_774, %scatter3A_775] : memref<2x8x8x129xf32, #tpu.memory_space<vmem>> -> memref<1x8x8x129xf32, #tpu.memory_space<vmem>>
        %scatter3A_777 = tpu.memref_squeeze %scatter3A_776 : memref<1x8x8x129xf32, #tpu.memory_space<vmem>> -> memref<8x8x129xf32, #tpu.memory_space<vmem>>
        tpu.vector_store_idx %scatter3A_777[%select_n3A_170, %select_n3A_265, %broadcast_in_dim3A_759], %get3A_557 : memref<8x8x129xf32, #tpu.memory_space<vmem>>[vector<16xi32>, vector<16xi32>, vector<16xi32>], vector<16xf32>,
        %scatter3A_778 = arith.constant 0 : i32
        %scatter3A_779 = arith.constant 0 : i32
        %scatter3A_780 = arith.constant 0 : i32
        %scatter3A_781 = arith.constant 0 : i32
        %scatter3A_782 = tpu.memref_slice %arg10[%scatter3A_778, %scatter3A_779, %scatter3A_780, %scatter3A_781] : memref<2x8x8x129xf32, #tpu.memory_space<vmem>> -> memref<1x8x8x129xf32, #tpu.memory_space<vmem>>
        %scatter3A_783 = tpu.memref_squeeze %scatter3A_782 : memref<1x8x8x129xf32, #tpu.memory_space<vmem>> -> memref<8x8x129xf32, #tpu.memory_space<vmem>>
        tpu.vector_store_idx %scatter3A_783[%select_n3A_201, %select_n3A_287, %broadcast_in_dim3A_759], %get3A_564 : memref<8x8x129xf32, #tpu.memory_space<vmem>>[vector<16xi32>, vector<16xi32>, vector<16xi32>], vector<16xf32>,
        %add3A_784 = arith.constant 3 : i32
        %add3A_785 = arith.addi %add3A_480, %add3A_784 : i32
        %broadcast_in_dim3A_786 = vector.broadcast %add3A_785 : i32 to vector<16xi32>
        %scatter3A_787 = arith.constant 0 : i32
        %scatter3A_788 = arith.constant 0 : i32
        %scatter3A_789 = arith.constant 0 : i32
        %scatter3A_790 = arith.constant 0 : i32
        %scatter3A_791 = tpu.memref_slice %arg10[%scatter3A_787, %scatter3A_788, %scatter3A_789, %scatter3A_790] : memref<2x8x8x129xf32, #tpu.memory_space<vmem>> -> memref<1x8x8x129xf32, #tpu.memory_space<vmem>>
        %scatter3A_792 = tpu.memref_squeeze %scatter3A_791 : memref<1x8x8x129xf32, #tpu.memory_space<vmem>> -> memref<8x8x129xf32, #tpu.memory_space<vmem>>
        tpu.vector_store_idx %scatter3A_792[%select_n3A, %select_n3A_221, %broadcast_in_dim3A_786], %get3A_571 : memref<8x8x129xf32, #tpu.memory_space<vmem>>[vector<16xi32>, vector<16xi32>, vector<16xi32>], vector<16xf32>,
        %scatter3A_793 = arith.constant 0 : i32
        %scatter3A_794 = arith.constant 0 : i32
        %scatter3A_795 = arith.constant 0 : i32
        %scatter3A_796 = arith.constant 0 : i32
        %scatter3A_797 = tpu.memref_slice %arg10[%scatter3A_793, %scatter3A_794, %scatter3A_795, %scatter3A_796] : memref<2x8x8x129xf32, #tpu.memory_space<vmem>> -> memref<1x8x8x129xf32, #tpu.memory_space<vmem>>
        %scatter3A_798 = tpu.memref_squeeze %scatter3A_797 : memref<1x8x8x129xf32, #tpu.memory_space<vmem>> -> memref<8x8x129xf32, #tpu.memory_space<vmem>>
        tpu.vector_store_idx %scatter3A_798[%select_n3A_139, %select_n3A_243, %broadcast_in_dim3A_786], %get3A_578 : memref<8x8x129xf32, #tpu.memory_space<vmem>>[vector<16xi32>, vector<16xi32>, vector<16xi32>], vector<16xf32>,
        %scatter3A_799 = arith.constant 0 : i32
        %scatter3A_800 = arith.constant 0 : i32
        %scatter3A_801 = arith.constant 0 : i32
        %scatter3A_802 = arith.constant 0 : i32
        %scatter3A_803 = tpu.memref_slice %arg10[%scatter3A_799, %scatter3A_800, %scatter3A_801, %scatter3A_802] : memref<2x8x8x129xf32, #tpu.memory_space<vmem>> -> memref<1x8x8x129xf32, #tpu.memory_space<vmem>>
        %scatter3A_804 = tpu.memref_squeeze %scatter3A_803 : memref<1x8x8x129xf32, #tpu.memory_space<vmem>> -> memref<8x8x129xf32, #tpu.memory_space<vmem>>
        tpu.vector_store_idx %scatter3A_804[%select_n3A_170, %select_n3A_265, %broadcast_in_dim3A_786], %get3A_585 : memref<8x8x129xf32, #tpu.memory_space<vmem>>[vector<16xi32>, vector<16xi32>, vector<16xi32>], vector<16xf32>,
        %scatter3A_805 = arith.constant 0 : i32
        %scatter3A_806 = arith.constant 0 : i32
        %scatter3A_807 = arith.constant 0 : i32
        %scatter3A_808 = arith.constant 0 : i32
        %scatter3A_809 = tpu.memref_slice %arg10[%scatter3A_805, %scatter3A_806, %scatter3A_807, %scatter3A_808] : memref<2x8x8x129xf32, #tpu.memory_space<vmem>> -> memref<1x8x8x129xf32, #tpu.memory_space<vmem>>
        %scatter3A_810 = tpu.memref_squeeze %scatter3A_809 : memref<1x8x8x129xf32, #tpu.memory_space<vmem>> -> memref<8x8x129xf32, #tpu.memory_space<vmem>>
        tpu.vector_store_idx %scatter3A_810[%select_n3A_201, %select_n3A_287, %broadcast_in_dim3A_786], %get3A_592 : memref<8x8x129xf32, #tpu.memory_space<vmem>>[vector<16xi32>, vector<16xi32>, vector<16xi32>], vector<16xf32>,
        %add3A_811 = arith.constant 4 : i32
        %add3A_812 = arith.addi %add3A_480, %add3A_811 : i32
        %broadcast_in_dim3A_813 = vector.broadcast %add3A_812 : i32 to vector<16xi32>
        %scatter3A_814 = arith.constant 0 : i32
        %scatter3A_815 = arith.constant 0 : i32
        %scatter3A_816 = arith.constant 0 : i32
        %scatter3A_817 = arith.constant 0 : i32
        %scatter3A_818 = tpu.memref_slice %arg10[%scatter3A_814, %scatter3A_815, %scatter3A_816, %scatter3A_817] : memref<2x8x8x129xf32, #tpu.memory_space<vmem>> -> memref<1x8x8x129xf32, #tpu.memory_space<vmem>>
        %scatter3A_819 = tpu.memref_squeeze %scatter3A_818 : memref<1x8x8x129xf32, #tpu.memory_space<vmem>> -> memref<8x8x129xf32, #tpu.memory_space<vmem>>
        tpu.vector_store_idx %scatter3A_819[%select_n3A, %select_n3A_221, %broadcast_in_dim3A_813], %get3A_599 : memref<8x8x129xf32, #tpu.memory_space<vmem>>[vector<16xi32>, vector<16xi32>, vector<16xi32>], vector<16xf32>,
        %scatter3A_820 = arith.constant 0 : i32
        %scatter3A_821 = arith.constant 0 : i32
        %scatter3A_822 = arith.constant 0 : i32
        %scatter3A_823 = arith.constant 0 : i32
        %scatter3A_824 = tpu.memref_slice %arg10[%scatter3A_820, %scatter3A_821, %scatter3A_822, %scatter3A_823] : memref<2x8x8x129xf32, #tpu.memory_space<vmem>> -> memref<1x8x8x129xf32, #tpu.memory_space<vmem>>
        %scatter3A_825 = tpu.memref_squeeze %scatter3A_824 : memref<1x8x8x129xf32, #tpu.memory_space<vmem>> -> memref<8x8x129xf32, #tpu.memory_space<vmem>>
        tpu.vector_store_idx %scatter3A_825[%select_n3A_139, %select_n3A_243, %broadcast_in_dim3A_813], %get3A_606 : memref<8x8x129xf32, #tpu.memory_space<vmem>>[vector<16xi32>, vector<16xi32>, vector<16xi32>], vector<16xf32>,
        %scatter3A_826 = arith.constant 0 : i32
        %scatter3A_827 = arith.constant 0 : i32
        %scatter3A_828 = arith.constant 0 : i32
        %scatter3A_829 = arith.constant 0 : i32
        %scatter3A_830 = tpu.memref_slice %arg10[%scatter3A_826, %scatter3A_827, %scatter3A_828, %scatter3A_829] : memref<2x8x8x129xf32, #tpu.memory_space<vmem>> -> memref<1x8x8x129xf32, #tpu.memory_space<vmem>>
        %scatter3A_831 = tpu.memref_squeeze %scatter3A_830 : memref<1x8x8x129xf32, #tpu.memory_space<vmem>> -> memref<8x8x129xf32, #tpu.memory_space<vmem>>
        tpu.vector_store_idx %scatter3A_831[%select_n3A_170, %select_n3A_265, %broadcast_in_dim3A_813], %get3A_613 : memref<8x8x129xf32, #tpu.memory_space<vmem>>[vector<16xi32>, vector<16xi32>, vector<16xi32>], vector<16xf32>,
        %scatter3A_832 = arith.constant 0 : i32
        %scatter3A_833 = arith.constant 0 : i32
        %scatter3A_834 = arith.constant 0 : i32
        %scatter3A_835 = arith.constant 0 : i32
        %scatter3A_836 = tpu.memref_slice %arg10[%scatter3A_832, %scatter3A_833, %scatter3A_834, %scatter3A_835] : memref<2x8x8x129xf32, #tpu.memory_space<vmem>> -> memref<1x8x8x129xf32, #tpu.memory_space<vmem>>
        %scatter3A_837 = tpu.memref_squeeze %scatter3A_836 : memref<1x8x8x129xf32, #tpu.memory_space<vmem>> -> memref<8x8x129xf32, #tpu.memory_space<vmem>>
        tpu.vector_store_idx %scatter3A_837[%select_n3A_201, %select_n3A_287, %broadcast_in_dim3A_813], %get3A_620 : memref<8x8x129xf32, #tpu.memory_space<vmem>>[vector<16xi32>, vector<16xi32>, vector<16xi32>], vector<16xf32>,
        %add3A_838 = arith.constant 5 : i32
        %add3A_839 = arith.addi %add3A_480, %add3A_838 : i32
        %broadcast_in_dim3A_840 = vector.broadcast %add3A_839 : i32 to vector<16xi32>
        %scatter3A_841 = arith.constant 0 : i32
        %scatter3A_842 = arith.constant 0 : i32
        %scatter3A_843 = arith.constant 0 : i32
        %scatter3A_844 = arith.constant 0 : i32
        %scatter3A_845 = tpu.memref_slice %arg10[%scatter3A_841, %scatter3A_842, %scatter3A_843, %scatter3A_844] : memref<2x8x8x129xf32, #tpu.memory_space<vmem>> -> memref<1x8x8x129xf32, #tpu.memory_space<vmem>>
        %scatter3A_846 = tpu.memref_squeeze %scatter3A_845 : memref<1x8x8x129xf32, #tpu.memory_space<vmem>> -> memref<8x8x129xf32, #tpu.memory_space<vmem>>
        tpu.vector_store_idx %scatter3A_846[%select_n3A, %select_n3A_221, %broadcast_in_dim3A_840], %get3A_627 : memref<8x8x129xf32, #tpu.memory_space<vmem>>[vector<16xi32>, vector<16xi32>, vector<16xi32>], vector<16xf32>,
        %scatter3A_847 = arith.constant 0 : i32
        %scatter3A_848 = arith.constant 0 : i32
        %scatter3A_849 = arith.constant 0 : i32
        %scatter3A_850 = arith.constant 0 : i32
        %scatter3A_851 = tpu.memref_slice %arg10[%scatter3A_847, %scatter3A_848, %scatter3A_849, %scatter3A_850] : memref<2x8x8x129xf32, #tpu.memory_space<vmem>> -> memref<1x8x8x129xf32, #tpu.memory_space<vmem>>
        %scatter3A_852 = tpu.memref_squeeze %scatter3A_851 : memref<1x8x8x129xf32, #tpu.memory_space<vmem>> -> memref<8x8x129xf32, #tpu.memory_space<vmem>>
        tpu.vector_store_idx %scatter3A_852[%select_n3A_139, %select_n3A_243, %broadcast_in_dim3A_840], %get3A_634 : memref<8x8x129xf32, #tpu.memory_space<vmem>>[vector<16xi32>, vector<16xi32>, vector<16xi32>], vector<16xf32>,
        %scatter3A_853 = arith.constant 0 : i32
        %scatter3A_854 = arith.constant 0 : i32
        %scatter3A_855 = arith.constant 0 : i32
        %scatter3A_856 = arith.constant 0 : i32
        %scatter3A_857 = tpu.memref_slice %arg10[%scatter3A_853, %scatter3A_854, %scatter3A_855, %scatter3A_856] : memref<2x8x8x129xf32, #tpu.memory_space<vmem>> -> memref<1x8x8x129xf32, #tpu.memory_space<vmem>>
        %scatter3A_858 = tpu.memref_squeeze %scatter3A_857 : memref<1x8x8x129xf32, #tpu.memory_space<vmem>> -> memref<8x8x129xf32, #tpu.memory_space<vmem>>
        tpu.vector_store_idx %scatter3A_858[%select_n3A_170, %select_n3A_265, %broadcast_in_dim3A_840], %get3A_641 : memref<8x8x129xf32, #tpu.memory_space<vmem>>[vector<16xi32>, vector<16xi32>, vector<16xi32>], vector<16xf32>,
        %scatter3A_859 = arith.constant 0 : i32
        %scatter3A_860 = arith.constant 0 : i32
        %scatter3A_861 = arith.constant 0 : i32
        %scatter3A_862 = arith.constant 0 : i32
        %scatter3A_863 = tpu.memref_slice %arg10[%scatter3A_859, %scatter3A_860, %scatter3A_861, %scatter3A_862] : memref<2x8x8x129xf32, #tpu.memory_space<vmem>> -> memref<1x8x8x129xf32, #tpu.memory_space<vmem>>
        %scatter3A_864 = tpu.memref_squeeze %scatter3A_863 : memref<1x8x8x129xf32, #tpu.memory_space<vmem>> -> memref<8x8x129xf32, #tpu.memory_space<vmem>>
        tpu.vector_store_idx %scatter3A_864[%select_n3A_201, %select_n3A_287, %broadcast_in_dim3A_840], %get3A_648 : memref<8x8x129xf32, #tpu.memory_space<vmem>>[vector<16xi32>, vector<16xi32>, vector<16xi32>], vector<16xf32>,
        %add3A_865 = arith.constant 6 : i32
        %add3A_866 = arith.addi %add3A_480, %add3A_865 : i32
        %broadcast_in_dim3A_867 = vector.broadcast %add3A_866 : i32 to vector<16xi32>
        %scatter3A_868 = arith.constant 0 : i32
        %scatter3A_869 = arith.constant 0 : i32
        %scatter3A_870 = arith.constant 0 : i32
        %scatter3A_871 = arith.constant 0 : i32
        %scatter3A_872 = tpu.memref_slice %arg10[%scatter3A_868, %scatter3A_869, %scatter3A_870, %scatter3A_871] : memref<2x8x8x129xf32, #tpu.memory_space<vmem>> -> memref<1x8x8x129xf32, #tpu.memory_space<vmem>>
        %scatter3A_873 = tpu.memref_squeeze %scatter3A_872 : memref<1x8x8x129xf32, #tpu.memory_space<vmem>> -> memref<8x8x129xf32, #tpu.memory_space<vmem>>
        tpu.vector_store_idx %scatter3A_873[%select_n3A, %select_n3A_221, %broadcast_in_dim3A_867], %get3A_655 : memref<8x8x129xf32, #tpu.memory_space<vmem>>[vector<16xi32>, vector<16xi32>, vector<16xi32>], vector<16xf32>,
        %scatter3A_874 = arith.constant 0 : i32
        %scatter3A_875 = arith.constant 0 : i32
        %scatter3A_876 = arith.constant 0 : i32
        %scatter3A_877 = arith.constant 0 : i32
        %scatter3A_878 = tpu.memref_slice %arg10[%scatter3A_874, %scatter3A_875, %scatter3A_876, %scatter3A_877] : memref<2x8x8x129xf32, #tpu.memory_space<vmem>> -> memref<1x8x8x129xf32, #tpu.memory_space<vmem>>
        %scatter3A_879 = tpu.memref_squeeze %scatter3A_878 : memref<1x8x8x129xf32, #tpu.memory_space<vmem>> -> memref<8x8x129xf32, #tpu.memory_space<vmem>>
        tpu.vector_store_idx %scatter3A_879[%select_n3A_139, %select_n3A_243, %broadcast_in_dim3A_867], %get3A_662 : memref<8x8x129xf32, #tpu.memory_space<vmem>>[vector<16xi32>, vector<16xi32>, vector<16xi32>], vector<16xf32>,
        %scatter3A_880 = arith.constant 0 : i32
        %scatter3A_881 = arith.constant 0 : i32
        %scatter3A_882 = arith.constant 0 : i32
        %scatter3A_883 = arith.constant 0 : i32
        %scatter3A_884 = tpu.memref_slice %arg10[%scatter3A_880, %scatter3A_881, %scatter3A_882, %scatter3A_883] : memref<2x8x8x129xf32, #tpu.memory_space<vmem>> -> memref<1x8x8x129xf32, #tpu.memory_space<vmem>>
        %scatter3A_885 = tpu.memref_squeeze %scatter3A_884 : memref<1x8x8x129xf32, #tpu.memory_space<vmem>> -> memref<8x8x129xf32, #tpu.memory_space<vmem>>
        tpu.vector_store_idx %scatter3A_885[%select_n3A_170, %select_n3A_265, %broadcast_in_dim3A_867], %get3A_669 : memref<8x8x129xf32, #tpu.memory_space<vmem>>[vector<16xi32>, vector<16xi32>, vector<16xi32>], vector<16xf32>,
        %scatter3A_886 = arith.constant 0 : i32
        %scatter3A_887 = arith.constant 0 : i32
        %scatter3A_888 = arith.constant 0 : i32
        %scatter3A_889 = arith.constant 0 : i32
        %scatter3A_890 = tpu.memref_slice %arg10[%scatter3A_886, %scatter3A_887, %scatter3A_888, %scatter3A_889] : memref<2x8x8x129xf32, #tpu.memory_space<vmem>> -> memref<1x8x8x129xf32, #tpu.memory_space<vmem>>
        %scatter3A_891 = tpu.memref_squeeze %scatter3A_890 : memref<1x8x8x129xf32, #tpu.memory_space<vmem>> -> memref<8x8x129xf32, #tpu.memory_space<vmem>>
        tpu.vector_store_idx %scatter3A_891[%select_n3A_201, %select_n3A_287, %broadcast_in_dim3A_867], %get3A_676 : memref<8x8x129xf32, #tpu.memory_space<vmem>>[vector<16xi32>, vector<16xi32>, vector<16xi32>], vector<16xf32>,
        %add3A_892 = arith.constant 7 : i32
        %add3A_893 = arith.addi %add3A_480, %add3A_892 : i32
        %broadcast_in_dim3A_894 = vector.broadcast %add3A_893 : i32 to vector<16xi32>
        %scatter3A_895 = arith.constant 0 : i32
        %scatter3A_896 = arith.constant 0 : i32
        %scatter3A_897 = arith.constant 0 : i32
        %scatter3A_898 = arith.constant 0 : i32
        %scatter3A_899 = tpu.memref_slice %arg10[%scatter3A_895, %scatter3A_896, %scatter3A_897, %scatter3A_898] : memref<2x8x8x129xf32, #tpu.memory_space<vmem>> -> memref<1x8x8x129xf32, #tpu.memory_space<vmem>>
        %scatter3A_900 = tpu.memref_squeeze %scatter3A_899 : memref<1x8x8x129xf32, #tpu.memory_space<vmem>> -> memref<8x8x129xf32, #tpu.memory_space<vmem>>
        tpu.vector_store_idx %scatter3A_900[%select_n3A, %select_n3A_221, %broadcast_in_dim3A_894], %get3A_683 : memref<8x8x129xf32, #tpu.memory_space<vmem>>[vector<16xi32>, vector<16xi32>, vector<16xi32>], vector<16xf32>,
        %scatter3A_901 = arith.constant 0 : i32
        %scatter3A_902 = arith.constant 0 : i32
        %scatter3A_903 = arith.constant 0 : i32
        %scatter3A_904 = arith.constant 0 : i32
        %scatter3A_905 = tpu.memref_slice %arg10[%scatter3A_901, %scatter3A_902, %scatter3A_903, %scatter3A_904] : memref<2x8x8x129xf32, #tpu.memory_space<vmem>> -> memref<1x8x8x129xf32, #tpu.memory_space<vmem>>
        %scatter3A_906 = tpu.memref_squeeze %scatter3A_905 : memref<1x8x8x129xf32, #tpu.memory_space<vmem>> -> memref<8x8x129xf32, #tpu.memory_space<vmem>>
        tpu.vector_store_idx %scatter3A_906[%select_n3A_139, %select_n3A_243, %broadcast_in_dim3A_894], %get3A_690 : memref<8x8x129xf32, #tpu.memory_space<vmem>>[vector<16xi32>, vector<16xi32>, vector<16xi32>], vector<16xf32>,
        %scatter3A_907 = arith.constant 0 : i32
        %scatter3A_908 = arith.constant 0 : i32
        %scatter3A_909 = arith.constant 0 : i32
        %scatter3A_910 = arith.constant 0 : i32
        %scatter3A_911 = tpu.memref_slice %arg10[%scatter3A_907, %scatter3A_908, %scatter3A_909, %scatter3A_910] : memref<2x8x8x129xf32, #tpu.memory_space<vmem>> -> memref<1x8x8x129xf32, #tpu.memory_space<vmem>>
        %scatter3A_912 = tpu.memref_squeeze %scatter3A_911 : memref<1x8x8x129xf32, #tpu.memory_space<vmem>> -> memref<8x8x129xf32, #tpu.memory_space<vmem>>
        tpu.vector_store_idx %scatter3A_912[%select_n3A_170, %select_n3A_265, %broadcast_in_dim3A_894], %get3A_697 : memref<8x8x129xf32, #tpu.memory_space<vmem>>[vector<16xi32>, vector<16xi32>, vector<16xi32>], vector<16xf32>,
        %scatter3A_913 = arith.constant 0 : i32
        %scatter3A_914 = arith.constant 0 : i32
        %scatter3A_915 = arith.constant 0 : i32
        %scatter3A_916 = arith.constant 0 : i32
        %scatter3A_917 = tpu.memref_slice %arg10[%scatter3A_913, %scatter3A_914, %scatter3A_915, %scatter3A_916] : memref<2x8x8x129xf32, #tpu.memory_space<vmem>> -> memref<1x8x8x129xf32, #tpu.memory_space<vmem>>
        %scatter3A_918 = tpu.memref_squeeze %scatter3A_917 : memref<1x8x8x129xf32, #tpu.memory_space<vmem>> -> memref<8x8x129xf32, #tpu.memory_space<vmem>>
        tpu.vector_store_idx %scatter3A_918[%select_n3A_201, %select_n3A_287, %broadcast_in_dim3A_894], %get3A_704 : memref<8x8x129xf32, #tpu.memory_space<vmem>>[vector<16xi32>, vector<16xi32>, vector<16xi32>], vector<16xf32>,
      }
      %scan3A_386 = arith.constant 16 : i32
      %dma_start3A_387 = arith.constant 0 : i32
      %dma_start3A_388 = arith.constant 0 : i32
      %dma_start3A_389 = arith.constant 0 : i32
      %dma_start3A_390 = arith.constant 0 : i32
      %dma_start3A_391 = tpu.memref_slice %arg10[%dma_start3A_387, %dma_start3A_388, %dma_start3A_389, %dma_start3A_390] : memref<2x8x8x129xf32, #tpu.memory_space<vmem>> -> memref<1x8x8x129xf32, #tpu.memory_space<vmem>>
      %dma_start3A_392 = tpu.memref_squeeze %dma_start3A_391 : memref<1x8x8x129xf32, #tpu.memory_space<vmem>> -> memref<8x8x129xf32, #tpu.memory_space<vmem>>
      %dma_start3A_393 = arith.constant 0 : i32
      %dma_start3A_394 = arith.constant 0 : i32
      %dma_start3A_395 = arith.constant 0 : i32
      %dma_start3A_396 = tpu.memref_slice %dma_start3A_392[%dma_start3A_393, %dma_start3A_394, %dma_start3A_395] : memref<8x8x129xf32, #tpu.memory_space<vmem>> -> memref<8x8x128xf32, #tpu.memory_space<vmem>>
      %dma_start3A_397 = arith.constant 0 : i32
      %dma_start3A_398 = arith.constant 0 : i32
      %dma_start3A_399 = arith.constant 0 : i32
      %dma_start3A_400 = tpu.memref_slice %arg6[%add3A_360, %dma_start3A_397, %add3A, %dma_start3A_398, %dma_start3A_399] : memref<200x8x32x8x128xf32, #tpu.memory_space<hbm>> -> memref<1x8x1x8x128xf32, #tpu.memory_space<hbm>>
      %dma_start3A_401 = tpu.memref_squeeze %dma_start3A_400 : memref<1x8x1x8x128xf32, #tpu.memory_space<hbm>> -> memref<8x8x128xf32, #tpu.memory_space<hbm>>
      %dma_start3A_402 = arith.constant 0 : i32
      %dma_start3A_403 = arith.constant 0 : i32
      %dma_start3A_404 = arith.constant 0 : i32
      %dma_start3A_405 = tpu.memref_slice %arg6[%add3A_360, %dma_start3A_402, %add3A, %dma_start3A_403, %dma_start3A_404] : memref<200x8x32x8x128xf32, #tpu.memory_space<hbm>> -> memref<1x8x1x8x128xf32, #tpu.memory_space<hbm>>
      %dma_start3A_406 = tpu.memref_squeeze %dma_start3A_405 : memref<1x8x1x8x128xf32, #tpu.memory_space<hbm>> -> memref<8x8x128xf32, #tpu.memory_space<hbm>>
      %dma_start3A_407 = arith.constant 0 : i32
      %dma_start3A_408 = arith.constant 0 : i32
      %dma_start3A_409 = arith.constant 0 : i32
      %dma_start3A_410 = tpu.memref_slice %arg10[%dma_start3A_387, %dma_start3A_407, %dma_start3A_408, %dma_start3A_409] : memref<2x8x8x129xf32, #tpu.memory_space<vmem>> -> memref<1x8x8x129xf32, #tpu.memory_space<vmem>>
      %dma_start3A_411 = tpu.memref_squeeze %dma_start3A_410 : memref<1x8x8x129xf32, #tpu.memory_space<vmem>> -> memref<8x8x129xf32, #tpu.memory_space<vmem>>
      %dma_start3A_412 = arith.constant 0 : i32
      %dma_start3A_413 = arith.constant 0 : i32
      %dma_start3A_414 = arith.constant 0 : i32
      %dma_start3A_415 = tpu.memref_slice %dma_start3A_411[%dma_start3A_412, %dma_start3A_413, %dma_start3A_414] : memref<8x8x129xf32, #tpu.memory_space<vmem>> -> memref<8x8x128xf32, #tpu.memory_space<vmem>>
      tpu.enqueue_dma source(%dma_start3A_415 : memref<8x8x128xf32, #tpu.memory_space<vmem>>) target(%dma_start3A_406 : memref<8x8x128xf32, #tpu.memory_space<hbm>>) target_semaphore(%arg12 : memref<!tpu.dma_semaphore, #tpu.memory_space<semaphore_mem>>)
      %add3A_416 = arith.constant 1 : i32
      %add3A_417 = arith.addi %add3A_358, %add3A_416 : i32
      %dma_wait3A_418 = arith.constant 0 : i32
      %dma_wait3A_419 = arith.constant 1 : i32
      %dma_wait3A_420 = arith.constant 0 : i32
      %dma_wait3A_421 = arith.constant 0 : i32
      %dma_wait3A_422 = tpu.memref_slice %arg9[%dma_wait3A_419, %dma_wait3A_420, %dma_wait3A_421] : memref<2x128x64xf32, #tpu.memory_space<vmem>> -> memref<1x128x64xf32, #tpu.memory_space<vmem>>
      %dma_wait3A_423 = tpu.memref_squeeze %dma_wait3A_422 : memref<1x128x64xf32, #tpu.memory_space<vmem>> -> memref<128x64xf32, #tpu.memory_space<vmem>>
      %dma_wait3A_424 = arith.constant 0 : i32
      %dma_wait3A_425 = tpu.memref_slice %arg8[%dma_wait3A_418, %dma_wait3A_424] : memref<200x128xi32, #tpu.memory_space<vmem>> -> memref<1x128xi32, #tpu.memory_space<vmem>>
      %dma_wait3A_426 = tpu.memref_squeeze %dma_wait3A_425 : memref<1x128xi32, #tpu.memory_space<vmem>> -> memref<128xi32, #tpu.memory_space<vmem>>
      %dma_wait3A_427 = arith.constant 0 : i32
      %dma_wait3A_428 = arith.constant 0 : i32
      %dma_wait3A_429 = tpu.memref_slice %arg2[%dma_wait3A_427, %dma_wait3A_428] : memref<100000x64xf32, #tpu.memory_space<hbm>> -> memref<100000x64xf32, #tpu.memory_space<hbm>>
      tpu.wait_indirect_dma semaphore(%arg11 : memref<!tpu.dma_semaphore, #tpu.memory_space<semaphore_mem>>) src(%dma_wait3A_429 : memref<100000x64xf32, #tpu.memory_space<hbm>>) dst(%dma_wait3A_423 : memref<128x64xf32, #tpu.memory_space<vmem>>)
      %add3A_430 = arith.constant 1 : i32
      %add3A_431 = arith.addi %add3A_417, %add3A_430 : i32
      %lt3A_432 = arith.constant 200 : i32
      %lt3A_433 = arith.cmpi slt, %add3A_431, %lt3A_432 : i32
      %convert_element_type3A_434 = arith.extui %lt3A_433 : i1 to i32
      %cond3A_435 = arith.constant 0 : i32
      %cond3A_436 = arith.cmpi ne, %convert_element_type3A_434, %cond3A_435 : i32
      scf.if %cond3A_436 {
        %add3A_476 = arith.constant 1 : i32
        %add3A_477 = arith.addi %add3A_417, %add3A_476 : i32
        %dma_start3A_478 = arith.constant 0 : i32
        %dma_start3A_479 = arith.constant 0 : i32
        %dma_start3A_480 = arith.constant 0 : i32
        %dma_start3A_481 = tpu.memref_slice %arg9[%dma_start3A_478, %dma_start3A_479, %dma_start3A_480] : memref<2x128x64xf32, #tpu.memory_space<vmem>> -> memref<1x128x64xf32, #tpu.memory_space<vmem>>
        %dma_start3A_482 = tpu.memref_squeeze %dma_start3A_481 : memref<1x128x64xf32, #tpu.memory_space<vmem>> -> memref<128x64xf32, #tpu.memory_space<vmem>>
        %dma_start3A_483 = arith.constant 0 : i32
        %dma_start3A_484 = tpu.memref_slice %arg8[%add3A_477, %dma_start3A_483] : memref<200x128xi32, #tpu.memory_space<vmem>> -> memref<1x128xi32, #tpu.memory_space<vmem>>
        %dma_start3A_485 = tpu.memref_squeeze %dma_start3A_484 : memref<1x128xi32, #tpu.memory_space<vmem>> -> memref<128xi32, #tpu.memory_space<vmem>>
        %dma_start3A_486 = arith.constant 0 : i32
        %dma_start3A_487 = arith.constant 0 : i32
        %dma_start3A_488 = tpu.memref_slice %arg2[%dma_start3A_486, %dma_start3A_487] : memref<100000x64xf32, #tpu.memory_space<hbm>> -> memref<100000x64xf32, #tpu.memory_space<hbm>>
        tpu.enqueue_indirect_dma source(%dma_start3A_488 : memref<100000x64xf32, #tpu.memory_space<hbm>>) target(%dma_start3A_482 : memref<128x64xf32, #tpu.memory_space<vmem>>) offsets(%dma_start3A_485 : memref<128xi32, #tpu.memory_space<vmem>>) semaphore(%arg11 : memref<!tpu.dma_semaphore, #tpu.memory_space<semaphore_mem>>)
      } else {
      }
      %ge3A_437 = arith.constant 2 : i32
      %ge3A_438 = arith.cmpi sge, %add3A_417, %ge3A_437 : i32
      %convert_element_type3A_439 = arith.extui %ge3A_438 : i1 to i32
      %cond3A_440 = arith.constant 0 : i32
      %cond3A_441 = arith.cmpi ne, %convert_element_type3A_439, %cond3A_440 : i32
      scf.if %cond3A_441 {
        %dma_wait3A_476 = arith.constant 1 : i32
        %dma_wait3A_477 = arith.constant 0 : i32
        %dma_wait3A_478 = arith.constant 0 : i32
        %dma_wait3A_479 = arith.constant 0 : i32
        %dma_wait3A_480 = arith.constant 0 : i32
        %dma_wait3A_481 = arith.constant 0 : i32
        %dma_wait3A_482 = tpu.memref_slice %arg10[%dma_wait3A_476, %dma_wait3A_479, %dma_wait3A_480, %dma_wait3A_481] : memref<2x8x8x129xf32, #tpu.memory_space<vmem>> -> memref<1x8x8x129xf32, #tpu.memory_space<vmem>>
        %dma_wait3A_483 = tpu.memref_squeeze %dma_wait3A_482 : memref<1x8x8x129xf32, #tpu.memory_space<vmem>> -> memref<8x8x129xf32, #tpu.memory_space<vmem>>
        %dma_wait3A_484 = arith.constant 0 : i32
        %dma_wait3A_485 = arith.constant 0 : i32
        %dma_wait3A_486 = arith.constant 0 : i32
        %dma_wait3A_487 = tpu.memref_slice %dma_wait3A_483[%dma_wait3A_484, %dma_wait3A_485, %dma_wait3A_486] : memref<8x8x129xf32, #tpu.memory_space<vmem>> -> memref<8x8x128xf32, #tpu.memory_space<vmem>>
        %dma_wait3A_488 = arith.constant 0 : i32
        %dma_wait3A_489 = arith.constant 0 : i32
        %dma_wait3A_490 = arith.constant 0 : i32
        %dma_wait3A_491 = tpu.memref_slice %arg6[%dma_wait3A_477, %dma_wait3A_488, %dma_wait3A_478, %dma_wait3A_489, %dma_wait3A_490] : memref<200x8x32x8x128xf32, #tpu.memory_space<hbm>> -> memref<1x8x1x8x128xf32, #tpu.memory_space<hbm>>
        %dma_wait3A_492 = tpu.memref_squeeze %dma_wait3A_491 : memref<1x8x1x8x128xf32, #tpu.memory_space<hbm>> -> memref<8x8x128xf32, #tpu.memory_space<hbm>>
        %dma_wait3A_493 = arith.constant 0 : i32
        %dma_wait3A_494 = arith.constant 0 : i32
        %dma_wait3A_495 = arith.constant 0 : i32
        %dma_wait3A_496 = tpu.memref_slice %arg6[%dma_wait3A_477, %dma_wait3A_493, %dma_wait3A_478, %dma_wait3A_494, %dma_wait3A_495] : memref<200x8x32x8x128xf32, #tpu.memory_space<hbm>> -> memref<1x8x1x8x128xf32, #tpu.memory_space<hbm>>
        %dma_wait3A_497 = tpu.memref_squeeze %dma_wait3A_496 : memref<1x8x1x8x128xf32, #tpu.memory_space<hbm>> -> memref<8x8x128xf32, #tpu.memory_space<hbm>>
        %dma_wait3A_498 = arith.constant 0 : i32
        %dma_wait3A_499 = arith.constant 0 : i32
        %dma_wait3A_500 = arith.constant 0 : i32
        %dma_wait3A_501 = tpu.memref_slice %arg10[%dma_wait3A_476, %dma_wait3A_498, %dma_wait3A_499, %dma_wait3A_500] : memref<2x8x8x129xf32, #tpu.memory_space<vmem>> -> memref<1x8x8x129xf32, #tpu.memory_space<vmem>>
        %dma_wait3A_502 = tpu.memref_squeeze %dma_wait3A_501 : memref<1x8x8x129xf32, #tpu.memory_space<vmem>> -> memref<8x8x129xf32, #tpu.memory_space<vmem>>
        %dma_wait3A_503 = arith.constant 0 : i32
        %dma_wait3A_504 = arith.constant 0 : i32
        %dma_wait3A_505 = arith.constant 0 : i32
        %dma_wait3A_506 = tpu.memref_slice %dma_wait3A_502[%dma_wait3A_503, %dma_wait3A_504, %dma_wait3A_505] : memref<8x8x129xf32, #tpu.memory_space<vmem>> -> memref<8x8x128xf32, #tpu.memory_space<vmem>>
        tpu.wait_dma2 semaphore(%arg12 : memref<!tpu.dma_semaphore, #tpu.memory_space<semaphore_mem>>) src(%dma_wait3A_506 : memref<8x8x128xf32, #tpu.memory_space<vmem>>) dst(%dma_wait3A_497 : memref<8x8x128xf32, #tpu.memory_space<hbm>>)
      } else {
      }
      %scan3A_442 = arith.constant 0 : i32
      %scan3A_443 = arith.constant 16 : i32
      %scan3A_444 = arith.addi %scan3A_442, %scan3A_443 : i32
      %scan3A_445 = arith.constant 1 : i32
      scf.for %scan3A_476 = %scan3A_442 to %scan3A_444 step %scan3A_445  : i32 {
        %mul3A_477 = arith.constant 8 : i32
        %mul3A_478 = arith.muli %scan3A_476, %mul3A_477 : i32
        %add3A_479 = arith.constant 0 : i32
        %add3A_480 = arith.addi %add3A_479, %mul3A_478 : i32
        %add3A_481 = arith.constant 0 : i32
        %add3A_482 = arith.addi %add3A_480, %add3A_481 : i32
        %get3A_483 = arith.constant 1 : i32
        %get3A_484 = arith.index_cast %get3A_483 : i32 to index
        %get3A_485 = arith.index_cast %add3A_482 : i32 to index
        %get3A_486 = arith.constant 0 : index
        %get3A_487 = tpu.vector_load %arg9[%get3A_484, %get3A_485, %get3A_486] {strides = array<i32>} : memref<2x128x64xf32, #tpu.memory_space<vmem>>, vector<16xf32>,
        %add3A_488 = arith.constant 0 : i32
        %add3A_489 = arith.addi %add3A_480, %add3A_488 : i32
        %get3A_490 = arith.constant 1 : i32
        %get3A_491 = arith.index_cast %get3A_490 : i32 to index
        %get3A_492 = arith.index_cast %add3A_489 : i32 to index
        %get3A_493 = arith.constant 16 : index
        %get3A_494 = tpu.vector_load %arg9[%get3A_491, %get3A_492, %get3A_493] {strides = array<i32>} : memref<2x128x64xf32, #tpu.memory_space<vmem>>, vector<16xf32>,
        %add3A_495 = arith.constant 0 : i32
        %add3A_496 = arith.addi %add3A_480, %add3A_495 : i32
        %get3A_497 = arith.constant 1 : i32
        %get3A_498 = arith.index_cast %get3A_497 : i32 to index
        %get3A_499 = arith.index_cast %add3A_496 : i32 to index
        %get3A_500 = arith.constant 32 : index
        %get3A_501 = tpu.vector_load %arg9[%get3A_498, %get3A_499, %get3A_500] {strides = array<i32>} : memref<2x128x64xf32, #tpu.memory_space<vmem>>, vector<16xf32>,
        %add3A_502 = arith.constant 0 : i32
        %add3A_503 = arith.addi %add3A_480, %add3A_502 : i32
        %get3A_504 = arith.constant 1 : i32
        %get3A_505 = arith.index_cast %get3A_504 : i32 to index
        %get3A_506 = arith.index_cast %add3A_503 : i32 to index
        %get3A_507 = arith.constant 48 : index
        %get3A_508 = tpu.vector_load %arg9[%get3A_505, %get3A_506, %get3A_507] {strides = array<i32>} : memref<2x128x64xf32, #tpu.memory_space<vmem>>, vector<16xf32>,
        %add3A_509 = arith.constant 1 : i32
        %add3A_510 = arith.addi %add3A_480, %add3A_509 : i32
        %get3A_511 = arith.constant 1 : i32
        %get3A_512 = arith.index_cast %get3A_511 : i32 to index
        %get3A_513 = arith.index_cast %add3A_510 : i32 to index
        %get3A_514 = arith.constant 0 : index
        %get3A_515 = tpu.vector_load %arg9[%get3A_512, %get3A_513, %get3A_514] {strides = array<i32>} : memref<2x128x64xf32, #tpu.memory_space<vmem>>, vector<16xf32>,
        %add3A_516 = arith.constant 1 : i32
        %add3A_517 = arith.addi %add3A_480, %add3A_516 : i32
        %get3A_518 = arith.constant 1 : i32
        %get3A_519 = arith.index_cast %get3A_518 : i32 to index
        %get3A_520 = arith.index_cast %add3A_517 : i32 to index
        %get3A_521 = arith.constant 16 : index
        %get3A_522 = tpu.vector_load %arg9[%get3A_519, %get3A_520, %get3A_521] {strides = array<i32>} : memref<2x128x64xf32, #tpu.memory_space<vmem>>, vector<16xf32>,
        %add3A_523 = arith.constant 1 : i32
        %add3A_524 = arith.addi %add3A_480, %add3A_523 : i32
        %get3A_525 = arith.constant 1 : i32
        %get3A_526 = arith.index_cast %get3A_525 : i32 to index
        %get3A_527 = arith.index_cast %add3A_524 : i32 to index
        %get3A_528 = arith.constant 32 : index
        %get3A_529 = tpu.vector_load %arg9[%get3A_526, %get3A_527, %get3A_528] {strides = array<i32>} : memref<2x128x64xf32, #tpu.memory_space<vmem>>, vector<16xf32>,
        %add3A_530 = arith.constant 1 : i32
        %add3A_531 = arith.addi %add3A_480, %add3A_530 : i32
        %get3A_532 = arith.constant 1 : i32
        %get3A_533 = arith.index_cast %get3A_532 : i32 to index
        %get3A_534 = arith.index_cast %add3A_531 : i32 to index
        %get3A_535 = arith.constant 48 : index
        %get3A_536 = tpu.vector_load %arg9[%get3A_533, %get3A_534, %get3A_535] {strides = array<i32>} : memref<2x128x64xf32, #tpu.memory_space<vmem>>, vector<16xf32>,
        %add3A_537 = arith.constant 2 : i32
        %add3A_538 = arith.addi %add3A_480, %add3A_537 : i32
        %get3A_539 = arith.constant 1 : i32
        %get3A_540 = arith.index_cast %get3A_539 : i32 to index
        %get3A_541 = arith.index_cast %add3A_538 : i32 to index
        %get3A_542 = arith.constant 0 : index
        %get3A_543 = tpu.vector_load %arg9[%get3A_540, %get3A_541, %get3A_542] {strides = array<i32>} : memref<2x128x64xf32, #tpu.memory_space<vmem>>, vector<16xf32>,
        %add3A_544 = arith.constant 2 : i32
        %add3A_545 = arith.addi %add3A_480, %add3A_544 : i32
        %get3A_546 = arith.constant 1 : i32
        %get3A_547 = arith.index_cast %get3A_546 : i32 to index
        %get3A_548 = arith.index_cast %add3A_545 : i32 to index
        %get3A_549 = arith.constant 16 : index
        %get3A_550 = tpu.vector_load %arg9[%get3A_547, %get3A_548, %get3A_549] {strides = array<i32>} : memref<2x128x64xf32, #tpu.memory_space<vmem>>, vector<16xf32>,
        %add3A_551 = arith.constant 2 : i32
        %add3A_552 = arith.addi %add3A_480, %add3A_551 : i32
        %get3A_553 = arith.constant 1 : i32
        %get3A_554 = arith.index_cast %get3A_553 : i32 to index
        %get3A_555 = arith.index_cast %add3A_552 : i32 to index
        %get3A_556 = arith.constant 32 : index
        %get3A_557 = tpu.vector_load %arg9[%get3A_554, %get3A_555, %get3A_556] {strides = array<i32>} : memref<2x128x64xf32, #tpu.memory_space<vmem>>, vector<16xf32>,
        %add3A_558 = arith.constant 2 : i32
        %add3A_559 = arith.addi %add3A_480, %add3A_558 : i32
        %get3A_560 = arith.constant 1 : i32
        %get3A_561 = arith.index_cast %get3A_560 : i32 to index
        %get3A_562 = arith.index_cast %add3A_559 : i32 to index
        %get3A_563 = arith.constant 48 : index
        %get3A_564 = tpu.vector_load %arg9[%get3A_561, %get3A_562, %get3A_563] {strides = array<i32>} : memref<2x128x64xf32, #tpu.memory_space<vmem>>, vector<16xf32>,
        %add3A_565 = arith.constant 3 : i32
        %add3A_566 = arith.addi %add3A_480, %add3A_565 : i32
        %get3A_567 = arith.constant 1 : i32
        %get3A_568 = arith.index_cast %get3A_567 : i32 to index
        %get3A_569 = arith.index_cast %add3A_566 : i32 to index
        %get3A_570 = arith.constant 0 : index
        %get3A_571 = tpu.vector_load %arg9[%get3A_568, %get3A_569, %get3A_570] {strides = array<i32>} : memref<2x128x64xf32, #tpu.memory_space<vmem>>, vector<16xf32>,
        %add3A_572 = arith.constant 3 : i32
        %add3A_573 = arith.addi %add3A_480, %add3A_572 : i32
        %get3A_574 = arith.constant 1 : i32
        %get3A_575 = arith.index_cast %get3A_574 : i32 to index
        %get3A_576 = arith.index_cast %add3A_573 : i32 to index
        %get3A_577 = arith.constant 16 : index
        %get3A_578 = tpu.vector_load %arg9[%get3A_575, %get3A_576, %get3A_577] {strides = array<i32>} : memref<2x128x64xf32, #tpu.memory_space<vmem>>, vector<16xf32>,
        %add3A_579 = arith.constant 3 : i32
        %add3A_580 = arith.addi %add3A_480, %add3A_579 : i32
        %get3A_581 = arith.constant 1 : i32
        %get3A_582 = arith.index_cast %get3A_581 : i32 to index
        %get3A_583 = arith.index_cast %add3A_580 : i32 to index
        %get3A_584 = arith.constant 32 : index
        %get3A_585 = tpu.vector_load %arg9[%get3A_582, %get3A_583, %get3A_584] {strides = array<i32>} : memref<2x128x64xf32, #tpu.memory_space<vmem>>, vector<16xf32>,
        %add3A_586 = arith.constant 3 : i32
        %add3A_587 = arith.addi %add3A_480, %add3A_586 : i32
        %get3A_588 = arith.constant 1 : i32
        %get3A_589 = arith.index_cast %get3A_588 : i32 to index
        %get3A_590 = arith.index_cast %add3A_587 : i32 to index
        %get3A_591 = arith.constant 48 : index
        %get3A_592 = tpu.vector_load %arg9[%get3A_589, %get3A_590, %get3A_591] {strides = array<i32>} : memref<2x128x64xf32, #tpu.memory_space<vmem>>, vector<16xf32>,
        %add3A_593 = arith.constant 4 : i32
        %add3A_594 = arith.addi %add3A_480, %add3A_593 : i32
        %get3A_595 = arith.constant 1 : i32
        %get3A_596 = arith.index_cast %get3A_595 : i32 to index
        %get3A_597 = arith.index_cast %add3A_594 : i32 to index
        %get3A_598 = arith.constant 0 : index
        %get3A_599 = tpu.vector_load %arg9[%get3A_596, %get3A_597, %get3A_598] {strides = array<i32>} : memref<2x128x64xf32, #tpu.memory_space<vmem>>, vector<16xf32>,
        %add3A_600 = arith.constant 4 : i32
        %add3A_601 = arith.addi %add3A_480, %add3A_600 : i32
        %get3A_602 = arith.constant 1 : i32
        %get3A_603 = arith.index_cast %get3A_602 : i32 to index
        %get3A_604 = arith.index_cast %add3A_601 : i32 to index
        %get3A_605 = arith.constant 16 : index
        %get3A_606 = tpu.vector_load %arg9[%get3A_603, %get3A_604, %get3A_605] {strides = array<i32>} : memref<2x128x64xf32, #tpu.memory_space<vmem>>, vector<16xf32>,
        %add3A_607 = arith.constant 4 : i32
        %add3A_608 = arith.addi %add3A_480, %add3A_607 : i32
        %get3A_609 = arith.constant 1 : i32
        %get3A_610 = arith.index_cast %get3A_609 : i32 to index
        %get3A_611 = arith.index_cast %add3A_608 : i32 to index
        %get3A_612 = arith.constant 32 : index
        %get3A_613 = tpu.vector_load %arg9[%get3A_610, %get3A_611, %get3A_612] {strides = array<i32>} : memref<2x128x64xf32, #tpu.memory_space<vmem>>, vector<16xf32>,
        %add3A_614 = arith.constant 4 : i32
        %add3A_615 = arith.addi %add3A_480, %add3A_614 : i32
        %get3A_616 = arith.constant 1 : i32
        %get3A_617 = arith.index_cast %get3A_616 : i32 to index
        %get3A_618 = arith.index_cast %add3A_615 : i32 to index
        %get3A_619 = arith.constant 48 : index
        %get3A_620 = tpu.vector_load %arg9[%get3A_617, %get3A_618, %get3A_619] {strides = array<i32>} : memref<2x128x64xf32, #tpu.memory_space<vmem>>, vector<16xf32>,
        %add3A_621 = arith.constant 5 : i32
        %add3A_622 = arith.addi %add3A_480, %add3A_621 : i32
        %get3A_623 = arith.constant 1 : i32
        %get3A_624 = arith.index_cast %get3A_623 : i32 to index
        %get3A_625 = arith.index_cast %add3A_622 : i32 to index
        %get3A_626 = arith.constant 0 : index
        %get3A_627 = tpu.vector_load %arg9[%get3A_624, %get3A_625, %get3A_626] {strides = array<i32>} : memref<2x128x64xf32, #tpu.memory_space<vmem>>, vector<16xf32>,
        %add3A_628 = arith.constant 5 : i32
        %add3A_629 = arith.addi %add3A_480, %add3A_628 : i32
        %get3A_630 = arith.constant 1 : i32
        %get3A_631 = arith.index_cast %get3A_630 : i32 to index
        %get3A_632 = arith.index_cast %add3A_629 : i32 to index
        %get3A_633 = arith.constant 16 : index
        %get3A_634 = tpu.vector_load %arg9[%get3A_631, %get3A_632, %get3A_633] {strides = array<i32>} : memref<2x128x64xf32, #tpu.memory_space<vmem>>, vector<16xf32>,
        %add3A_635 = arith.constant 5 : i32
        %add3A_636 = arith.addi %add3A_480, %add3A_635 : i32
        %get3A_637 = arith.constant 1 : i32
        %get3A_638 = arith.index_cast %get3A_637 : i32 to index
        %get3A_639 = arith.index_cast %add3A_636 : i32 to index
        %get3A_640 = arith.constant 32 : index
        %get3A_641 = tpu.vector_load %arg9[%get3A_638, %get3A_639, %get3A_640] {strides = array<i32>} : memref<2x128x64xf32, #tpu.memory_space<vmem>>, vector<16xf32>,
        %add3A_642 = arith.constant 5 : i32
        %add3A_643 = arith.addi %add3A_480, %add3A_642 : i32
        %get3A_644 = arith.constant 1 : i32
        %get3A_645 = arith.index_cast %get3A_644 : i32 to index
        %get3A_646 = arith.index_cast %add3A_643 : i32 to index
        %get3A_647 = arith.constant 48 : index
        %get3A_648 = tpu.vector_load %arg9[%get3A_645, %get3A_646, %get3A_647] {strides = array<i32>} : memref<2x128x64xf32, #tpu.memory_space<vmem>>, vector<16xf32>,
        %add3A_649 = arith.constant 6 : i32
        %add3A_650 = arith.addi %add3A_480, %add3A_649 : i32
        %get3A_651 = arith.constant 1 : i32
        %get3A_652 = arith.index_cast %get3A_651 : i32 to index
        %get3A_653 = arith.index_cast %add3A_650 : i32 to index
        %get3A_654 = arith.constant 0 : index
        %get3A_655 = tpu.vector_load %arg9[%get3A_652, %get3A_653, %get3A_654] {strides = array<i32>} : memref<2x128x64xf32, #tpu.memory_space<vmem>>, vector<16xf32>,
        %add3A_656 = arith.constant 6 : i32
        %add3A_657 = arith.addi %add3A_480, %add3A_656 : i32
        %get3A_658 = arith.constant 1 : i32
        %get3A_659 = arith.index_cast %get3A_658 : i32 to index
        %get3A_660 = arith.index_cast %add3A_657 : i32 to index
        %get3A_661 = arith.constant 16 : index
        %get3A_662 = tpu.vector_load %arg9[%get3A_659, %get3A_660, %get3A_661] {strides = array<i32>} : memref<2x128x64xf32, #tpu.memory_space<vmem>>, vector<16xf32>,
        %add3A_663 = arith.constant 6 : i32
        %add3A_664 = arith.addi %add3A_480, %add3A_663 : i32
        %get3A_665 = arith.constant 1 : i32
        %get3A_666 = arith.index_cast %get3A_665 : i32 to index
        %get3A_667 = arith.index_cast %add3A_664 : i32 to index
        %get3A_668 = arith.constant 32 : index
        %get3A_669 = tpu.vector_load %arg9[%get3A_666, %get3A_667, %get3A_668] {strides = array<i32>} : memref<2x128x64xf32, #tpu.memory_space<vmem>>, vector<16xf32>,
        %add3A_670 = arith.constant 6 : i32
        %add3A_671 = arith.addi %add3A_480, %add3A_670 : i32
        %get3A_672 = arith.constant 1 : i32
        %get3A_673 = arith.index_cast %get3A_672 : i32 to index
        %get3A_674 = arith.index_cast %add3A_671 : i32 to index
        %get3A_675 = arith.constant 48 : index
        %get3A_676 = tpu.vector_load %arg9[%get3A_673, %get3A_674, %get3A_675] {strides = array<i32>} : memref<2x128x64xf32, #tpu.memory_space<vmem>>, vector<16xf32>,
        %add3A_677 = arith.constant 7 : i32
        %add3A_678 = arith.addi %add3A_480, %add3A_677 : i32
        %get3A_679 = arith.constant 1 : i32
        %get3A_680 = arith.index_cast %get3A_679 : i32 to index
        %get3A_681 = arith.index_cast %add3A_678 : i32 to index
        %get3A_682 = arith.constant 0 : index
        %get3A_683 = tpu.vector_load %arg9[%get3A_680, %get3A_681, %get3A_682] {strides = array<i32>} : memref<2x128x64xf32, #tpu.memory_space<vmem>>, vector<16xf32>,
        %add3A_684 = arith.constant 7 : i32
        %add3A_685 = arith.addi %add3A_480, %add3A_684 : i32
        %get3A_686 = arith.constant 1 : i32
        %get3A_687 = arith.index_cast %get3A_686 : i32 to index
        %get3A_688 = arith.index_cast %add3A_685 : i32 to index
        %get3A_689 = arith.constant 16 : index
        %get3A_690 = tpu.vector_load %arg9[%get3A_687, %get3A_688, %get3A_689] {strides = array<i32>} : memref<2x128x64xf32, #tpu.memory_space<vmem>>, vector<16xf32>,
        %add3A_691 = arith.constant 7 : i32
        %add3A_692 = arith.addi %add3A_480, %add3A_691 : i32
        %get3A_693 = arith.constant 1 : i32
        %get3A_694 = arith.index_cast %get3A_693 : i32 to index
        %get3A_695 = arith.index_cast %add3A_692 : i32 to index
        %get3A_696 = arith.constant 32 : index
        %get3A_697 = tpu.vector_load %arg9[%get3A_694, %get3A_695, %get3A_696] {strides = array<i32>} : memref<2x128x64xf32, #tpu.memory_space<vmem>>, vector<16xf32>,
        %add3A_698 = arith.constant 7 : i32
        %add3A_699 = arith.addi %add3A_480, %add3A_698 : i32
        %get3A_700 = arith.constant 1 : i32
        %get3A_701 = arith.index_cast %get3A_700 : i32 to index
        %get3A_702 = arith.index_cast %add3A_699 : i32 to index
        %get3A_703 = arith.constant 48 : index
        %get3A_704 = tpu.vector_load %arg9[%get3A_701, %get3A_702, %get3A_703] {strides = array<i32>} : memref<2x128x64xf32, #tpu.memory_space<vmem>>, vector<16xf32>,
        %add3A_705 = arith.constant 0 : i32
        %add3A_706 = arith.addi %add3A_480, %add3A_705 : i32
        %broadcast_in_dim3A = vector.broadcast %add3A_706 : i32 to vector<16xi32>
        %scatter3A = arith.constant 1 : i32
        %scatter3A_707 = arith.constant 0 : i32
        %scatter3A_708 = arith.constant 0 : i32
        %scatter3A_709 = arith.constant 0 : i32
        %scatter3A_710 = tpu.memref_slice %arg10[%scatter3A, %scatter3A_707, %scatter3A_708, %scatter3A_709] : memref<2x8x8x129xf32, #tpu.memory_space<vmem>> -> memref<1x8x8x129xf32, #tpu.memory_space<vmem>>
        %scatter3A_711 = tpu.memref_squeeze %scatter3A_710 : memref<1x8x8x129xf32, #tpu.memory_space<vmem>> -> memref<8x8x129xf32, #tpu.memory_space<vmem>>
        tpu.vector_store_idx %scatter3A_711[%select_n3A, %select_n3A_221, %broadcast_in_dim3A], %get3A_487 : memref<8x8x129xf32, #tpu.memory_space<vmem>>[vector<16xi32>, vector<16xi32>, vector<16xi32>], vector<16xf32>,
        %scatter3A_712 = arith.constant 1 : i32
        %scatter3A_713 = arith.constant 0 : i32
        %scatter3A_714 = arith.constant 0 : i32
        %scatter3A_715 = arith.constant 0 : i32
        %scatter3A_716 = tpu.memref_slice %arg10[%scatter3A_712, %scatter3A_713, %scatter3A_714, %scatter3A_715] : memref<2x8x8x129xf32, #tpu.memory_space<vmem>> -> memref<1x8x8x129xf32, #tpu.memory_space<vmem>>
        %scatter3A_717 = tpu.memref_squeeze %scatter3A_716 : memref<1x8x8x129xf32, #tpu.memory_space<vmem>> -> memref<8x8x129xf32, #tpu.memory_space<vmem>>
        tpu.vector_store_idx %scatter3A_717[%select_n3A_139, %select_n3A_243, %broadcast_in_dim3A], %get3A_494 : memref<8x8x129xf32, #tpu.memory_space<vmem>>[vector<16xi32>, vector<16xi32>, vector<16xi32>], vector<16xf32>,
        %scatter3A_718 = arith.constant 1 : i32
        %scatter3A_719 = arith.constant 0 : i32
        %scatter3A_720 = arith.constant 0 : i32
        %scatter3A_721 = arith.constant 0 : i32
        %scatter3A_722 = tpu.memref_slice %arg10[%scatter3A_718, %scatter3A_719, %scatter3A_720, %scatter3A_721] : memref<2x8x8x129xf32, #tpu.memory_space<vmem>> -> memref<1x8x8x129xf32, #tpu.memory_space<vmem>>
        %scatter3A_723 = tpu.memref_squeeze %scatter3A_722 : memref<1x8x8x129xf32, #tpu.memory_space<vmem>> -> memref<8x8x129xf32, #tpu.memory_space<vmem>>
        tpu.vector_store_idx %scatter3A_723[%select_n3A_170, %select_n3A_265, %broadcast_in_dim3A], %get3A_501 : memref<8x8x129xf32, #tpu.memory_space<vmem>>[vector<16xi32>, vector<16xi32>, vector<16xi32>], vector<16xf32>,
        %scatter3A_724 = arith.constant 1 : i32
        %scatter3A_725 = arith.constant 0 : i32
        %scatter3A_726 = arith.constant 0 : i32
        %scatter3A_727 = arith.constant 0 : i32
        %scatter3A_728 = tpu.memref_slice %arg10[%scatter3A_724, %scatter3A_725, %scatter3A_726, %scatter3A_727] : memref<2x8x8x129xf32, #tpu.memory_space<vmem>> -> memref<1x8x8x129xf32, #tpu.memory_space<vmem>>
        %scatter3A_729 = tpu.memref_squeeze %scatter3A_728 : memref<1x8x8x129xf32, #tpu.memory_space<vmem>> -> memref<8x8x129xf32, #tpu.memory_space<vmem>>
        tpu.vector_store_idx %scatter3A_729[%select_n3A_201, %select_n3A_287, %broadcast_in_dim3A], %get3A_508 : memref<8x8x129xf32, #tpu.memory_space<vmem>>[vector<16xi32>, vector<16xi32>, vector<16xi32>], vector<16xf32>,
        %add3A_730 = arith.constant 1 : i32
        %add3A_731 = arith.addi %add3A_480, %add3A_730 : i32
        %broadcast_in_dim3A_732 = vector.broadcast %add3A_731 : i32 to vector<16xi32>
        %scatter3A_733 = arith.constant 1 : i32
        %scatter3A_734 = arith.constant 0 : i32
        %scatter3A_735 = arith.constant 0 : i32
        %scatter3A_736 = arith.constant 0 : i32
        %scatter3A_737 = tpu.memref_slice %arg10[%scatter3A_733, %scatter3A_734, %scatter3A_735, %scatter3A_736] : memref<2x8x8x129xf32, #tpu.memory_space<vmem>> -> memref<1x8x8x129xf32, #tpu.memory_space<vmem>>
        %scatter3A_738 = tpu.memref_squeeze %scatter3A_737 : memref<1x8x8x129xf32, #tpu.memory_space<vmem>> -> memref<8x8x129xf32, #tpu.memory_space<vmem>>
        tpu.vector_store_idx %scatter3A_738[%select_n3A, %select_n3A_221, %broadcast_in_dim3A_732], %get3A_515 : memref<8x8x129xf32, #tpu.memory_space<vmem>>[vector<16xi32>, vector<16xi32>, vector<16xi32>], vector<16xf32>,
        %scatter3A_739 = arith.constant 1 : i32
        %scatter3A_740 = arith.constant 0 : i32
        %scatter3A_741 = arith.constant 0 : i32
        %scatter3A_742 = arith.constant 0 : i32
        %scatter3A_743 = tpu.memref_slice %arg10[%scatter3A_739, %scatter3A_740, %scatter3A_741, %scatter3A_742] : memref<2x8x8x129xf32, #tpu.memory_space<vmem>> -> memref<1x8x8x129xf32, #tpu.memory_space<vmem>>
        %scatter3A_744 = tpu.memref_squeeze %scatter3A_743 : memref<1x8x8x129xf32, #tpu.memory_space<vmem>> -> memref<8x8x129xf32, #tpu.memory_space<vmem>>
        tpu.vector_store_idx %scatter3A_744[%select_n3A_139, %select_n3A_243, %broadcast_in_dim3A_732], %get3A_522 : memref<8x8x129xf32, #tpu.memory_space<vmem>>[vector<16xi32>, vector<16xi32>, vector<16xi32>], vector<16xf32>,
        %scatter3A_745 = arith.constant 1 : i32
        %scatter3A_746 = arith.constant 0 : i32
        %scatter3A_747 = arith.constant 0 : i32
        %scatter3A_748 = arith.constant 0 : i32
        %scatter3A_749 = tpu.memref_slice %arg10[%scatter3A_745, %scatter3A_746, %scatter3A_747, %scatter3A_748] : memref<2x8x8x129xf32, #tpu.memory_space<vmem>> -> memref<1x8x8x129xf32, #tpu.memory_space<vmem>>
        %scatter3A_750 = tpu.memref_squeeze %scatter3A_749 : memref<1x8x8x129xf32, #tpu.memory_space<vmem>> -> memref<8x8x129xf32, #tpu.memory_space<vmem>>
        tpu.vector_store_idx %scatter3A_750[%select_n3A_170, %select_n3A_265, %broadcast_in_dim3A_732], %get3A_529 : memref<8x8x129xf32, #tpu.memory_space<vmem>>[vector<16xi32>, vector<16xi32>, vector<16xi32>], vector<16xf32>,
        %scatter3A_751 = arith.constant 1 : i32
        %scatter3A_752 = arith.constant 0 : i32
        %scatter3A_753 = arith.constant 0 : i32
        %scatter3A_754 = arith.constant 0 : i32
        %scatter3A_755 = tpu.memref_slice %arg10[%scatter3A_751, %scatter3A_752, %scatter3A_753, %scatter3A_754] : memref<2x8x8x129xf32, #tpu.memory_space<vmem>> -> memref<1x8x8x129xf32, #tpu.memory_space<vmem>>
        %scatter3A_756 = tpu.memref_squeeze %scatter3A_755 : memref<1x8x8x129xf32, #tpu.memory_space<vmem>> -> memref<8x8x129xf32, #tpu.memory_space<vmem>>
        tpu.vector_store_idx %scatter3A_756[%select_n3A_201, %select_n3A_287, %broadcast_in_dim3A_732], %get3A_536 : memref<8x8x129xf32, #tpu.memory_space<vmem>>[vector<16xi32>, vector<16xi32>, vector<16xi32>], vector<16xf32>,
        %add3A_757 = arith.constant 2 : i32
        %add3A_758 = arith.addi %add3A_480, %add3A_757 : i32
        %broadcast_in_dim3A_759 = vector.broadcast %add3A_758 : i32 to vector<16xi32>
        %scatter3A_760 = arith.constant 1 : i32
        %scatter3A_761 = arith.constant 0 : i32
        %scatter3A_762 = arith.constant 0 : i32
        %scatter3A_763 = arith.constant 0 : i32
        %scatter3A_764 = tpu.memref_slice %arg10[%scatter3A_760, %scatter3A_761, %scatter3A_762, %scatter3A_763] : memref<2x8x8x129xf32, #tpu.memory_space<vmem>> -> memref<1x8x8x129xf32, #tpu.memory_space<vmem>>
        %scatter3A_765 = tpu.memref_squeeze %scatter3A_764 : memref<1x8x8x129xf32, #tpu.memory_space<vmem>> -> memref<8x8x129xf32, #tpu.memory_space<vmem>>
        tpu.vector_store_idx %scatter3A_765[%select_n3A, %select_n3A_221, %broadcast_in_dim3A_759], %get3A_543 : memref<8x8x129xf32, #tpu.memory_space<vmem>>[vector<16xi32>, vector<16xi32>, vector<16xi32>], vector<16xf32>,
        %scatter3A_766 = arith.constant 1 : i32
        %scatter3A_767 = arith.constant 0 : i32
        %scatter3A_768 = arith.constant 0 : i32
        %scatter3A_769 = arith.constant 0 : i32
        %scatter3A_770 = tpu.memref_slice %arg10[%scatter3A_766, %scatter3A_767, %scatter3A_768, %scatter3A_769] : memref<2x8x8x129xf32, #tpu.memory_space<vmem>> -> memref<1x8x8x129xf32, #tpu.memory_space<vmem>>
        %scatter3A_771 = tpu.memref_squeeze %scatter3A_770 : memref<1x8x8x129xf32, #tpu.memory_space<vmem>> -> memref<8x8x129xf32, #tpu.memory_space<vmem>>
        tpu.vector_store_idx %scatter3A_771[%select_n3A_139, %select_n3A_243, %broadcast_in_dim3A_759], %get3A_550 : memref<8x8x129xf32, #tpu.memory_space<vmem>>[vector<16xi32>, vector<16xi32>, vector<16xi32>], vector<16xf32>,
        %scatter3A_772 = arith.constant 1 : i32
        %scatter3A_773 = arith.constant 0 : i32
        %scatter3A_774 = arith.constant 0 : i32
        %scatter3A_775 = arith.constant 0 : i32
        %scatter3A_776 = tpu.memref_slice %arg10[%scatter3A_772, %scatter3A_773, %scatter3A_774, %scatter3A_775] : memref<2x8x8x129xf32, #tpu.memory_space<vmem>> -> memref<1x8x8x129xf32, #tpu.memory_space<vmem>>
        %scatter3A_777 = tpu.memref_squeeze %scatter3A_776 : memref<1x8x8x129xf32, #tpu.memory_space<vmem>> -> memref<8x8x129xf32, #tpu.memory_space<vmem>>
        tpu.vector_store_idx %scatter3A_777[%select_n3A_170, %select_n3A_265, %broadcast_in_dim3A_759], %get3A_557 : memref<8x8x129xf32, #tpu.memory_space<vmem>>[vector<16xi32>, vector<16xi32>, vector<16xi32>], vector<16xf32>,
        %scatter3A_778 = arith.constant 1 : i32
        %scatter3A_779 = arith.constant 0 : i32
        %scatter3A_780 = arith.constant 0 : i32
        %scatter3A_781 = arith.constant 0 : i32
        %scatter3A_782 = tpu.memref_slice %arg10[%scatter3A_778, %scatter3A_779, %scatter3A_780, %scatter3A_781] : memref<2x8x8x129xf32, #tpu.memory_space<vmem>> -> memref<1x8x8x129xf32, #tpu.memory_space<vmem>>
        %scatter3A_783 = tpu.memref_squeeze %scatter3A_782 : memref<1x8x8x129xf32, #tpu.memory_space<vmem>> -> memref<8x8x129xf32, #tpu.memory_space<vmem>>
        tpu.vector_store_idx %scatter3A_783[%select_n3A_201, %select_n3A_287, %broadcast_in_dim3A_759], %get3A_564 : memref<8x8x129xf32, #tpu.memory_space<vmem>>[vector<16xi32>, vector<16xi32>, vector<16xi32>], vector<16xf32>,
        %add3A_784 = arith.constant 3 : i32
        %add3A_785 = arith.addi %add3A_480, %add3A_784 : i32
        %broadcast_in_dim3A_786 = vector.broadcast %add3A_785 : i32 to vector<16xi32>
        %scatter3A_787 = arith.constant 1 : i32
        %scatter3A_788 = arith.constant 0 : i32
        %scatter3A_789 = arith.constant 0 : i32
        %scatter3A_790 = arith.constant 0 : i32
        %scatter3A_791 = tpu.memref_slice %arg10[%scatter3A_787, %scatter3A_788, %scatter3A_789, %scatter3A_790] : memref<2x8x8x129xf32, #tpu.memory_space<vmem>> -> memref<1x8x8x129xf32, #tpu.memory_space<vmem>>
        %scatter3A_792 = tpu.memref_squeeze %scatter3A_791 : memref<1x8x8x129xf32, #tpu.memory_space<vmem>> -> memref<8x8x129xf32, #tpu.memory_space<vmem>>
        tpu.vector_store_idx %scatter3A_792[%select_n3A, %select_n3A_221, %broadcast_in_dim3A_786], %get3A_571 : memref<8x8x129xf32, #tpu.memory_space<vmem>>[vector<16xi32>, vector<16xi32>, vector<16xi32>], vector<16xf32>,
        %scatter3A_793 = arith.constant 1 : i32
        %scatter3A_794 = arith.constant 0 : i32
        %scatter3A_795 = arith.constant 0 : i32
        %scatter3A_796 = arith.constant 0 : i32
        %scatter3A_797 = tpu.memref_slice %arg10[%scatter3A_793, %scatter3A_794, %scatter3A_795, %scatter3A_796] : memref<2x8x8x129xf32, #tpu.memory_space<vmem>> -> memref<1x8x8x129xf32, #tpu.memory_space<vmem>>
        %scatter3A_798 = tpu.memref_squeeze %scatter3A_797 : memref<1x8x8x129xf32, #tpu.memory_space<vmem>> -> memref<8x8x129xf32, #tpu.memory_space<vmem>>
        tpu.vector_store_idx %scatter3A_798[%select_n3A_139, %select_n3A_243, %broadcast_in_dim3A_786], %get3A_578 : memref<8x8x129xf32, #tpu.memory_space<vmem>>[vector<16xi32>, vector<16xi32>, vector<16xi32>], vector<16xf32>,
        %scatter3A_799 = arith.constant 1 : i32
        %scatter3A_800 = arith.constant 0 : i32
        %scatter3A_801 = arith.constant 0 : i32
        %scatter3A_802 = arith.constant 0 : i32
        %scatter3A_803 = tpu.memref_slice %arg10[%scatter3A_799, %scatter3A_800, %scatter3A_801, %scatter3A_802] : memref<2x8x8x129xf32, #tpu.memory_space<vmem>> -> memref<1x8x8x129xf32, #tpu.memory_space<vmem>>
        %scatter3A_804 = tpu.memref_squeeze %scatter3A_803 : memref<1x8x8x129xf32, #tpu.memory_space<vmem>> -> memref<8x8x129xf32, #tpu.memory_space<vmem>>
        tpu.vector_store_idx %scatter3A_804[%select_n3A_170, %select_n3A_265, %broadcast_in_dim3A_786], %get3A_585 : memref<8x8x129xf32, #tpu.memory_space<vmem>>[vector<16xi32>, vector<16xi32>, vector<16xi32>], vector<16xf32>,
        %scatter3A_805 = arith.constant 1 : i32
        %scatter3A_806 = arith.constant 0 : i32
        %scatter3A_807 = arith.constant 0 : i32
        %scatter3A_808 = arith.constant 0 : i32
        %scatter3A_809 = tpu.memref_slice %arg10[%scatter3A_805, %scatter3A_806, %scatter3A_807, %scatter3A_808] : memref<2x8x8x129xf32, #tpu.memory_space<vmem>> -> memref<1x8x8x129xf32, #tpu.memory_space<vmem>>
        %scatter3A_810 = tpu.memref_squeeze %scatter3A_809 : memref<1x8x8x129xf32, #tpu.memory_space<vmem>> -> memref<8x8x129xf32, #tpu.memory_space<vmem>>
        tpu.vector_store_idx %scatter3A_810[%select_n3A_201, %select_n3A_287, %broadcast_in_dim3A_786], %get3A_592 : memref<8x8x129xf32, #tpu.memory_space<vmem>>[vector<16xi32>, vector<16xi32>, vector<16xi32>], vector<16xf32>,
        %add3A_811 = arith.constant 4 : i32
        %add3A_812 = arith.addi %add3A_480, %add3A_811 : i32
        %broadcast_in_dim3A_813 = vector.broadcast %add3A_812 : i32 to vector<16xi32>
        %scatter3A_814 = arith.constant 1 : i32
        %scatter3A_815 = arith.constant 0 : i32
        %scatter3A_816 = arith.constant 0 : i32
        %scatter3A_817 = arith.constant 0 : i32
        %scatter3A_818 = tpu.memref_slice %arg10[%scatter3A_814, %scatter3A_815, %scatter3A_816, %scatter3A_817] : memref<2x8x8x129xf32, #tpu.memory_space<vmem>> -> memref<1x8x8x129xf32, #tpu.memory_space<vmem>>
        %scatter3A_819 = tpu.memref_squeeze %scatter3A_818 : memref<1x8x8x129xf32, #tpu.memory_space<vmem>> -> memref<8x8x129xf32, #tpu.memory_space<vmem>>
        tpu.vector_store_idx %scatter3A_819[%select_n3A, %select_n3A_221, %broadcast_in_dim3A_813], %get3A_599 : memref<8x8x129xf32, #tpu.memory_space<vmem>>[vector<16xi32>, vector<16xi32>, vector<16xi32>], vector<16xf32>,
        %scatter3A_820 = arith.constant 1 : i32
        %scatter3A_821 = arith.constant 0 : i32
        %scatter3A_822 = arith.constant 0 : i32
        %scatter3A_823 = arith.constant 0 : i32
        %scatter3A_824 = tpu.memref_slice %arg10[%scatter3A_820, %scatter3A_821, %scatter3A_822, %scatter3A_823] : memref<2x8x8x129xf32, #tpu.memory_space<vmem>> -> memref<1x8x8x129xf32, #tpu.memory_space<vmem>>
        %scatter3A_825 = tpu.memref_squeeze %scatter3A_824 : memref<1x8x8x129xf32, #tpu.memory_space<vmem>> -> memref<8x8x129xf32, #tpu.memory_space<vmem>>
        tpu.vector_store_idx %scatter3A_825[%select_n3A_139, %select_n3A_243, %broadcast_in_dim3A_813], %get3A_606 : memref<8x8x129xf32, #tpu.memory_space<vmem>>[vector<16xi32>, vector<16xi32>, vector<16xi32>], vector<16xf32>,
        %scatter3A_826 = arith.constant 1 : i32
        %scatter3A_827 = arith.constant 0 : i32
        %scatter3A_828 = arith.constant 0 : i32
        %scatter3A_829 = arith.constant 0 : i32
        %scatter3A_830 = tpu.memref_slice %arg10[%scatter3A_826, %scatter3A_827, %scatter3A_828, %scatter3A_829] : memref<2x8x8x129xf32, #tpu.memory_space<vmem>> -> memref<1x8x8x129xf32, #tpu.memory_space<vmem>>
        %scatter3A_831 = tpu.memref_squeeze %scatter3A_830 : memref<1x8x8x129xf32, #tpu.memory_space<vmem>> -> memref<8x8x129xf32, #tpu.memory_space<vmem>>
        tpu.vector_store_idx %scatter3A_831[%select_n3A_170, %select_n3A_265, %broadcast_in_dim3A_813], %get3A_613 : memref<8x8x129xf32, #tpu.memory_space<vmem>>[vector<16xi32>, vector<16xi32>, vector<16xi32>], vector<16xf32>,
        %scatter3A_832 = arith.constant 1 : i32
        %scatter3A_833 = arith.constant 0 : i32
        %scatter3A_834 = arith.constant 0 : i32
        %scatter3A_835 = arith.constant 0 : i32
        %scatter3A_836 = tpu.memref_slice %arg10[%scatter3A_832, %scatter3A_833, %scatter3A_834, %scatter3A_835] : memref<2x8x8x129xf32, #tpu.memory_space<vmem>> -> memref<1x8x8x129xf32, #tpu.memory_space<vmem>>
        %scatter3A_837 = tpu.memref_squeeze %scatter3A_836 : memref<1x8x8x129xf32, #tpu.memory_space<vmem>> -> memref<8x8x129xf32, #tpu.memory_space<vmem>>
        tpu.vector_store_idx %scatter3A_837[%select_n3A_201, %select_n3A_287, %broadcast_in_dim3A_813], %get3A_620 : memref<8x8x129xf32, #tpu.memory_space<vmem>>[vector<16xi32>, vector<16xi32>, vector<16xi32>], vector<16xf32>,
        %add3A_838 = arith.constant 5 : i32
        %add3A_839 = arith.addi %add3A_480, %add3A_838 : i32
        %broadcast_in_dim3A_840 = vector.broadcast %add3A_839 : i32 to vector<16xi32>
        %scatter3A_841 = arith.constant 1 : i32
        %scatter3A_842 = arith.constant 0 : i32
        %scatter3A_843 = arith.constant 0 : i32
        %scatter3A_844 = arith.constant 0 : i32
        %scatter3A_845 = tpu.memref_slice %arg10[%scatter3A_841, %scatter3A_842, %scatter3A_843, %scatter3A_844] : memref<2x8x8x129xf32, #tpu.memory_space<vmem>> -> memref<1x8x8x129xf32, #tpu.memory_space<vmem>>
        %scatter3A_846 = tpu.memref_squeeze %scatter3A_845 : memref<1x8x8x129xf32, #tpu.memory_space<vmem>> -> memref<8x8x129xf32, #tpu.memory_space<vmem>>
        tpu.vector_store_idx %scatter3A_846[%select_n3A, %select_n3A_221, %broadcast_in_dim3A_840], %get3A_627 : memref<8x8x129xf32, #tpu.memory_space<vmem>>[vector<16xi32>, vector<16xi32>, vector<16xi32>], vector<16xf32>,
        %scatter3A_847 = arith.constant 1 : i32
        %scatter3A_848 = arith.constant 0 : i32
        %scatter3A_849 = arith.constant 0 : i32
        %scatter3A_850 = arith.constant 0 : i32
        %scatter3A_851 = tpu.memref_slice %arg10[%scatter3A_847, %scatter3A_848, %scatter3A_849, %scatter3A_850] : memref<2x8x8x129xf32, #tpu.memory_space<vmem>> -> memref<1x8x8x129xf32, #tpu.memory_space<vmem>>
        %scatter3A_852 = tpu.memref_squeeze %scatter3A_851 : memref<1x8x8x129xf32, #tpu.memory_space<vmem>> -> memref<8x8x129xf32, #tpu.memory_space<vmem>>
        tpu.vector_store_idx %scatter3A_852[%select_n3A_139, %select_n3A_243, %broadcast_in_dim3A_840], %get3A_634 : memref<8x8x129xf32, #tpu.memory_space<vmem>>[vector<16xi32>, vector<16xi32>, vector<16xi32>], vector<16xf32>,
        %scatter3A_853 = arith.constant 1 : i32
        %scatter3A_854 = arith.constant 0 : i32
        %scatter3A_855 = arith.constant 0 : i32
        %scatter3A_856 = arith.constant 0 : i32
        %scatter3A_857 = tpu.memref_slice %arg10[%scatter3A_853, %scatter3A_854, %scatter3A_855, %scatter3A_856] : memref<2x8x8x129xf32, #tpu.memory_space<vmem>> -> memref<1x8x8x129xf32, #tpu.memory_space<vmem>>
        %scatter3A_858 = tpu.memref_squeeze %scatter3A_857 : memref<1x8x8x129xf32, #tpu.memory_space<vmem>> -> memref<8x8x129xf32, #tpu.memory_space<vmem>>
        tpu.vector_store_idx %scatter3A_858[%select_n3A_170, %select_n3A_265, %broadcast_in_dim3A_840], %get3A_641 : memref<8x8x129xf32, #tpu.memory_space<vmem>>[vector<16xi32>, vector<16xi32>, vector<16xi32>], vector<16xf32>,
        %scatter3A_859 = arith.constant 1 : i32
        %scatter3A_860 = arith.constant 0 : i32
        %scatter3A_861 = arith.constant 0 : i32
        %scatter3A_862 = arith.constant 0 : i32
        %scatter3A_863 = tpu.memref_slice %arg10[%scatter3A_859, %scatter3A_860, %scatter3A_861, %scatter3A_862] : memref<2x8x8x129xf32, #tpu.memory_space<vmem>> -> memref<1x8x8x129xf32, #tpu.memory_space<vmem>>
        %scatter3A_864 = tpu.memref_squeeze %scatter3A_863 : memref<1x8x8x129xf32, #tpu.memory_space<vmem>> -> memref<8x8x129xf32, #tpu.memory_space<vmem>>
        tpu.vector_store_idx %scatter3A_864[%select_n3A_201, %select_n3A_287, %broadcast_in_dim3A_840], %get3A_648 : memref<8x8x129xf32, #tpu.memory_space<vmem>>[vector<16xi32>, vector<16xi32>, vector<16xi32>], vector<16xf32>,
        %add3A_865 = arith.constant 6 : i32
        %add3A_866 = arith.addi %add3A_480, %add3A_865 : i32
        %broadcast_in_dim3A_867 = vector.broadcast %add3A_866 : i32 to vector<16xi32>
        %scatter3A_868 = arith.constant 1 : i32
        %scatter3A_869 = arith.constant 0 : i32
        %scatter3A_870 = arith.constant 0 : i32
        %scatter3A_871 = arith.constant 0 : i32
        %scatter3A_872 = tpu.memref_slice %arg10[%scatter3A_868, %scatter3A_869, %scatter3A_870, %scatter3A_871] : memref<2x8x8x129xf32, #tpu.memory_space<vmem>> -> memref<1x8x8x129xf32, #tpu.memory_space<vmem>>
        %scatter3A_873 = tpu.memref_squeeze %scatter3A_872 : memref<1x8x8x129xf32, #tpu.memory_space<vmem>> -> memref<8x8x129xf32, #tpu.memory_space<vmem>>
        tpu.vector_store_idx %scatter3A_873[%select_n3A, %select_n3A_221, %broadcast_in_dim3A_867], %get3A_655 : memref<8x8x129xf32, #tpu.memory_space<vmem>>[vector<16xi32>, vector<16xi32>, vector<16xi32>], vector<16xf32>,
        %scatter3A_874 = arith.constant 1 : i32
        %scatter3A_875 = arith.constant 0 : i32
        %scatter3A_876 = arith.constant 0 : i32
        %scatter3A_877 = arith.constant 0 : i32
        %scatter3A_878 = tpu.memref_slice %arg10[%scatter3A_874, %scatter3A_875, %scatter3A_876, %scatter3A_877] : memref<2x8x8x129xf32, #tpu.memory_space<vmem>> -> memref<1x8x8x129xf32, #tpu.memory_space<vmem>>
        %scatter3A_879 = tpu.memref_squeeze %scatter3A_878 : memref<1x8x8x129xf32, #tpu.memory_space<vmem>> -> memref<8x8x129xf32, #tpu.memory_space<vmem>>
        tpu.vector_store_idx %scatter3A_879[%select_n3A_139, %select_n3A_243, %broadcast_in_dim3A_867], %get3A_662 : memref<8x8x129xf32, #tpu.memory_space<vmem>>[vector<16xi32>, vector<16xi32>, vector<16xi32>], vector<16xf32>,
        %scatter3A_880 = arith.constant 1 : i32
        %scatter3A_881 = arith.constant 0 : i32
        %scatter3A_882 = arith.constant 0 : i32
        %scatter3A_883 = arith.constant 0 : i32
        %scatter3A_884 = tpu.memref_slice %arg10[%scatter3A_880, %scatter3A_881, %scatter3A_882, %scatter3A_883] : memref<2x8x8x129xf32, #tpu.memory_space<vmem>> -> memref<1x8x8x129xf32, #tpu.memory_space<vmem>>
        %scatter3A_885 = tpu.memref_squeeze %scatter3A_884 : memref<1x8x8x129xf32, #tpu.memory_space<vmem>> -> memref<8x8x129xf32, #tpu.memory_space<vmem>>
        tpu.vector_store_idx %scatter3A_885[%select_n3A_170, %select_n3A_265, %broadcast_in_dim3A_867], %get3A_669 : memref<8x8x129xf32, #tpu.memory_space<vmem>>[vector<16xi32>, vector<16xi32>, vector<16xi32>], vector<16xf32>,
        %scatter3A_886 = arith.constant 1 : i32
        %scatter3A_887 = arith.constant 0 : i32
        %scatter3A_888 = arith.constant 0 : i32
        %scatter3A_889 = arith.constant 0 : i32
        %scatter3A_890 = tpu.memref_slice %arg10[%scatter3A_886, %scatter3A_887, %scatter3A_888, %scatter3A_889] : memref<2x8x8x129xf32, #tpu.memory_space<vmem>> -> memref<1x8x8x129xf32, #tpu.memory_space<vmem>>
        %scatter3A_891 = tpu.memref_squeeze %scatter3A_890 : memref<1x8x8x129xf32, #tpu.memory_space<vmem>> -> memref<8x8x129xf32, #tpu.memory_space<vmem>>
        tpu.vector_store_idx %scatter3A_891[%select_n3A_201, %select_n3A_287, %broadcast_in_dim3A_867], %get3A_676 : memref<8x8x129xf32, #tpu.memory_space<vmem>>[vector<16xi32>, vector<16xi32>, vector<16xi32>], vector<16xf32>,
        %add3A_892 = arith.constant 7 : i32
        %add3A_893 = arith.addi %add3A_480, %add3A_892 : i32
        %broadcast_in_dim3A_894 = vector.broadcast %add3A_893 : i32 to vector<16xi32>
        %scatter3A_895 = arith.constant 1 : i32
        %scatter3A_896 = arith.constant 0 : i32
        %scatter3A_897 = arith.constant 0 : i32
        %scatter3A_898 = arith.constant 0 : i32
        %scatter3A_899 = tpu.memref_slice %arg10[%scatter3A_895, %scatter3A_896, %scatter3A_897, %scatter3A_898] : memref<2x8x8x129xf32, #tpu.memory_space<vmem>> -> memref<1x8x8x129xf32, #tpu.memory_space<vmem>>
        %scatter3A_900 = tpu.memref_squeeze %scatter3A_899 : memref<1x8x8x129xf32, #tpu.memory_space<vmem>> -> memref<8x8x129xf32, #tpu.memory_space<vmem>>
        tpu.vector_store_idx %scatter3A_900[%select_n3A, %select_n3A_221, %broadcast_in_dim3A_894], %get3A_683 : memref<8x8x129xf32, #tpu.memory_space<vmem>>[vector<16xi32>, vector<16xi32>, vector<16xi32>], vector<16xf32>,
        %scatter3A_901 = arith.constant 1 : i32
        %scatter3A_902 = arith.constant 0 : i32
        %scatter3A_903 = arith.constant 0 : i32
        %scatter3A_904 = arith.constant 0 : i32
        %scatter3A_905 = tpu.memref_slice %arg10[%scatter3A_901, %scatter3A_902, %scatter3A_903, %scatter3A_904] : memref<2x8x8x129xf32, #tpu.memory_space<vmem>> -> memref<1x8x8x129xf32, #tpu.memory_space<vmem>>
        %scatter3A_906 = tpu.memref_squeeze %scatter3A_905 : memref<1x8x8x129xf32, #tpu.memory_space<vmem>> -> memref<8x8x129xf32, #tpu.memory_space<vmem>>
        tpu.vector_store_idx %scatter3A_906[%select_n3A_139, %select_n3A_243, %broadcast_in_dim3A_894], %get3A_690 : memref<8x8x129xf32, #tpu.memory_space<vmem>>[vector<16xi32>, vector<16xi32>, vector<16xi32>], vector<16xf32>,
        %scatter3A_907 = arith.constant 1 : i32
        %scatter3A_908 = arith.constant 0 : i32
        %scatter3A_909 = arith.constant 0 : i32
        %scatter3A_910 = arith.constant 0 : i32
        %scatter3A_911 = tpu.memref_slice %arg10[%scatter3A_907, %scatter3A_908, %scatter3A_909, %scatter3A_910] : memref<2x8x8x129xf32, #tpu.memory_space<vmem>> -> memref<1x8x8x129xf32, #tpu.memory_space<vmem>>
        %scatter3A_912 = tpu.memref_squeeze %scatter3A_911 : memref<1x8x8x129xf32, #tpu.memory_space<vmem>> -> memref<8x8x129xf32, #tpu.memory_space<vmem>>
        tpu.vector_store_idx %scatter3A_912[%select_n3A_170, %select_n3A_265, %broadcast_in_dim3A_894], %get3A_697 : memref<8x8x129xf32, #tpu.memory_space<vmem>>[vector<16xi32>, vector<16xi32>, vector<16xi32>], vector<16xf32>,
        %scatter3A_913 = arith.constant 1 : i32
        %scatter3A_914 = arith.constant 0 : i32
        %scatter3A_915 = arith.constant 0 : i32
        %scatter3A_916 = arith.constant 0 : i32
        %scatter3A_917 = tpu.memref_slice %arg10[%scatter3A_913, %scatter3A_914, %scatter3A_915, %scatter3A_916] : memref<2x8x8x129xf32, #tpu.memory_space<vmem>> -> memref<1x8x8x129xf32, #tpu.memory_space<vmem>>
        %scatter3A_918 = tpu.memref_squeeze %scatter3A_917 : memref<1x8x8x129xf32, #tpu.memory_space<vmem>> -> memref<8x8x129xf32, #tpu.memory_space<vmem>>
        tpu.vector_store_idx %scatter3A_918[%select_n3A_201, %select_n3A_287, %broadcast_in_dim3A_894], %get3A_704 : memref<8x8x129xf32, #tpu.memory_space<vmem>>[vector<16xi32>, vector<16xi32>, vector<16xi32>], vector<16xf32>,
      }
      %scan3A_446 = arith.constant 16 : i32
      %dma_start3A_447 = arith.constant 1 : i32
      %dma_start3A_448 = arith.constant 0 : i32
      %dma_start3A_449 = arith.constant 0 : i32
      %dma_start3A_450 = arith.constant 0 : i32
      %dma_start3A_451 = tpu.memref_slice %arg10[%dma_start3A_447, %dma_start3A_448, %dma_start3A_449, %dma_start3A_450] : memref<2x8x8x129xf32, #tpu.memory_space<vmem>> -> memref<1x8x8x129xf32, #tpu.memory_space<vmem>>
      %dma_start3A_452 = tpu.memref_squeeze %dma_start3A_451 : memref<1x8x8x129xf32, #tpu.memory_space<vmem>> -> memref<8x8x129xf32, #tpu.memory_space<vmem>>
      %dma_start3A_453 = arith.constant 0 : i32
      %dma_start3A_454 = arith.constant 0 : i32
      %dma_start3A_455 = arith.constant 0 : i32
      %dma_start3A_456 = tpu.memref_slice %dma_start3A_452[%dma_start3A_453, %dma_start3A_454, %dma_start3A_455] : memref<8x8x129xf32, #tpu.memory_space<vmem>> -> memref<8x8x128xf32, #tpu.memory_space<vmem>>
      %dma_start3A_457 = arith.constant 0 : i32
      %dma_start3A_458 = arith.constant 0 : i32
      %dma_start3A_459 = arith.constant 0 : i32
      %dma_start3A_460 = tpu.memref_slice %arg6[%add3A_417, %dma_start3A_457, %add3A, %dma_start3A_458, %dma_start3A_459] : memref<200x8x32x8x128xf32, #tpu.memory_space<hbm>> -> memref<1x8x1x8x128xf32, #tpu.memory_space<hbm>>
      %dma_start3A_461 = tpu.memref_squeeze %dma_start3A_460 : memref<1x8x1x8x128xf32, #tpu.memory_space<hbm>> -> memref<8x8x128xf32, #tpu.memory_space<hbm>>
      %dma_start3A_462 = arith.constant 0 : i32
      %dma_start3A_463 = arith.constant 0 : i32
      %dma_start3A_464 = arith.constant 0 : i32
      %dma_start3A_465 = tpu.memref_slice %arg6[%add3A_417, %dma_start3A_462, %add3A, %dma_start3A_463, %dma_start3A_464] : memref<200x8x32x8x128xf32, #tpu.memory_space<hbm>> -> memref<1x8x1x8x128xf32, #tpu.memory_space<hbm>>
      %dma_start3A_466 = tpu.memref_squeeze %dma_start3A_465 : memref<1x8x1x8x128xf32, #tpu.memory_space<hbm>> -> memref<8x8x128xf32, #tpu.memory_space<hbm>>
      %dma_start3A_467 = arith.constant 0 : i32
      %dma_start3A_468 = arith.constant 0 : i32
      %dma_start3A_469 = arith.constant 0 : i32
      %dma_start3A_470 = tpu.memref_slice %arg10[%dma_start3A_447, %dma_start3A_467, %dma_start3A_468, %dma_start3A_469] : memref<2x8x8x129xf32, #tpu.memory_space<vmem>> -> memref<1x8x8x129xf32, #tpu.memory_space<vmem>>
      %dma_start3A_471 = tpu.memref_squeeze %dma_start3A_470 : memref<1x8x8x129xf32, #tpu.memory_space<vmem>> -> memref<8x8x129xf32, #tpu.memory_space<vmem>>
      %dma_start3A_472 = arith.constant 0 : i32
      %dma_start3A_473 = arith.constant 0 : i32
      %dma_start3A_474 = arith.constant 0 : i32
      %dma_start3A_475 = tpu.memref_slice %dma_start3A_471[%dma_start3A_472, %dma_start3A_473, %dma_start3A_474] : memref<8x8x129xf32, #tpu.memory_space<vmem>> -> memref<8x8x128xf32, #tpu.memory_space<vmem>>
      tpu.enqueue_dma source(%dma_start3A_475 : memref<8x8x128xf32, #tpu.memory_space<vmem>>) target(%dma_start3A_466 : memref<8x8x128xf32, #tpu.memory_space<hbm>>) target_semaphore(%arg12 : memref<!tpu.dma_semaphore, #tpu.memory_space<semaphore_mem>>)
    }
    %scan3A_292 = arith.constant 100 : i32
    %dma_wait3A = arith.constant 0 : i32
    %dma_wait3A_293 = arith.constant 0 : i32
    %dma_wait3A_294 = arith.constant 0 : i32
    %dma_wait3A_295 = arith.constant 0 : i32
    %dma_wait3A_296 = arith.constant 0 : i32
    %dma_wait3A_297 = arith.constant 0 : i32
    %dma_wait3A_298 = tpu.memref_slice %arg10[%dma_wait3A, %dma_wait3A_295, %dma_wait3A_296, %dma_wait3A_297] : memref<2x8x8x129xf32, #tpu.memory_space<vmem>> -> memref<1x8x8x129xf32, #tpu.memory_space<vmem>>
    %dma_wait3A_299 = tpu.memref_squeeze %dma_wait3A_298 : memref<1x8x8x129xf32, #tpu.memory_space<vmem>> -> memref<8x8x129xf32, #tpu.memory_space<vmem>>
    %dma_wait3A_300 = arith.constant 0 : i32
    %dma_wait3A_301 = arith.constant 0 : i32
    %dma_wait3A_302 = arith.constant 0 : i32
    %dma_wait3A_303 = tpu.memref_slice %dma_wait3A_299[%dma_wait3A_300, %dma_wait3A_301, %dma_wait3A_302] : memref<8x8x129xf32, #tpu.memory_space<vmem>> -> memref<8x8x128xf32, #tpu.memory_space<vmem>>
    %dma_wait3A_304 = arith.constant 0 : i32
    %dma_wait3A_305 = arith.constant 0 : i32
    %dma_wait3A_306 = arith.constant 0 : i32
    %dma_wait3A_307 = tpu.memref_slice %arg6[%dma_wait3A_293, %dma_wait3A_304, %dma_wait3A_294, %dma_wait3A_305, %dma_wait3A_306] : memref<200x8x32x8x128xf32, #tpu.memory_space<hbm>> -> memref<1x8x1x8x128xf32, #tpu.memory_space<hbm>>
    %dma_wait3A_308 = tpu.memref_squeeze %dma_wait3A_307 : memref<1x8x1x8x128xf32, #tpu.memory_space<hbm>> -> memref<8x8x128xf32, #tpu.memory_space<hbm>>
    %dma_wait3A_309 = arith.constant 0 : i32
    %dma_wait3A_310 = arith.constant 0 : i32
    %dma_wait3A_311 = arith.constant 0 : i32
    %dma_wait3A_312 = tpu.memref_slice %arg6[%dma_wait3A_293, %dma_wait3A_309, %dma_wait3A_294, %dma_wait3A_310, %dma_wait3A_311] : memref<200x8x32x8x128xf32, #tpu.memory_space<hbm>> -> memref<1x8x1x8x128xf32, #tpu.memory_space<hbm>>
    %dma_wait3A_313 = tpu.memref_squeeze %dma_wait3A_312 : memref<1x8x1x8x128xf32, #tpu.memory_space<hbm>> -> memref<8x8x128xf32, #tpu.memory_space<hbm>>
    %dma_wait3A_314 = arith.constant 0 : i32
    %dma_wait3A_315 = arith.constant 0 : i32
    %dma_wait3A_316 = arith.constant 0 : i32
    %dma_wait3A_317 = tpu.memref_slice %arg10[%dma_wait3A, %dma_wait3A_314, %dma_wait3A_315, %dma_wait3A_316] : memref<2x8x8x129xf32, #tpu.memory_space<vmem>> -> memref<1x8x8x129xf32, #tpu.memory_space<vmem>>
    %dma_wait3A_318 = tpu.memref_squeeze %dma_wait3A_317 : memref<1x8x8x129xf32, #tpu.memory_space<vmem>> -> memref<8x8x129xf32, #tpu.memory_space<vmem>>
    %dma_wait3A_319 = arith.constant 0 : i32
    %dma_wait3A_320 = arith.constant 0 : i32
    %dma_wait3A_321 = arith.constant 0 : i32
    %dma_wait3A_322 = tpu.memref_slice %dma_wait3A_318[%dma_wait3A_319, %dma_wait3A_320, %dma_wait3A_321] : memref<8x8x129xf32, #tpu.memory_space<vmem>> -> memref<8x8x128xf32, #tpu.memory_space<vmem>>
    tpu.wait_dma2 semaphore(%arg12 : memref<!tpu.dma_semaphore, #tpu.memory_space<semaphore_mem>>) src(%dma_wait3A_322 : memref<8x8x128xf32, #tpu.memory_space<vmem>>) dst(%dma_wait3A_313 : memref<8x8x128xf32, #tpu.memory_space<hbm>>)
    %dma_wait3A_323 = arith.constant 1 : i32
    %dma_wait3A_324 = arith.constant 0 : i32
    %dma_wait3A_325 = arith.constant 0 : i32
    %dma_wait3A_326 = arith.constant 0 : i32
    %dma_wait3A_327 = arith.constant 0 : i32
    %dma_wait3A_328 = arith.constant 0 : i32
    %dma_wait3A_329 = tpu.memref_slice %arg10[%dma_wait3A_323, %dma_wait3A_326, %dma_wait3A_327, %dma_wait3A_328] : memref<2x8x8x129xf32, #tpu.memory_space<vmem>> -> memref<1x8x8x129xf32, #tpu.memory_space<vmem>>
    %dma_wait3A_330 = tpu.memref_squeeze %dma_wait3A_329 : memref<1x8x8x129xf32, #tpu.memory_space<vmem>> -> memref<8x8x129xf32, #tpu.memory_space<vmem>>
    %dma_wait3A_331 = arith.constant 0 : i32
    %dma_wait3A_332 = arith.constant 0 : i32
    %dma_wait3A_333 = arith.constant 0 : i32
    %dma_wait3A_334 = tpu.memref_slice %dma_wait3A_330[%dma_wait3A_331, %dma_wait3A_332, %dma_wait3A_333] : memref<8x8x129xf32, #tpu.memory_space<vmem>> -> memref<8x8x128xf32, #tpu.memory_space<vmem>>
    %dma_wait3A_335 = arith.constant 0 : i32
    %dma_wait3A_336 = arith.constant 0 : i32
    %dma_wait3A_337 = arith.constant 0 : i32
    %dma_wait3A_338 = tpu.memref_slice %arg6[%dma_wait3A_324, %dma_wait3A_335, %dma_wait3A_325, %dma_wait3A_336, %dma_wait3A_337] : memref<200x8x32x8x128xf32, #tpu.memory_space<hbm>> -> memref<1x8x1x8x128xf32, #tpu.memory_space<hbm>>
    %dma_wait3A_339 = tpu.memref_squeeze %dma_wait3A_338 : memref<1x8x1x8x128xf32, #tpu.memory_space<hbm>> -> memref<8x8x128xf32, #tpu.memory_space<hbm>>
    %dma_wait3A_340 = arith.constant 0 : i32
    %dma_wait3A_341 = arith.constant 0 : i32
    %dma_wait3A_342 = arith.constant 0 : i32
    %dma_wait3A_343 = tpu.memref_slice %arg6[%dma_wait3A_324, %dma_wait3A_340, %dma_wait3A_325, %dma_wait3A_341, %dma_wait3A_342] : memref<200x8x32x8x128xf32, #tpu.memory_space<hbm>> -> memref<1x8x1x8x128xf32, #tpu.memory_space<hbm>>
    %dma_wait3A_344 = tpu.memref_squeeze %dma_wait3A_343 : memref<1x8x1x8x128xf32, #tpu.memory_space<hbm>> -> memref<8x8x128xf32, #tpu.memory_space<hbm>>
    %dma_wait3A_345 = arith.constant 0 : i32
    %dma_wait3A_346 = arith.constant 0 : i32
    %dma_wait3A_347 = arith.constant 0 : i32
    %dma_wait3A_348 = tpu.memref_slice %arg10[%dma_wait3A_323, %dma_wait3A_345, %dma_wait3A_346, %dma_wait3A_347] : memref<2x8x8x129xf32, #tpu.memory_space<vmem>> -> memref<1x8x8x129xf32, #tpu.memory_space<vmem>>
    %dma_wait3A_349 = tpu.memref_squeeze %dma_wait3A_348 : memref<1x8x8x129xf32, #tpu.memory_space<vmem>> -> memref<8x8x129xf32, #tpu.memory_space<vmem>>
    %dma_wait3A_350 = arith.constant 0 : i32
    %dma_wait3A_351 = arith.constant 0 : i32
    %dma_wait3A_352 = arith.constant 0 : i32
    %dma_wait3A_353 = tpu.memref_slice %dma_wait3A_349[%dma_wait3A_350, %dma_wait3A_351, %dma_wait3A_352] : memref<8x8x129xf32, #tpu.memory_space<vmem>> -> memref<8x8x128xf32, #tpu.memory_space<vmem>>
    tpu.wait_dma2 semaphore(%arg12 : memref<!tpu.dma_semaphore, #tpu.memory_space<semaphore_mem>>) src(%dma_wait3A_353 : memref<8x8x128xf32, #tpu.memory_space<vmem>>) dst(%dma_wait3A_344 : memref<8x8x128xf32, #tpu.memory_space<hbm>>)
    return
  }
}

module attributes {stable_mosaic.version = 14 : i64} {
  func.func @_normalize_body(%arg0: i32, %arg1: memref<5000x64xf32, #tpu.memory_space<vmem>>, %arg2: memref<5000x64xf32, #tpu.memory_space<vmem>>, %arg3: memref<5000x128xf32, #tpu.memory_space<vmem>>) attributes {dimension_semantics = [#tpu.dimension_semantics<arbitrary>], iteration_bounds = array<i64: 10>, scalar_prefetch = 0 : i64, scratch_operands = 0 : i64, tpu.core_type = #tpu.core_type<tc>, window_params = [{transform_indices = @transform_0, window_bounds = array<i64: 5000, 64>}, {transform_indices = @transform_1, window_bounds = array<i64: 5000, 64>}, {transform_indices = @transform_2, window_bounds = array<i64: 5000, 128>}]} {
    %get3A = arith.constant 0 : index
    %get3A_0 = arith.constant 0 : index
    %get3A_1 = vector.load %arg1[%get3A, %get3A_0] : memref<5000x64xf32, #tpu.memory_space<vmem>>, vector<5000x64xf32>
    %mul3A = arith.mulf %get3A_1, %get3A_1 : vector<5000x64xf32>
    %reduce_sum3A = arith.constant dense<0.000000e+00> : vector<5000xf32>
    %reduce_sum3A_2 = vector.multi_reduction <add>, %mul3A, %reduce_sum3A [1] : vector<5000x64xf32> to vector<5000xf32>
    %broadcast_in_dim3A = vector.shape_cast %reduce_sum3A_2 : vector<5000xf32> to vector<5000x1xf32>
    %sqrt3A = math.sqrt %broadcast_in_dim3A : vector<5000x1xf32>
    %max3A = arith.constant 9.99999997E-7 : f32
    %max3A_3 = vector.broadcast %max3A : f32 to vector<5000x1xf32>
    %max3A_4 = arith.maximumf %sqrt3A, %max3A_3 : vector<5000x1xf32>
    %div3A = arith.constant 1.000000e+00 : f32
    %div3A_5 = vector.broadcast %div3A : f32 to vector<5000x1xf32>
    %div3A_6 = arith.divf %div3A_5, %max3A_4 : vector<5000x1xf32>
    %mul3A_7 = vector.broadcast %div3A_6 : vector<5000x1xf32> to vector<5000x64xf32>
    %mul3A_8 = arith.mulf %get3A_1, %mul3A_7 : vector<5000x64xf32>
    %get3A_9 = arith.constant 0 : index
    %get3A_10 = arith.constant 0 : index
    %get3A_11 = vector.load %arg2[%get3A_9, %get3A_10] : memref<5000x64xf32, #tpu.memory_space<vmem>>, vector<5000x64xf32>
    %mul3A_12 = arith.mulf %get3A_11, %get3A_11 : vector<5000x64xf32>
    %reduce_sum3A_13 = arith.constant dense<0.000000e+00> : vector<5000xf32>
    %reduce_sum3A_14 = vector.multi_reduction <add>, %mul3A_12, %reduce_sum3A_13 [1] : vector<5000x64xf32> to vector<5000xf32>
    %broadcast_in_dim3A_15 = vector.shape_cast %reduce_sum3A_14 : vector<5000xf32> to vector<5000x1xf32>
    %sqrt3A_16 = math.sqrt %broadcast_in_dim3A_15 : vector<5000x1xf32>
    %max3A_17 = arith.constant 9.99999997E-7 : f32
    %max3A_18 = vector.broadcast %max3A_17 : f32 to vector<5000x1xf32>
    %max3A_19 = arith.maximumf %sqrt3A_16, %max3A_18 : vector<5000x1xf32>
    %div3A_20 = arith.constant 1.000000e+00 : f32
    %div3A_21 = vector.broadcast %div3A_20 : f32 to vector<5000x1xf32>
    %div3A_22 = arith.divf %div3A_21, %max3A_19 : vector<5000x1xf32>
    %mul3A_23 = vector.broadcast %div3A_22 : vector<5000x1xf32> to vector<5000x64xf32>
    %mul3A_24 = arith.mulf %get3A_11, %mul3A_23 : vector<5000x64xf32>
    %concatenate3A = tpu.concatenate %mul3A_8, %mul3A_24 in 1 : vector<5000x64xf32>, vector<5000x64xf32> -> vector<5000x128xf32>
    %swap3A = arith.constant 0 : index
    %swap3A_25 = arith.constant 0 : index
    %swap3A_26 = vector.load %arg3[%swap3A, %swap3A_25] : memref<5000x128xf32, #tpu.memory_space<vmem>>, vector<5000x128xf32>
    tpu.vector_store %arg3[%swap3A, %swap3A_25], %concatenate3A {strides = array<i32>} : memref<5000x128xf32, #tpu.memory_space<vmem>>, vector<5000x128xf32>,
    return
  }
  func.func @transform_0(%arg0: i32) -> (i32, i32) {
    %c0_i32 = arith.constant 0 : i32
    %c0_i32_0 = arith.constant 0 : i32
    return %arg0, %c0_i32 : i32, i32
  }
  func.func @transform_1(%arg0: i32) -> (i32, i32) {
    %add3A = arith.constant 10 : i32
    %add3A_0 = arith.addi %arg0, %add3A : i32
    %c0_i32 = arith.constant 0 : i32
    %c0_i32_1 = arith.constant 0 : i32
    return %add3A_0, %c0_i32 : i32, i32
  }
  func.func @transform_2(%arg0: i32) -> (i32, i32) {
    %c0_i32 = arith.constant 0 : i32
    %c0_i32_0 = arith.constant 0 : i32
    return %arg0, %c0_i32 : i32, i32
  }
}

</mosaic_0001>

<sc_bundles>
// kernel: kernel.4.cloned.1.call-start
scs
__scs_entry_jumppad:
0x0: {  	(pc) =	sbr.rel $0x88, $3  }
0x1: {  	(tag) =	ssettag $0x0;
	lr =	simm.s32 $0x1  }
0x2: {  	[smem:$0x3F9F] =	sst lr;
	_ =	strace $0xD0000000  }
0x3: {  	_ = 	snop  }
0x4: {  	_ = 	snop  }
0x5: {  	_ = 	snop  }
0x6: {  	_ = 	snop  }
0x7: {  	_ = 	snop  }
__scs_overlays_trampoline_lowered:
0x8: {  	[smem:$0x3FAE] =	sst s0  }
0x9: {  	[smem:$0x3FAF] =	sst s1  }
0xa: {  	[smem:$0x3FB0] =	sst s2  }
0xb: {  	[smem:$0x3FB1] =	sst s3  }
0xc: {  	[smem:$0x3FB2] =	sst s4  }
0xd: {  	[smem:$0x3FB3] =	sst s5  }
0xe: {  	[smem:$0x3FB4] =	sst s6  }
0xf: {  	[smem:$0x3FB5] =	sst s7  }
0x10: {  	[smem:$0x3FB6] =	sst s8  }
0x11: {  	[smem:$0x3FB7] =	sst s9;
	s0 =	simm.s32 @!p0 $0x0  }
0x12: {  	s1 =	sld [smem:$0x3F9D];
	s0 =	simm.s32 @p0 $0x1  }
0x13: {  	[smem:$0x3FB8] =	sst s0;
	s0 =	simm.s32 @!p1 $0x0  }
0x14: {  	s2 =	sld [smem:$0x3F9C];
	s0 =	simm.s32 @p1 $0x1  }
0x15: {  	[smem:$0x3FB9] =	sst s0;
	s0 =	simm.s32 @!p2 $0x0  }
0x16: {  	s3 =	sld [smem:$0x3FDB];
	s0 =	simm.s32 @p2 $0x1  }
0x17: {  	s4 =	simm.s32 $0x1BF5;
	[smem:$0x3FBB] =	sst s0  }
0x18: {  	s0 =	sld [smem:$0x3F9E];
	_ =	swait.ge [sflag:s4], $0x0  }
0x19: {  	s7 =	sld [smem:$0x3F9F]  }
0x1a: {  	s8 =	sadd.s32 $0xFFFFE003, lr  }
0x1b: {  	s9 =	sadd.s32 $0xFFFFFEF7, lr;
	s5 =	simm.s32 $0xFFFFFFFF;
	p2 =	slt.u32 s8, $0xFFFFF086  }
0x1c: {  	p1 =	slt.u32 s9, $0xF7A;
	s5 =	simm.s32 @!p2 $0x0  }
0x1d: {  	s5 =	simm.s32 @p1 $0x1;
	p0 =	seq.s32 s7, s2  }
0x1e: {  	s7 =	smul.u32 @!p0 $0xF7A, s2;
	p2 =	seq.s32 @!p0 s5, $0x0  }
0x1f: {  	s9 =	smul.u32 $0xF7A, s1;
	s8 =	simm.s32 @!p0 $0x1BF5;
	p2 =	por !p2, p0  }
0x20: {  	[sflag:s8] =	ssyncset.s32 @!p0 $0xFFFFF086;
	s6 =	sadd.s32 @!p0 s3, s7;
	s7 =	simm.s32 @!p0 $0x108  }
0x21: {  	s3 =	sadd.s32 s3, s9;
	s6 =	sadd.s32 @!p0 $0x88, s6;
	s7 =	simm.s32 @p2 $0x1082  }
0x22: {  	[simem:s7], [sflag:s8] =	dma.local @!p0 [hbm:s6], $0xF7A  }
0x23: {  	s9 =	sor.u32 $0xD0000000, s2;
	s6 =	simm.s32 $0x108;
	_ =	swait.ge @!p0 [sflag:s8], $0x0  }
0x24: {  	s3 =	sadd.s32 $0x88, s3;
	s6 =	simm.s32 @!p1 $0x1082;
	[sflag:s4] =	ssyncset.s32 $0xFFFFF086  }
0x25: {  	[simem:s6], [sflag:s4] =	dma.local [hbm:s3], $0xF7A  }
0x26: {  	[smem:$0x3F9F] =	sst s1;
	(tag) =	ssettag s2;
	_ =	strace s9  }
0x27: {  	s1 =	sld [smem:$0x3FAF]  }
0x28: {  	s2 =	sld [smem:$0x3FB0]  }
0x29: {  	s4 =	sld [smem:$0x3FB2]  }
0x2a: {  	p0 =	seq.s32 s5, $0x0;
	s5 =	sld [smem:$0x3FB3]  }
0x2b: {  	s6 =	sld [smem:$0x3FB4]  }
0x2c: {  	s7 =	sld [smem:$0x3FB5]  }
0x2d: {  	s3 =	simm.s32 $0x108;
	s8 =	sld [smem:$0x3FB6]  }
0x2e: {  	s3 =	simm.s32 @!p0 $0x1082;
	s9 =	sld [smem:$0x3FB7]  }
0x2f: {  	lr =	sadd.s32 s0, s3;
	s0 =	sld [smem:$0x3FAE]  }
0x30: {  	s3 =	sld [smem:$0x3FB1]  }
0x31: {  	[smem:$0x3FBA] =	sst s10  }
0x32: {  	s10 =	sld [smem:$0x3FB8];
	_ =	sdelay $0x3  }
0x33: {  	p0 =	seq.s32 s10, $0x1;
	s10 =	sld [smem:$0x3FBA];
	_ =	sdelay $0x3  }
0x34: {  	[smem:$0x3FBA] =	sst s10  }
0x35: {  	s10 =	sld [smem:$0x3FB9];
	_ =	sdelay $0x3  }
0x36: {  	p1 =	seq.s32 s10, $0x1;
	s10 =	sld [smem:$0x3FBA];
	_ =	sdelay $0x3  }
0x37: {  	[smem:$0x3FBA] =	sst s10  }
0x38: {  	s10 =	sld [smem:$0x3FBB]  }
0x39: {  	_ = 	snop;
	(pc) =	sbr.ind lr, $3  }
0x3a: {  	_ = 	snop  }
0x3b: {  	_ = 	snop  }
0x3c: {  	p2 =	seq.s32 s10, $0x1;
	s10 =	sld [smem:$0x3FBA]  }
0x3d: {  	_ =	shalt  }
0x3e: {  	_ =	shalt  }
0x3f: {  	_ =	shalt  }
0x40: {  	_ =	shalt  }
0x41: {  	_ =	shalt  }
0x42: {  	_ =	shalt  }
0x43: {  	_ =	shalt  }
0x44: {  	_ =	shalt  }
0x45: {  	_ =	shalt  }
0x46: {  	_ =	shalt  }
0x47: {  	_ =	shalt  }
0x48: {  	_ =	shalt  }
0x49: {  	_ =	shalt  }
0x4a: {  	_ =	shalt  }
0x4b: {  	_ =	shalt  }
0x4c: {  	_ =	shalt  }
0x4d: {  	_ =	shalt  }
0x4e: {  	_ =	shalt  }
0x4f: {  	_ =	shalt  }
0x50: {  	_ =	shalt  }
0x51: {  	_ =	shalt  }
0x52: {  	_ =	shalt  }
0x53: {  	_ =	shalt  }
0x54: {  	_ =	shalt  }
0x55: {  	_ =	shalt  }
0x56: {  	_ =	shalt  }
0x57: {  	_ =	shalt  }
0x58: {  	_ =	shalt  }
0x59: {  	_ =	shalt  }
0x5a: {  	_ =	shalt  }
0x5b: {  	_ =	shalt  }
0x5c: {  	_ =	shalt  }
0x5d: {  	_ =	shalt  }
0x5e: {  	_ =	shalt  }
0x5f: {  	_ =	shalt  }
0x60: {  	_ =	shalt  }
0x61: {  	_ =	shalt  }
0x62: {  	_ =	shalt  }
0x63: {  	_ =	shalt  }
0x64: {  	_ =	shalt  }
0x65: {  	_ =	shalt  }
0x66: {  	_ =	shalt  }
0x67: {  	_ =	shalt  }
0x68: {  	_ =	shalt  }
0x69: {  	_ =	shalt  }
0x6a: {  	_ =	shalt  }
0x6b: {  	_ =	shalt  }
0x6c: {  	_ =	shalt  }
0x6d: {  	_ =	shalt  }
0x6e: {  	_ =	shalt  }
0x6f: {  	_ =	shalt  }
0x70: {  	_ =	shalt  }
0x71: {  	_ =	shalt  }
0x72: {  	_ =	shalt  }
0x73: {  	_ =	shalt  }
0x74: {  	_ =	shalt  }
0x75: {  	_ =	shalt  }
0x76: {  	_ =	shalt  }
0x77: {  	_ =	shalt  }
0x78: {  	_ =	shalt  }
0x79: {  	_ =	shalt  }
0x7a: {  	_ =	shalt  }
0x7b: {  	_ =	shalt  }
0x7c: {  	_ =	shalt  }
0x7d: {  	_ =	shalt  }
0x7e: {  	_ =	shalt  }
0x7f: {  	_ =	shalt  }
0x80: {  	_ =	shalt  }
0x81: {  	_ =	shalt  }
0x82: {  	_ =	shalt  }
0x83: {  	_ =	shalt  }
0x84: {  	_ =	shalt  }
0x85: {  	_ =	shalt  }
0x86: {  	_ =	shalt  }
0x87: {  	_ =	shalt  }
.Lfunc_end0:
.L_simem_size_0:
called_computation_lowered:
.L_overlay_start_0:
0x88: {  	s2 =	sld [smem:$0x3FD9]  }
0x89: {  	s3 =	sld [smem:$0x3FFE];
	_ =	sdelay $0x1  }
0x8a: {  	s1 =	srdreg.scid  }
0x8b: {  	s0 =	sand.u32 $0x1, s1  }
0x8c: {  	s17 =	sshll.u32 s0, $0xA;
	s2 =	sadd.s32 s3, s2  }
0x8d: {  	s2 =	sadd.s32 s2, s17  }
0x8e: {  	[smem:$0x3FC6] =	sst s2  }
0x8f: {  	_ = 	snop  }
0x90: {  	s2 =	sld [smem:$0x3FD0];
	(tm) =	ssettm $0x1  }
0x91: {  	s18 =	sld [smem:$0x3FFB];
	_ =	sdelay $0x3  }
0x92: {  	_ =	strace s18  }
0x93: {  	s3 =	sld [smem:$0x3FFC];
	_ =	sdelay $0x3  }
0x94: {  	_ =	strace s3  }
0x95: {  	s3 =	sld [smem:$0x3FFD];
	_ =	sdelay $0x3  }
0x96: {  	_ =	strace s3  }
0x97: {  	_ =	strace $0x8FFFFFFF  }
0x98: {  	s19 =	sld [smem:$0x3FDB];
	_ =	sdelay $0x1  }
0x99: {  	s4 =	simm.s32 $_scs_section_size  }
0x9a: {  	s5 =	simm.s32 $_size__tile_overlayer_lowered;
	s6 =	simm.s32 $_tile_overlayer_lowered  }
0x9b: {  	s22 =	simm.s32 $0x1BFF;
	s21 =	sshll.u32 s6, $0x1;
	s3 =	sadd.s32 s4, s19  }
0x9c: {  	s7 =	simm.s32 $0x0;
	s20 =	sshll.u32 s5, $0x1;
	s5 =	sadd.s32 s21, s3  }
0x9d: {  	[timem:s7], [sflag:s22] =	dma.local [hbm:s5], s20  }
0x9e: {  	_ =	swait.ge [sflag:s22], s20  }
0x9f: {  	s4 =	ssub.s32 $0x0, s20;
	[sflag:s22] =	ssyncset.done $0x0  }
0xa0: {  	[sflag:s22] =	ssyncadd.s32 s4;
	_ =	sdelay $0x1  }
0xa1: {  	s23 =	simm.s32 $0x1B8B  }
0xa2: {  	_ =	swait.ge [sflag:s23], $0x1  }
0xa3: {  	[sflag:s23] =	ssyncset.done $0x0  }
0xa4: {  	s25 =	simm.s32 $0x1B8E;
	s24 =	sld [smem:$0x3FFE];
	[sflag:s23] =	ssyncadd.s32 $0xFFFFFFFF  }
0xa5: {  	s26 =	simm.s32 $execute0_lowered;
	[smem:$0x3FD2] =	sst s25  }
0xa6: {  	s5 =	sshll.u32 s26, $0x1;
	_ =	strace $0x80000046;
	[dreg:$0x1] =	wrdreg $0xFFFFFFFF  }
0xa7: {  	s28 =	simm.s32 $_size_execute0_lowered;
	s3 =	sadd.s32 s3, s5;
	[dreg:$0x0] =	wrdreg $0x0  }
0xa8: {  	s5 =	sshll.u32 s28, $0x1;
	[dreg:$0x2] =	wrdreg s3  }
0xa9: {  	[dreg:$0x3] =	wrdreg s5  }
0xaa: {  	[dreg:$0x4] =	wrdreg $0xC0  }
0xab: {  	_ =	task [dreg:s7], $0x5FFFF  }
0xac: {  	[dreg:$0x1] =	wrdreg $0xFFFFFFFF  }
0xad: {  	[dreg:$0x0] =	wrdreg $0x60  }
0xae: {  	[dreg:$0x2] =	wrdreg s24  }
0xaf: {  	[dreg:$0x3] =	wrdreg s2  }
0xb0: {  	[dreg:$0x4] =	wrdreg $0x9  }
0xb1: {  	_ =	task.clear_ibuf [dreg:s7], $0x5FFFF;
	_ =	strace $0x90000046  }
0xb2: {  	s29 =	simm.s32 $0x9;
	_ =	strace $0x80000048  }
0xb3: {  	_ =	swait.ge [sflag:s29], $0x1  }
0xb4: {  	[sflag:s29] =	ssyncadd.s32 $0xFFFFFFFF  }
0xb5: {  	_ =	strace $0x90000048  }
0xb6: {  	_ =	sfence  }
0xb7: {  	s30 =	sld [smem:$0x0];
	_ =	sdelay $0x2  }
0xb8: {  	s31 =	sshll.u32 s1, $0xD;
	s1 =	sshrl.u32 s1, $0x2  }
0xb9: {  	s3 =	sand.u32 $0x4000, s31;
	s1 =	sadd.s32 s1, s30  }
0xba: {  	s0 =	sor.u32 s3, s0;
	s1 =	sshll.u32 s1, $0x11  }
0xbb: {  	s0 =	sor.u32 s1, s0  }
0xbc: {  	s0 =	sadd.s32 $0x8F2B, s0  }
0xbd: {  	[sflag:s0] =	ssyncadd.remote.s32 $0x1  }
0xbe: {  	_ =	sfence.sel $0xFFFF  }
0xbf: {  	[dreg:$0x0] =	wrdreg $0xFFFFFFFF;
	(pc) =	sbr.abs _section_cstart, $3  }
0xc0: {  	[dreg:$0x1] =	wrdreg $0xFFFFFFFF  }
0xc1: {  	_ =	task.clear_ibuf [dreg:s7], $0x2FFFF;
	_ =	strace $0x9FFFFFFF  }
0xc2: {  	(tm) =	ssettm $0x7FFFFFFF  }
0xc3: {  	_ =	shalt  }
tec
execute0_lowered:
.L_overlay_start_1:
0x0: {  	(tag) =	ssettag $0x1  }
0x1: {  	v6 =	vlaneseq.u32;
	s6 =	rddreg [dreg:$0x0]  }
0x2: {  	s2 =	rddreg [dreg:$0x1];
	s3 =	simm.s32 $0x0;
	v0 =	vmul.u32 $0xC8, v6  }
0x3: {  	s1 =	srdreg.scid;
	v6 =	vmul.u32 $0x88, v6;
	[smem:$0x7FF] =	sst s3  }
0x4: {  	s4 =	sand.u32 $0x1, s1;
	s1 =	rddreg [dreg:$0x2];
	_ =	strace $0x80000047;
	[tilespmem:$0x1FDF0] =	vst v0  }
0x5: {  	v1 =	vadd.s32 $0xC80, v0;
	[tilespmem:$0x1FFF0] =	vst v6  }
0x6: {  	v2 =	vadd.s32 $0x1900, v0;
	[tilespmem:$0x1FE00] =	vst v1  }
0x7: {  	v3 =	vadd.s32 $0x2580, v0;
	[tilespmem:$0x1FE10] =	vst v2  }
0x8: {  	v4 =	vadd.s32 $0x3200, v0;
	[tilespmem:$0x1FE20] =	vst v3  }
0x9: {  	v5 =	vadd.s32 $0x3E80, v0;
	[tilespmem:$0x1FE30] =	vst v4  }
0xa: {  	v7 =	vadd.s32 $0x4B00, v0;
	[tilespmem:$0x1FE40] =	vst v5  }
0xb: {  	v8 =	vadd.s32 $0x5780, v0;
	[tilespmem:$0x1FE50] =	vst v7  }
0xc: {  	v42 =	vadd.s32 $0x880, v6;
	[tilespmem:$0x1FE60] =	vst v8  }
0xd: {  	v20 =	vadd.s32 $0x1100, v6;
	[tilespmem:$0x1FE70] =	vst v42  }
0xe: {  	v18 =	vadd.s32 $0x1980, v6;
	[tilespmem:$0x1FE80] =	vst v20  }
0xf: {  	v22 =	vor.u32 $0x1, v6;
	[tilespmem:$0x1FE90] =	vst v18  }
0x10: {  	v24 =	vadd.s32 $0x881, v6;
	[tilespmem:$0x1FEA0] =	vst v22  }
0x11: {  	v25 =	vadd.s32 $0x1101, v6;
	[tilespmem:$0x1FEB0] =	vst v24  }
0x12: {  	v26 =	vadd.s32 $0x1981, v6;
	[tilespmem:$0x1FEC0] =	vst v25  }
0x13: {  	v28 =	vor.u32 $0x2, v6;
	[tilespmem:$0x1FED0] =	vst v26  }
0x14: {  	v29 =	vadd.s32 $0x882, v6;
	[tilespmem:$0x1FEE0] =	vst v28  }
0x15: {  	v30 =	vadd.s32 $0x1102, v6;
	[tilespmem:$0x1FEF0] =	vst v29  }
0x16: {  	v31 =	vadd.s32 $0x1982, v6;
	[tilespmem:$0x1FF00] =	vst v30  }
0x17: {  	v32 =	vor.u32 $0x3, v6;
	[tilespmem:$0x1FF10] =	vst v31  }
0x18: {  	v33 =	vadd.s32 $0x883, v6;
	[tilespmem:$0x1FF20] =	vst v32  }
0x19: {  	v34 =	vadd.s32 $0x1103, v6;
	[tilespmem:$0x1FF30] =	vst v33  }
0x1a: {  	v35 =	vadd.s32 $0x1983, v6;
	[tilespmem:$0x1FF40] =	vst v34  }
0x1b: {  	v36 =	vor.u32 $0x4, v6;
	[tilespmem:$0x1FF50] =	vst v35  }
0x1c: {  	s0 =	stileid.u32;
	s11 =	simm.s32 $0x14C10;
	v37 =	vadd.s32 $0x884, v6;
	[tilespmem:$0x1FF60] =	vst v36  }
0x1d: {  	s12 =	simm.s32 $0x3;
	s13 =	simm.s32 $0x80;
	s14 =	simm.s32 $0x6400;
	v38 =	vadd.s32 $0x1104, v6;
	[tilespmem:$0x1FF70] =	vst v37  }
0x1e: {  	s15 =	simm.s32 $0xC800;
	s16 =	simm.s32 $0x1;
	s17 =	simm.s32 $0xE800;
	v39 =	vadd.s32 $0x1984, v6;
	[tilespmem:$0x1FF80] =	vst v38  }
0x1f: {  	s18 =	simm.s32 $0x10800;
	s19 =	simm.s32 $0x12A00;
	s5 =	sshll.u32 s0, $0x1;
	v40 =	vor.u32 $0x5, v6;
	[tilespmem:$0x1FF90] =	vst v39  }
0x20: {  	v9 =	vimm.s32 $0x0;
	vm0 =	vcmask $0x300;
	s20 =	simm.s32 $0x2;
	s8 =	sor.u32 s4, s5;
	s7 =	ssub.s32 $0x2, s4;
	v62 =	vadd.s32 $0x885, v6;
	[tilespmem:$0x1FFA0] =	vst v40  }
0x21: {  	s21 =	simm.s32 $0x0;
	v9 =	vsel vm0, $0x3, v9;
	s5 =	smul.u32 $0xC80, s8;
	s10 =	sshrl.u32 s7, $0x1;
	v63 =	vadd.s32 $0x1105, v6;
	[tilespmem:$0x1FFB0] =	vst v62  }
0x22: {  	s4 =	sadd.s32 $0x19400, s6;
	s8 =	sshll.u32 s8, $0xA;
	v10 =	vadd.s32 $0x1985, v6;
	v11 =	vor.u32 $0x6, v6;
	v23 =	vadd.s32 $0x886, v6;
	s10 =	ssub.s32 s7, s10;
	[tilespmem:$0x1FFC0] =	vst v63  }
0x23: {  	v15 =	vadd.s32 $0x1106, v6;
	v12 =	vadd.s32 $0x1986, v6;
	v17 =	vadd.s32 $0x1987, v6;
	[tilespmem:$0x1FFD0] =	vst v23;
	s9 =	sadd.s32 s5, s6;
	s5 =	sadd.s32 $0xDCA00, s6;
	s6 =	sadd.s32 $0xDCC00, s6  }
0x24: {  	v14 =	vor.u32 $0x7, v6;
	v16 =	vadd.s32 $0x887, v6;
	v13 =	vadd.s32 $0x1107, v6;
	[tilespmem:$0x1FFE0] =	vst v17;
	s7 =	sadd.s32 $0x400, s9;
	s9 =	smax.u32 s10, $0x1;
	s10 =	simm.s32 $0x14C00  }
.LBB2_1:
0x25: {  	[tilespmem:s10], [sflag:$0x3] =	stream.linear.gather [hbm4b:s5+s3], $0x1, $0x38;
	[tilespmem:$0x14C20] =	vst v63  }
0x26: {  	_ = 	snop  }
0x27: {  	[tilespmem:s11], [sflag:$0x3] =	stream.linear.gather [hbm4b:s6+s3], $0x1, $0x38;
	[tilespmem:$0x14C20] =	vst v63  }
0x28: {  	_ =	swait.ge [sflag:s12], $0x1  }
0x29: {  	[sflag:s12] =	ssyncset.done $0x0  }
0x2a: {  	[sflag:s12] =	ssyncadd.s32 $0xFFFFFFFF  }
0x2b: {  	_ =	swait.ge [sflag:s12], $0x1  }
0x2c: {  	[sflag:s12] =	ssyncset.done $0x0  }
0x2d: {  	[sflag:s12] =	ssyncadd.s32 $0xFFFFFFFF  }
0x2e: {  	v21 =	vmov v42;
	v50 =	vadd.s32 s3, v1;
	v42 =	vld.msk [tilespmem:$0x14C00 ss:$0x0], $0xffff  }
0x2f: {  	v41 =	vld.msk [tilespmem:$0x14C10 ss:$0x0], $0xffff;
	[tilespmem:s3], [sflag:$0x3] =	stream.linear.gather [hbm4b:s7+s3], $0x6400, $0x38  }
0x30: {  	v48 =	vadd.s32 s3, v8;
	_ =	swait.ge [sflag:s12], $0x6400  }
0x31: {  	v49 =	vadd.s32 s3, v4;
	[sflag:s12] =	ssyncset.done $0x0  }
0x32: {  	v45 =	vadd.s32 s3, v5;
	v46 =	vadd.s32 s3, v0;
	[sflag:s12] =	ssyncadd.s32 $0xFFFF9C00  }
0x33: {  	v43 =	vadd.s32 s3, v7;
	s23 =	simm.s32 $0x6440;
	s24 =	simm.s32 $0x1;
	v47 =	vadd.s32 s3, v2;
	v44 =	vadd.s32 s3, v3;
	s22 =	simm.s32 $0x6440;
	v50 =	vld.idx.msk [tilespmem:v50+s3+$0x0], $0xffff  }
.LBB2_2:
0x34: {  	p0 =	sne.s32 s24, $0xC7  }
0x35: {  	v51 =	vadd.s32 s24, v5;
	v52 =	vld.idx.msk [tilespmem:v48+s3+$0x0], $0xffff;
	s23 =	sadd.s32 $0x80, s23;
	s25 =	smov.u32 s24;
	s24 =	sadd.s32 $0x1, s24  }
0x36: {  	v48 =	vadd.s32 s25, v0;
	v53 =	vadd.s32 s25, v7;
	v54 =	vld.idx.msk [tilespmem:v49+s3+$0x0], $0xffff  }
0x37: {  	v55 =	vld.idx.msk [tilespmem:v46+s3+$0x0], $0xffff;
	v46 =	vmov v48  }
0x38: {  	v48 =	vadd.s32 s25, v8;
	v56 =	vld.idx.msk [tilespmem:v45+s3+$0x0], $0xffff;
	v45 =	vmov v51  }
0x39: {  	v51 =	vld.idx.msk [tilespmem:v47+s3+$0x0], $0xffff  }
0x3a: {  	v49 =	vadd.s32 s25, v4;
	v57 =	vshll.u32 v50, $0x1;
	vm1 =	vlt.s32 v50, v42  }
0x3b: {  	v50 =	vadd.s32 s25, v1;
	v47 =	vadd.s32 s25, v2;
	vm0 =	vlt.s32 v52, v42;
	v58 =	vld.idx.msk [tilespmem:v43+s3+$0x0], $0xffff;
	v43 =	vmovc v53  }
0x3c: {  	v52 =	vshll.u32 v52, $0x1;
	v53 =	vadd.s32 s25, v3;
	v59 =	vshll.u32 v54, $0x1  }
0x3d: {  	v61 =	vsel vm1, $0x0, v41;
	vm1 =	vlt.s32 v54, v42;
	vm2 =	vlt.s32 v55, v42;
	v60 =	vld.idx.msk [tilespmem:v44+s3+$0x0], $0xffff;
	v44 =	vmovc v53  }
0x3e: {  	v54 =	vsub.s32 v57, v61;
	v57 =	vsel vm1, $0x0, v41;
	v53 =	vsel vm2, $0x0, v41  }
0x3f: {  	v55 =	vshll.u32 v55, $0x1;
	vm1 =	vlt.s32 v56, v42;
	[tilespmem:s22+$0xFFFFFFD0] =	vst v54;
	v54 =	vsub.s32 v59, v57  }
0x40: {  	v53 =	vsub.s32 v55, v53;
	vm2 =	vlt.s32 v51, v42;
	[tilespmem:s22+$0x0] =	vst v54;
	v54 =	vshll.u32 v56, $0x1  }
0x41: {  	v51 =	vshll.u32 v51, $0x1;
	v55 =	vsel vm1, $0x0, v41;
	[tilespmem:s22+$0xFFFFFFC0] =	vst v53;
	v53 =	vsel vm2, $0x0, v41  }
0x42: {  	vm1 =	vlt.s32 v58, v42;
	v51 =	vsub.s32 v51, v53;
	v53 =	vsub.s32 v54, v55  }
0x43: {  	v54 =	vsel vm1, $0x0, v41;
	v55 =	vsel vm0, $0x0, v41;
	[tilespmem:s22+$0xFFFFFFE0] =	vst v51;
	v51 =	vshll.u32 v58, $0x1  }
.Ltmp0:
0x44: {  	v56 =	vshll.u32 v60, $0x1;
	vm0 =	vlt.s32 v60, v42;
	[tilespmem:s22+$0x10] =	vst v53;
	v51 =	vsub.s32 v51, v54;
	(pc) =	sbr.rel @p0 .LBB2_2-.Ltmp0, $4  }
0x45: {  	v53 =	vsel vm0, $0x0, v41;
	[tilespmem:s22+$0x20] =	vst v51;
	v51 =	vsub.s32 v52, v55  }
0x46: {  	v52 =	vsub.s32 v56, v53;
	[tilespmem:s22+$0x30] =	vst v51  }
0x47: {  	[tilespmem:s22+$0xFFFFFFF0] =	vst v52;
	s22 =	smov.u32 s23  }
0x48: {  	v50 =	vld.idx.msk [tilespmem:v50+s3+$0x0], $0xffff  }
0x49: {  	_ =	sdelay $0x3  }
0x4a: {  	v48 =	vld.idx.msk [tilespmem:v48+s3+$0x0], $0xffff  }
0x4b: {  	v49 =	vld.idx.msk [tilespmem:v49+s3+$0x0], $0xffff  }
0x4c: {  	v46 =	vld.idx.msk [tilespmem:v46+s3+$0x0], $0xffff  }
0x4d: {  	v45 =	vld.idx.msk [tilespmem:v45+s3+$0x0], $0xffff  }
0x4e: {  	v47 =	vld.idx.msk [tilespmem:v47+s3+$0x0], $0xffff  }
0x4f: {  	v51 =	vshll.u32 v50, $0x1  }
0x50: {  	vm0 =	vlt.s32 v50, v42;
	vm1 =	vlt.s32 v48, v42;
	v0 =	vshll.u32 v49, $0x1  }
0x51: {  	v43 =	vld.idx.msk [tilespmem:v43+s3+$0x0], $0xffff;
	v48 =	vshll.u32 v48, $0x1;
	v52 =	vsel vm0, $0x0, v41;
	vm11 =	vlt.s32 v49, v42  }
0x52: {  	vm2 =	vlt.s32 v46, v42;
	v46 =	vshll.u32 v46, $0x1;
	vm12 =	vlt.s32 v45, v42  }
0x53: {  	v44 =	vld.idx.msk [tilespmem:v44+s3+$0x0], $0xffff;
	vm13 =	vlt.s32 v47, v42;
	v1 =	vsub.s32 v51, v52;
	v2 =	vsel vm11, $0x0, v41  }
0x54: {  	v45 =	vshll.u32 v45, $0x1;
	v3 =	vsel vm2, $0x0, v41;
	v50 =	vsub.s32 v0, v2;
	[tilespmem:s22+$0xFFFFFFD0] =	vst v1  }
0x55: {  	v47 =	vshll.u32 v47, $0x1;
	v56 =	vsel vm13, $0x0, v41;
	v46 =	vsub.s32 v46, v3;
	[tilespmem:s22+$0x0] =	vst v50  }
0x56: {  	vm14 =	vlt.s32 v43, v42;
	v57 =	vsel vm12, $0x0, v41;
	v47 =	vsub.s32 v47, v56;
	[tilespmem:s22+$0xFFFFFFC0] =	vst v46  }
0x57: {  	v43 =	vshll.u32 v43, $0x1;
	v58 =	vsel vm14, $0x0, v41;
	v45 =	vsub.s32 v45, v57;
	[tilespmem:s22+$0xFFFFFFE0] =	vst v47  }
0x58: {  	vm15 =	vlt.s32 v44, v42;
	v59 =	vsel vm1, $0x0, v41;
	v60 =	vsub.s32 v43, v58;
	[tilespmem:s22+$0x10] =	vst v45  }
0x59: {  	v61 =	vshll.u32 v44, $0x1;
	v62 =	vsel vm15, $0x0, v41;
	v63 =	vsub.s32 v48, v59;
	[tilespmem:s22+$0x20] =	vst v60  }
0x5a: {  	v41 =	vsub.s32 v61, v62;
	[tilespmem:s22+$0x30] =	vst v63  }
0x5b: {  	[tilespmem:s22+$0xFFFFFFF0] =	vst v41;
	s22 =	simm.s32 $0x0  }
0x5c: {  	v42 =	vmov v21;
	[tilespmem:s15], [sflag:$0x1] =	stream.indirect.gather [hbm4b:s4+s13], $0x40, s14, s13, $0xb8;
	[tilespmem:$0x14C20] =	vst v63  }
.LBB2_4:
0x5d: {  	s23 =	sshllo.u32 s22, $0x1  }
0x5e: {  	_ =	swait.ge [sflag:s16], $0x2000;
	s24 =	sshll.u32 s23, $0x7  }
0x5f: {  	[sflag:s16] =	ssyncset.done $0x0;
	s24 =	sand.u32 $0x3FFFFF80, s24  }
0x60: {  	p0 =	seq.s32 s22, $0x0;
	[sflag:s16] =	ssyncadd.s32 $0xFFFFE000;
	s24 =	sadd.s32 $0x6400, s24  }
0x61: {  	[tilespmem:s17], [sflag:$0x1] =	stream.indirect.gather [hbm4b:s4+s13], $0x40, s24, s13, $0xb8;
	[tilespmem:$0x14C20] =	vst v63  }
0x62: {  	s24 =	simm.s32 @!p0 $0x2  }
0x63: {  	_ =	swait.ge @!p0 [sflag:s24], $0x2000  }
0x64: {  	[sflag:s24] =	ssyncset.done @!p0 $0x0  }
0x65: {  	[sflag:s24] =	ssyncadd.s32 @!p0 $0xFFFFE000;
	s24 =	simm.s32 $0xC900  }
0x66: {  	v41 =	vld [tilespmem:s24+$0xF0]  }
0x67: {  	v19 =	vld [tilespmem:s24+$0xE0]  }
0x68: {  	v21 =	vld [tilespmem:s24+$0xD0]  }
0x69: {  	v27 =	vld [tilespmem:s24+$0xC0]  }
0x6a: {  	v0 =	vld [tilespmem:s24+$0xB0]  }
0x6b: {  	v60 =	vld [tilespmem:s24+$0xA0]  }
0x6c: {  	v61 =	vld [tilespmem:s24+$0x90]  }
0x6d: {  	v62 =	vld [tilespmem:s24+$0x80]  }
0x6e: {  	v63 =	vld [tilespmem:s24+$0x70]  }
0x6f: {  	v50 =	vld [tilespmem:s24+$0x60]  }
0x70: {  	v51 =	vld [tilespmem:s24+$0x50]  }
0x71: {  	v52 =	vld [tilespmem:s24+$0x40]  }
0x72: {  	v53 =	vld [tilespmem:s24+$0x30]  }
0x73: {  	v54 =	vld [tilespmem:s24+$0x20]  }
0x74: {  	v55 =	vld [tilespmem:s24+$0x10]  }
0x75: {  	v56 =	vld [tilespmem:s24+$0x0]  }
0x76: {  	v57 =	vld [tilespmem:s24+$0xFFFFFFF0]  }
0x77: {  	v58 =	vld [tilespmem:s24+$0xFFFFFFE0]  }
0x78: {  	v59 =	vld [tilespmem:s24+$0xFFFFFFD0]  }
0x79: {  	v49 =	vld [tilespmem:s24+$0xFFFFFFA0]  }
0x7a: {  	s25 =	simm.s32 $0x0;
	v48 =	vld [tilespmem:s24+$0xFFFFFF90]  }
0x7b: {  	v43 =	vmov s25;
	v47 =	vld [tilespmem:s24+$0xFFFFFF60]  }
0x7c: {  	v46 =	vld [tilespmem:s24+$0xFFFFFF50];
	[tilespmem:$0x1FDE0] =	vst v0;
	v0 =	vshrl.u32 v43, $0x3  }
0x7d: {  	v44 =	vld [tilespmem:s24+$0xFFFFFF00];
	v0 =	vshll.u32 v0, v9  }
0x7e: {  	s30 =	simm.s32 $0x1;
	v7 =	vld [tilespmem:s24+$0xFFFFFF10];
	v0 =	vbroadcast v0, $0x0  }
0x7f: {  	v3 =	vmov s30;
	v45 =	vld [tilespmem:s24+$0xFFFFFF20]  }
0x80: {  	v3 =	vshrl.u32 v3, $0x3;
	[tilespmem:$0x1FDD0] =	vst v60;
	v60 =	vld [tilespmem:s24+$0xFFFFFFC0];
	v5 =	vadd.s32 v6, v0  }
0x81: {  	v3 =	vshll.u32 v3, v9;
	[tilespmem:$0x1FDC0] =	vst v61;
	v61 =	vld [tilespmem:s24+$0xFFFFFFB0];
	v8 =	vadd.s32 v42, v0  }
0x82: {  	s31 =	simm.s32 $0x2;
	v3 =	vbroadcast v3, $0x0;
	[tilespmem:$0x1FDB0] =	vst v62;
	v62 =	vld [tilespmem:s24+$0xFFFFFF80];
	v1 =	vadd.s32 v20, v0  }
0x83: {  	v42 =	vld [tilespmem:s24+$0xFFFFFF30];
	v2 =	vadd.s32 v18, v0;
	v0 =	vmov s31  }
0x84: {  	v4 =	vadd.s32 v22, v3;
	[tilespmem:$0x1FDA0] =	vst v63;
	v43 =	vld [tilespmem:s24+$0xFFFFFF40];
	v0 =	vshrl.u32 v0, $0x3  }
0x85: {  	v63 =	vld [tilespmem:s24+$0xFFFFFF70];
	v0 =	vshll.u32 v0, v9;
	[tilespmem:v5+s18+$0x0] =	vst.idx.msk $0xffff, v44;
	v5 =	vadd.s32 v24, v3  }
0x86: {  	s26 =	simm.s32 $0x3;
	v0 =	vbroadcast v0, $0x0;
	[tilespmem:v8+s18+$0x0] =	vst.idx.msk $0xffff, v7;
	v7 =	vadd.s32 v25, v3  }
0x87: {  	v44 =	vadd.s32 v26, v3;
	[tilespmem:v1+s18+$0x0] =	vst.idx.msk $0xffff, v45;
	v45 =	vmov s26  }
0x88: {  	[tilespmem:v2+s18+$0x0] =	vst.idx.msk $0xffff, v42;
	v42 =	vadd.s32 v28, v0;
	v3 =	vshrl.u32 v45, $0x3  }
0x89: {  	[tilespmem:v4+s18+$0x0] =	vst.idx.msk $0xffff, v43;
	v4 =	vadd.s32 v29, v0;
	v3 =	vshll.u32 v3, v9  }
0x8a: {  	s28 =	simm.s32 $0x4;
	[tilespmem:v5+s18+$0x0] =	vst.idx.msk $0xffff, v46;
	v5 =	vadd.s32 v30, v0;
	v3 =	vbroadcast v3, $0x0  }
0x8b: {  	v0 =	vadd.s32 v31, v0;
	[tilespmem:v7+s18+$0x0] =	vst.idx.msk $0xffff, v47;
	v7 =	vmov s28  }
0x8c: {  	[tilespmem:v44+s18+$0x0] =	vst.idx.msk $0xffff, v63;
	v43 =	vadd.s32 v32, v3;
	v7 =	vshrl.u32 v7, $0x3  }
0x8d: {  	v44 =	vadd.s32 v33, v3;
	[tilespmem:v42+s18+$0x0] =	vst.idx.msk $0xffff, v62;
	v7 =	vshll.u32 v7, v9  }
0x8e: {  	[tilespmem:v4+s18+$0x0] =	vst.idx.msk $0xffff, v48;
	v4 =	vadd.s32 v34, v3;
	v7 =	vbroadcast v7, $0x0  }
0x8f: {  	v3 =	vadd.s32 v35, v3;
	[tilespmem:v5+s18+$0x0] =	vst.idx.msk $0xffff, v49  }
0x90: {  	[tilespmem:v0+s18+$0x0] =	vst.idx.msk $0xffff, v61;
	v45 =	vadd.s32 v36, v7  }
0x91: {  	[tilespmem:v43+s18+$0x0] =	vst.idx.msk $0xffff, v60  }
0x92: {  	s29 =	simm.s32 $0x5;
	[tilespmem:v44+s18+$0x0] =	vst.idx.msk $0xffff, v59  }
0x93: {  	v5 =	vmov s29;
	v46 =	vadd.s32 v37, v7;
	[tilespmem:v4+s18+$0x0] =	vst.idx.msk $0xffff, v58  }
0x94: {  	s30 =	simm.s32 $0x6;
	v49 =	vld [tilespmem:$0x1FFB0];
	v5 =	vshrl.u32 v5, $0x3;
	v47 =	vadd.s32 v38, v7;
	[tilespmem:v3+s18+$0x0] =	vst.idx.msk $0xffff, v57  }
0x95: {  	v5 =	vshll.u32 v5, v9;
	v4 =	vadd.s32 v39, v7;
	v7 =	vmov s30;
	[tilespmem:v45+s18+$0x0] =	vst.idx.msk $0xffff, v56;
	v56 =	vld [tilespmem:$0x1FFC0]  }
0x96: {  	v5 =	vbroadcast v5, $0x0;
	v7 =	vshrl.u32 v7, $0x3  }
0x97: {  	v7 =	vshll.u32 v7, v9  }
0x98: {  	v48 =	vadd.s32 v40, v5;
	[tilespmem:v46+s18+$0x0] =	vst.idx.msk $0xffff, v55;
	v7 =	vbroadcast v7, $0x0  }
0x99: {  	v0 =	vadd.s32 v49, v5;
	v57 =	vadd.s32 v10, v5;
	[tilespmem:v47+s18+$0x0] =	vst.idx.msk $0xffff, v54  }
0x9a: {  	[tilespmem:v4+s18+$0x0] =	vst.idx.msk $0xffff, v53;
	v4 =	vadd.s32 v11, v7;
	v1 =	vadd.s32 v56, v5  }
0x9b: {  	v58 =	vadd.s32 v23, v7;
	v59 =	vadd.s32 v15, v7;
	v60 =	vadd.s32 v12, v7;
	v7 =	vld [tilespmem:$0x1FDA0];
	_ =	sdelay $0x1  }
0x9c: {  	[tilespmem:v48+s18+$0x0] =	vst.idx.msk $0xffff, v52  }
0x9d: {  	[tilespmem:v0+s18+$0x0] =	vst.idx.msk $0xffff, v51  }
0x9e: {  	[tilespmem:v1+s18+$0x0] =	vst.idx.msk $0xffff, v50  }
0x9f: {  	[tilespmem:v57+s18+$0x0] =	vst.idx.msk $0xffff, v7;
	v7 =	vld [tilespmem:$0x1FDB0];
	_ =	sdelay $0x4  }
0xa0: {  	[tilespmem:v4+s18+$0x0] =	vst.idx.msk $0xffff, v7;
	v7 =	vld [tilespmem:$0x1FDC0]  }
0xa1: {  	s31 =	simm.s32 $0x7  }
0xa2: {  	v5 =	vmov s31  }
0xa3: {  	v5 =	vshrl.u32 v5, $0x3  }
0xa4: {  	v5 =	vshll.u32 v5, v9  }
0xa5: {  	v5 =	vbroadcast v5, $0x0;
	[tilespmem:v58+s18+$0x0] =	vst.idx.msk $0xffff, v7;
	v7 =	vld [tilespmem:$0x1FDD0]  }
0xa6: {  	v63 =	vld [tilespmem:$0x1FDE0]  }
0xa7: {  	v61 =	vadd.s32 v14, v5  }
0xa8: {  	v4 =	vadd.s32 v16, v5  }
0xa9: {  	v62 =	vadd.s32 v13, v5  }
0xaa: {  	[tilespmem:v59+s18+$0x0] =	vst.idx.msk $0xffff, v7  }
0xab: {  	[tilespmem:v60+s18+$0x0] =	vst.idx.msk $0xffff, v63  }
0xac: {  	[tilespmem:v61+s18+$0x0] =	vst.idx.msk $0xffff, v27  }
0xad: {  	v20 =	vmov v24;
	v18 =	vmov v26;
	[tilespmem:v4+s18+$0x0] =	vst.idx.msk $0xffff, v21  }
0xae: {  	s25 =	simm.s32 $0xF;
	v8 =	vmovc v23;
	v32 =	vmov v22;
	v22 =	vmov v25;
	v46 =	vadd.s32 v17, v5;
	[tilespmem:v62+s18+$0x0] =	vst.idx.msk $0xffff, v19  }
.LBB2_5:
0xaf: {  	_ =	sdelay $0x1  }
0xb0: {  	v19 =	vmov v10;
	v10 =	vld [tilespmem:$0x1FE70]  }
0xb1: {  	v24 =	vmov v12;
	v12 =	vld [tilespmem:$0x1FE80]  }
0xb2: {  	[tilespmem:v46+s18+$0x0] =	vst.idx.msk $0xffff, v41;
	s24 =	sadd.s32 $0x200, s24;
	v23 =	vld [tilespmem:$0x1FE90]  }
0xb3: {  	v41 =	vld [tilespmem:s24+$0xF0]  }
0xb4: {  	v42 =	vld [tilespmem:s24+$0xE0]  }
0xb5: {  	v43 =	vld [tilespmem:s24+$0xD0]  }
0xb6: {  	v44 =	vld [tilespmem:s24+$0xC0]  }
0xb7: {  	v45 =	vld [tilespmem:s24+$0xB0]  }
0xb8: {  	v46 =	vld [tilespmem:s24+$0xA0]  }
0xb9: {  	v47 =	vld [tilespmem:s24+$0x90]  }
0xba: {  	v48 =	vld [tilespmem:s24+$0x80]  }
0xbb: {  	v49 =	vld [tilespmem:s24+$0x70]  }
0xbc: {  	v50 =	vld [tilespmem:s24+$0x60]  }
0xbd: {  	v51 =	vld [tilespmem:s24+$0x50]  }
0xbe: {  	v52 =	vld [tilespmem:s24+$0x40]  }
0xbf: {  	v53 =	vld [tilespmem:s24+$0x30]  }
0xc0: {  	v54 =	vld [tilespmem:s24+$0x20]  }
0xc1: {  	v0 =	vld [tilespmem:s24+$0x10]  }
0xc2: {  	v1 =	vld [tilespmem:s24+$0x0]  }
0xc3: {  	v2 =	vld [tilespmem:s24+$0xFFFFFFF0]  }
0xc4: {  	v3 =	vld [tilespmem:s24+$0xFFFFFFE0]  }
0xc5: {  	v4 =	vld [tilespmem:s24+$0xFFFFFFD0]  }
0xc6: {  	s26 =	smov.u32 s25;
	v5 =	vld [tilespmem:s24+$0xFFFFFFC0]  }
0xc7: {  	v7 =	vld [tilespmem:s24+$0xFFFFFFB0];
	s28 =	sadd.s32 $0xFFFFFFF9, s26  }
0xc8: {  	v28 =	vmov v8;
	v8 =	vld [tilespmem:s24+$0xFFFFFFA0];
	v56 =	vmov s28  }
0xc9: {  	v55 =	vld [tilespmem:s24+$0xFFFFFF90];
	v56 =	vshrl.u32 v56, $0x3  }
0xca: {  	v57 =	vld [tilespmem:s24+$0xFFFFFF80];
	v56 =	vshll.u32 v56, v9  }
0xcb: {  	v58 =	vld [tilespmem:s24+$0xFFFFFF70];
	s29 =	sadd.s32 $0xFFFFFFFA, s26;
	v56 =	vbroadcast v56, $0x0  }
0xcc: {  	v59 =	vld [tilespmem:s24+$0xFFFFFF60];
	v61 =	vmov s29  }
0xcd: {  	v62 =	vld [tilespmem:s24+$0xFFFFFF00];
	v61 =	vshrl.u32 v61, $0x3;
	v63 =	vadd.s32 v6, v56  }
0xce: {  	v17 =	vmov v6;
	v61 =	vshll.u32 v61, v9;
	v6 =	vld [tilespmem:s24+$0xFFFFFF10];
	v10 =	vadd.s32 v10, v56  }
0xcf: {  	v21 =	vmov v11;
	v11 =	vld [tilespmem:s24+$0xFFFFFF20];
	v61 =	vbroadcast v61, $0x0;
	v12 =	vadd.s32 v12, v56  }
0xd0: {  	v27 =	vmov v13;
	v13 =	vld [tilespmem:s24+$0xFFFFFF30];
	v56 =	vadd.s32 v23, v56  }
0xd1: {  	v26 =	vmov v16;
	v23 =	vmov v15;
	v15 =	vld [tilespmem:s24+$0xFFFFFF40];
	v16 =	vadd.s32 v32, v61  }
0xd2: {  	v60 =	vld [tilespmem:s24+$0xFFFFFF50];
	[tilespmem:v63+s18+$0x0] =	vst.idx.msk $0xffff, v62;
	v62 =	vadd.s32 v20, v61  }
0xd3: {  	[tilespmem:v10+s18+$0x0] =	vst.idx.msk $0xffff, v6;
	v6 =	vadd.s32 v22, v61  }
0xd4: {  	s30 =	sadd.s32 $0xFFFFFFFB, s26;
	[tilespmem:v12+s18+$0x0] =	vst.idx.msk $0xffff, v11;
	v11 =	vadd.s32 v18, v61  }
0xd5: {  	v25 =	vmov v14;
	v14 =	vmov s30;
	[tilespmem:v56+s18+$0x0] =	vst.idx.msk $0xffff, v13;
	v13 =	vld [tilespmem:$0x1FEE0]  }
0xd6: {  	v14 =	vshrl.u32 v14, $0x3;
	[tilespmem:v16+s18+$0x0] =	vst.idx.msk $0xffff, v15  }
0xd7: {  	v14 =	vshll.u32 v14, v9;
	[tilespmem:v62+s18+$0x0] =	vst.idx.msk $0xffff, v60  }
0xd8: {  	s31 =	sadd.s32 $0xFFFFFFFC, s26;
	v10 =	vbroadcast v14, $0x0;
	[tilespmem:v6+s18+$0x0] =	vst.idx.msk $0xffff, v59  }
0xd9: {  	v12 =	vmov s31;
	[tilespmem:v11+s18+$0x0] =	vst.idx.msk $0xffff, v58;
	v11 =	vld [tilespmem:$0x1FF20]  }
0xda: {  	v12 =	vshrl.u32 v12, $0x3;
	v13 =	vadd.s32 v13, v10  }
0xdb: {  	v14 =	vadd.s32 v29, v10;
	v12 =	vshll.u32 v12, v9  }
0xdc: {  	s29 =	sadd.s32 $0xFFFFFFFD, s26;
	v15 =	vadd.s32 v30, v10;
	v12 =	vbroadcast v12, $0x0  }
0xdd: {  	v6 =	vadd.s32 v31, v10;
	v10 =	vmov s29  }
0xde: {  	v10 =	vshrl.u32 v10, $0x3;
	v11 =	vadd.s32 v11, v12  }
0xdf: {  	v10 =	vshll.u32 v10, v9;
	[tilespmem:v13+s18+$0x0] =	vst.idx.msk $0xffff, v57;
	v13 =	vadd.s32 v33, v12  }
0xe0: {  	s30 =	sadd.s32 $0xFFFFFFFE, s26;
	v10 =	vbroadcast v10, $0x0;
	[tilespmem:v14+s18+$0x0] =	vst.idx.msk $0xffff, v55;
	v14 =	vadd.s32 v34, v12  }
0xe1: {  	v58 =	vmov s30;
	[tilespmem:v15+s18+$0x0] =	vst.idx.msk $0xffff, v8;
	v8 =	vadd.s32 v35, v12  }
0xe2: {  	v62 =	vld [tilespmem:$0x1FFB0];
	[tilespmem:v6+s18+$0x0] =	vst.idx.msk $0xffff, v7;
	v6 =	vadd.s32 v36, v10;
	v7 =	vshrl.u32 v58, $0x3  }
0xe3: {  	v63 =	vld [tilespmem:$0x1FFC0];
	[tilespmem:v11+s18+$0x0] =	vst.idx.msk $0xffff, v5;
	v5 =	vadd.s32 v37, v10;
	v7 =	vshll.u32 v7, v9  }
0xe4: {  	s31 =	sadd.s32 $0xFFFFFFFF, s26;
	[tilespmem:v13+s18+$0x0] =	vst.idx.msk $0xffff, v4;
	v4 =	vadd.s32 v38, v10;
	v7 =	vbroadcast v7, $0x0  }
0xe5: {  	v60 =	vmov s31;
	v59 =	vadd.s32 v39, v10;
	[tilespmem:v14+s18+$0x0] =	vst.idx.msk $0xffff, v3  }
0xe6: {  	v55 =	vshrl.u32 v60, $0x3;
	[tilespmem:v8+s18+$0x0] =	vst.idx.msk $0xffff, v2;
	v61 =	vadd.s32 v40, v7  }
0xe7: {  	v62 =	vadd.s32 v62, v7;
	[tilespmem:v6+s18+$0x0] =	vst.idx.msk $0xffff, v1;
	v6 =	vshll.u32 v55, v9  }
0xe8: {  	v56 =	vadd.s32 v63, v7;
	[tilespmem:v5+s18+$0x0] =	vst.idx.msk $0xffff, v0;
	v5 =	vbroadcast v6, $0x0  }
0xe9: {  	v6 =	vmov s26;
	[tilespmem:v4+s18+$0x0] =	vst.idx.msk $0xffff, v54;
	v4 =	vadd.s32 v19, v7  }
0xea: {  	v6 =	vshrl.u32 v6, $0x3;
	[tilespmem:v59+s18+$0x0] =	vst.idx.msk $0xffff, v53;
	v57 =	vadd.s32 v21, v5  }
0xeb: {  	v58 =	vadd.s32 v28, v5;
	v6 =	vshll.u32 v6, v9;
	[tilespmem:v61+s18+$0x0] =	vst.idx.msk $0xffff, v52  }
0xec: {  	v59 =	vadd.s32 v23, v5;
	v6 =	vbroadcast v6, $0x0;
	[tilespmem:v62+s18+$0x0] =	vst.idx.msk $0xffff, v51  }
0xed: {  	v60 =	vadd.s32 v24, v5;
	[tilespmem:v56+s18+$0x0] =	vst.idx.msk $0xffff, v50  }
0xee: {  	[tilespmem:v4+s18+$0x0] =	vst.idx.msk $0xffff, v49;
	v4 =	vadd.s32 v25, v6  }
0xef: {  	v61 =	vadd.s32 v26, v6;
	[tilespmem:v57+s18+$0x0] =	vst.idx.msk $0xffff, v48  }
0xf0: {  	p0 =	sne.s32 s25, $0x7F;
	v63 =	vld [tilespmem:$0x1FFE0];
	v62 =	vadd.s32 v27, v6;
	[tilespmem:v58+s18+$0x0] =	vst.idx.msk $0xffff, v47  }
.Ltmp1:
0xf1: {  	[tilespmem:v59+s18+$0x0] =	vst.idx.msk $0xffff, v46;
	(pc) =	sbr.rel @p0 .LBB2_5-.Ltmp1, $4  }
0xf2: {  	[tilespmem:v60+s18+$0x0] =	vst.idx.msk $0xffff, v45  }
0xf3: {  	v16 =	vmov v26;
	[tilespmem:v4+s18+$0x0] =	vst.idx.msk $0xffff, v44  }
0xf4: {  	v15 =	vmovc v23;
	v12 =	vmovc v24;
	v11 =	vmov v21;
	v13 =	vmov v27;
	v10 =	vmov v19;
	[tilespmem:v61+s18+$0x0] =	vst.idx.msk $0xffff, v43  }
0xf5: {  	s25 =	sadd.s32 $0x8, s25;
	v14 =	vmovc v25;
	v8 =	vmov v28;
	v46 =	vadd.s32 v63, v6;
	v6 =	vmov v17;
	[tilespmem:v62+s18+$0x0] =	vst.idx.msk $0xffff, v42  }
0xf6: {  	_ = 	snop  }
0xf7: {  	s24 =	sshll.u32 s22, $0x13  }
0xf8: {  	s24 =	sor.u32 s8, s24  }
0xf9: {  	s24 =	sshrl.u32 s24, $0x3  }
0xfa: {  	[tilespmem:v46+s18+$0x0] =	vst.idx.msk $0xffff, v41;
	s30 =	simm.s32 $0x10800;
	s25 =	sadd.s32 s2, s24  }
0xfb: {  	[hbm4b:s25+s3] =	stream.linear.scatter [tilespmem:s30], [sflag:$0x2], $0x80, $0x38;
	[tilespmem:$0x14C20] =	vst v63  }
0xfc: {  	s31 =	simm.s32 $0x10888;
	s26 =	sadd.s32 $0x10, s25  }
0xfd: {  	[hbm4b:s26+s3] =	stream.linear.scatter [tilespmem:s31], [sflag:$0x2], $0x80, $0x38;
	[tilespmem:$0x14C20] =	vst v63  }
0xfe: {  	s28 =	simm.s32 $0x10BB8;
	s30 =	simm.s32 $0x10910;
	s31 =	sadd.s32 $0x20, s25  }
0xff: {  	[hbm4b:s31+s3] =	stream.linear.scatter [tilespmem:s30], [sflag:$0x2], $0x80, $0x38;
	[tilespmem:$0x14C20] =	vst v63  }
0x100: {  	s24 =	simm.s32 $0x440;
	s30 =	simm.s32 $0x10998;
	s31 =	sadd.s32 $0x30, s25  }
0x101: {  	[hbm4b:s31+s3] =	stream.linear.scatter [tilespmem:s30], [sflag:$0x2], $0x80, $0x38;
	[tilespmem:$0x14C20] =	vst v63  }
0x102: {  	s29 =	sadd.s32 $0x70, s25;
	s30 =	simm.s32 $0x10A20;
	s31 =	sadd.s32 $0x40, s25  }
0x103: {  	[hbm4b:s31+s3] =	stream.linear.scatter [tilespmem:s30], [sflag:$0x2], $0x80, $0x38;
	[tilespmem:$0x14C20] =	vst v63  }
0x104: {  	s26 =	simm.s32 $0x2200;
	s30 =	simm.s32 $0x10AA8;
	s31 =	sadd.s32 $0x50, s25  }
0x105: {  	[hbm4b:s31+s3] =	stream.linear.scatter [tilespmem:s30], [sflag:$0x2], $0x80, $0x38;
	[tilespmem:$0x14C20] =	vst v63  }
0x106: {  	s30 =	simm.s32 $0x10B30;
	s31 =	sadd.s32 $0x60, s25;
	s25 =	sadd.s32 $0x1000, s25  }
0x107: {  	[hbm4b:s31+s3] =	stream.linear.scatter [tilespmem:s30], [sflag:$0x2], $0x80, $0x38;
	[tilespmem:$0x14C20] =	vst v63  }
.LBB2_7:
0x108: {  	[hbm4b:s29+s3] =	stream.linear.scatter [tilespmem:s28], [sflag:$0x2], $0x80, $0x38;
	[tilespmem:$0x14C20] =	vst v63  }
0x109: {  	s28 =	smov.u32 s24;
	s24 =	smov.u32 s26  }
0x10a: {  	s30 =	sadd.s32 $0x1100, s26;
	s24 =	sshra.s32 s24, $0x2;
	s29 =	sadd.s32 $0x10800, s28  }
0x10b: {  	[hbm4b:s25+s3] =	stream.linear.scatter [tilespmem:s29], [sflag:$0x2], $0x80, $0x38;
	[tilespmem:$0x14C20] =	vst v63  }
0x10c: {  	p0 =	sne.s32 s26, $0x7700;
	s26 =	sadd.s32 $0x10888, s28;
	s29 =	sadd.s32 $0x10, s25  }
0x10d: {  	[hbm4b:s29+s3] =	stream.linear.scatter [tilespmem:s26], [sflag:$0x2], $0x80, $0x38;
	[tilespmem:$0x14C20] =	vst v63  }
0x10e: {  	s26 =	sadd.s32 $0x10910, s28;
	s29 =	sadd.s32 $0x20, s25  }
0x10f: {  	[hbm4b:s29+s3] =	stream.linear.scatter [tilespmem:s26], [sflag:$0x2], $0x80, $0x38;
	[tilespmem:$0x14C20] =	vst v63  }
0x110: {  	s26 =	sadd.s32 $0x10998, s28;
	s29 =	sadd.s32 $0x30, s25  }
0x111: {  	[hbm4b:s29+s3] =	stream.linear.scatter [tilespmem:s26], [sflag:$0x2], $0x80, $0x38;
	[tilespmem:$0x14C20] =	vst v63  }
0x112: {  	s26 =	sadd.s32 $0x10A20, s28;
	s29 =	sadd.s32 $0x40, s25  }
0x113: {  	[hbm4b:s29+s3] =	stream.linear.scatter [tilespmem:s26], [sflag:$0x2], $0x80, $0x38;
	[tilespmem:$0x14C20] =	vst v63  }
.Ltmp2:
0x114: {  	s26 =	sadd.s32 $0x10AA8, s28;
	s29 =	sadd.s32 $0x50, s25;
	(pc) =	sbr.rel @p0 .LBB2_7-.Ltmp2, $4  }
0x115: {  	[hbm4b:s29+s3] =	stream.linear.scatter [tilespmem:s26], [sflag:$0x2], $0x80, $0x38;
	[tilespmem:$0x14C20] =	vst v63  }
0x116: {  	s26 =	sadd.s32 $0x10B30, s28;
	s29 =	sadd.s32 $0x60, s25;
	s28 =	sadd.s32 $0x10BB8, s28  }
0x117: {  	[hbm4b:s29+s3] =	stream.linear.scatter [tilespmem:s26], [sflag:$0x2], $0x80, $0x38;
	[tilespmem:$0x14C20] =	vst v63  }
0x118: {  	s29 =	sadd.s32 $0x70, s25;
	s25 =	sadd.s32 $0x1000, s25;
	s26 =	smov.u32 s30  }
0x119: {  	[hbm4b:s29+s3] =	stream.linear.scatter [tilespmem:s28], [sflag:$0x2], $0x80, $0x38;
	[tilespmem:$0x14C20] =	vst v63  }
0x11a: {  	s26 =	sadd.s32 $0x10800, s24  }
0x11b: {  	[hbm4b:s25+s3] =	stream.linear.scatter [tilespmem:s26], [sflag:$0x2], $0x80, $0x38;
	[tilespmem:$0x14C20] =	vst v63  }
0x11c: {  	s29 =	sadd.s32 $0x10888, s24;
	s30 =	sadd.s32 $0x10, s25  }
0x11d: {  	[hbm4b:s30+s3] =	stream.linear.scatter [tilespmem:s29], [sflag:$0x2], $0x80, $0x38;
	[tilespmem:$0x14C20] =	vst v63  }
0x11e: {  	s31 =	sadd.s32 $0x10910, s24;
	s29 =	sadd.s32 $0x20, s25  }
0x11f: {  	[hbm4b:s29+s3] =	stream.linear.scatter [tilespmem:s31], [sflag:$0x2], $0x80, $0x38;
	[tilespmem:$0x14C20] =	vst v63  }
0x120: {  	s30 =	sadd.s32 $0x10998, s24;
	s31 =	sadd.s32 $0x30, s25  }
0x121: {  	[hbm4b:s31+s3] =	stream.linear.scatter [tilespmem:s30], [sflag:$0x2], $0x80, $0x38;
	[tilespmem:$0x14C20] =	vst v63  }
0x122: {  	s29 =	sadd.s32 $0x10A20, s24;
	s30 =	sadd.s32 $0x40, s25  }
0x123: {  	[hbm4b:s30+s3] =	stream.linear.scatter [tilespmem:s29], [sflag:$0x2], $0x80, $0x38;
	[tilespmem:$0x14C20] =	vst v63  }
0x124: {  	s31 =	sadd.s32 $0x10AA8, s24;
	s29 =	sadd.s32 $0x50, s25  }
0x125: {  	[hbm4b:s29+s3] =	stream.linear.scatter [tilespmem:s31], [sflag:$0x2], $0x80, $0x38;
	[tilespmem:$0x14C20] =	vst v63  }
0x126: {  	p0 =	seq.s32 s22, $0x63;
	s30 =	sadd.s32 $0x10B30, s24;
	s31 =	sadd.s32 $0x60, s25  }
0x127: {  	[hbm4b:s31+s3] =	stream.linear.scatter [tilespmem:s30], [sflag:$0x2], $0x80, $0x38;
	[tilespmem:$0x14C20] =	vst v63  }
0x128: {  	s28 =	sadd.s32 $0x70, s25;
	s26 =	sadd.s32 $0x10BB8, s24;
	s24 =	sshll.u32 @!p0 s22, $0x8  }
0x129: {  	[hbm4b:s28+s3] =	stream.linear.scatter [tilespmem:s26], [sflag:$0x2], $0x80, $0x38;
	[tilespmem:$0x14C20] =	vst v63  }
0x12a: {  	s24 =	sand.u32 @!p0 $0x3FFFFF00, s24;
	_ =	swait.ge [sflag:s16], $0x2000  }
0x12b: {  	p1 =	seq.s32 @!p0 s22, $0x0;
	s24 =	sadd.s32 @!p0 $0x6500, s24;
	[sflag:s16] =	ssyncset.done $0x0  }
0x12c: {  	s25 =	simm.s32 @!p0 $0x80;
	s26 =	simm.s32 @!p0 $0xC800;
	[sflag:s16] =	ssyncadd.s32 $0xFFFFE000  }
0x12d: {  	[tilespmem:s26], [sflag:$0x1] =	stream.indirect.gather @!p0 [hbm4b:s4+s25], $0x40, s24, s25, $0xb8;
	[tilespmem:$0x14C20] =	vst v63  }
0x12e: {  	p0 =	por p0, !p1  }
0x12f: {  	_ =	swait.ge @p0 [sflag:s20], $0x2000  }
0x130: {  	[sflag:s20] =	ssyncset.done @p0 $0x0  }
0x131: {  	s24 =	simm.s32 $0xE9F0;
	v18 =	vld [tilespmem:$0x1FE70];
	[sflag:s20] =	ssyncadd.s32 @p0 $0xFFFFE000  }
0x132: {  	s29 =	simm.s32 $0x0;
	v41 =	vld [tilespmem:s24+$0x0]  }
0x133: {  	v48 =	vmov s29;
	v42 =	vld [tilespmem:s24+$0xFFFFFFF0]  }
0x134: {  	v48 =	vshrl.u32 v48, $0x3;
	v43 =	vld [tilespmem:s24+$0xFFFFFFE0]  }
0x135: {  	v48 =	vshll.u32 v48, v9;
	v0 =	vld [tilespmem:s24+$0xFFFFFFD0]  }
0x136: {  	v48 =	vbroadcast v48, $0x0;
	v1 =	vld [tilespmem:s24+$0xFFFFFFC0]  }
0x137: {  	v2 =	vld [tilespmem:s24+$0xFFFFFFB0]  }
0x138: {  	v57 =	vadd.s32 v18, v48;
	v18 =	vld [tilespmem:$0x1FE80]  }
0x139: {  	v3 =	vld [tilespmem:s24+$0xFFFFFFA0]  }
0x13a: {  	v4 =	vld [tilespmem:s24+$0xFFFFFF90]  }
0x13b: {  	v5 =	vld [tilespmem:s24+$0xFFFFFF80]  }
0x13c: {  	v6 =	vld [tilespmem:s24+$0xFFFFFF70]  }
0x13d: {  	v59 =	vadd.s32 v18, v48;
	v18 =	vld [tilespmem:$0x1FE90]  }
0x13e: {  	v7 =	vld [tilespmem:s24+$0xFFFFFF60]  }
0x13f: {  	v8 =	vld [tilespmem:s24+$0xFFFFFF50]  }
0x140: {  	v10 =	vld [tilespmem:s24+$0xFFFFFF40]  }
0x141: {  	s30 =	simm.s32 $0x1;
	v11 =	vld [tilespmem:s24+$0xFFFFFF30]  }
0x142: {  	v53 =	vmov s30;
	v55 =	vadd.s32 v17, v48;
	v48 =	vadd.s32 v18, v48;
	v18 =	vld [tilespmem:$0x1FEA0]  }
0x143: {  	v53 =	vshrl.u32 v53, $0x3;
	v12 =	vld [tilespmem:s24+$0xFFFFFF20]  }
0x144: {  	v53 =	vshll.u32 v53, v9;
	v13 =	vld [tilespmem:s24+$0xFFFFFF10]  }
0x145: {  	v53 =	vbroadcast v53, $0x0;
	v14 =	vld [tilespmem:s24+$0xFFFFFF00]  }
0x146: {  	v15 =	vld [tilespmem:s24+$0xFFFFFEF0]  }
0x147: {  	v63 =	vadd.s32 v18, v53;
	v18 =	vld [tilespmem:$0x1FEB0]  }
0x148: {  	v16 =	vld [tilespmem:s24+$0xFFFFFEE0]  }
0x149: {  	v44 =	vld [tilespmem:s24+$0xFFFFFED0]  }
0x14a: {  	v45 =	vld [tilespmem:s24+$0xFFFFFEC0]  }
0x14b: {  	v46 =	vld [tilespmem:s24+$0xFFFFFEB0]  }
0x14c: {  	v37 =	vadd.s32 v18, v53;
	v18 =	vld [tilespmem:$0x1FEC0]  }
0x14d: {  	v47 =	vld [tilespmem:s24+$0xFFFFFEA0]  }
0x14e: {  	v49 =	vld [tilespmem:s24+$0xFFFFFE90]  }
0x14f: {  	v50 =	vld [tilespmem:s24+$0xFFFFFE80]  }
0x150: {  	v51 =	vld [tilespmem:s24+$0xFFFFFE70]  }
0x151: {  	v39 =	vadd.s32 v18, v53;
	v18 =	vld [tilespmem:$0x1FED0]  }
0x152: {  	v54 =	vld [tilespmem:s24+$0xFFFFFE10]  }
0x153: {  	v56 =	vld [tilespmem:s24+$0xFFFFFE20]  }
0x154: {  	v58 =	vld [tilespmem:s24+$0xFFFFFE30]  }
0x155: {  	s31 =	simm.s32 $0x2;
	v60 =	vld [tilespmem:s24+$0xFFFFFE40]  }
0x156: {  	v61 =	vmov s31;
	v53 =	vadd.s32 v18, v53;
	v18 =	vld [tilespmem:$0x1FEE0]  }
0x157: {  	v61 =	vshrl.u32 v61, $0x3;
	v52 =	vld [tilespmem:s24+$0xFFFFFE60]  }
0x158: {  	v38 =	vshll.u32 v61, v9;
	v62 =	vld [tilespmem:s24+$0xFFFFFE50];
	[tilespmem:v55+s19+$0x0] =	vst.idx.msk $0xffff, v54  }
0x159: {  	v55 =	vbroadcast v38, $0x0;
	[tilespmem:v57+s19+$0x0] =	vst.idx.msk $0xffff, v56  }
0x15a: {  	[tilespmem:v59+s19+$0x0] =	vst.idx.msk $0xffff, v58  }
0x15b: {  	[tilespmem:v48+s19+$0x0] =	vst.idx.msk $0xffff, v60;
	v60 =	vadd.s32 v18, v55;
	v18 =	vld [tilespmem:$0x1FEF0];
	_ =	sdelay $0x4  }
0x15c: {  	v61 =	vadd.s32 v18, v55;
	v18 =	vld [tilespmem:$0x1FF00];
	_ =	sdelay $0x4  }
0x15d: {  	[tilespmem:v63+s19+$0x0] =	vst.idx.msk $0xffff, v62;
	v62 =	vadd.s32 v18, v55;
	v18 =	vld [tilespmem:$0x1FF10]  }
0x15e: {  	s26 =	simm.s32 $0x3  }
0x15f: {  	v40 =	vmov s26;
	v30 =	vld [tilespmem:$0x1FF20]  }
0x160: {  	v57 =	vshrl.u32 v40, $0x3  }
0x161: {  	v31 =	vld [tilespmem:$0x1FF30];
	v57 =	vshll.u32 v57, v9;
	[tilespmem:v37+s19+$0x0] =	vst.idx.msk $0xffff, v52  }
0x162: {  	v63 =	vbroadcast v57, $0x0;
	[tilespmem:v39+s19+$0x0] =	vst.idx.msk $0xffff, v51;
	v36 =	vadd.s32 v18, v55  }
0x163: {  	v32 =	vld [tilespmem:$0x1FF40];
	[tilespmem:v53+s19+$0x0] =	vst.idx.msk $0xffff, v50  }
0x164: {  	s28 =	simm.s32 $0x4;
	v33 =	vld [tilespmem:$0x1FF50];
	v38 =	vadd.s32 v30, v63;
	[tilespmem:v60+s19+$0x0] =	vst.idx.msk $0xffff, v49  }
0x165: {  	v34 =	vld [tilespmem:$0x1FF60];
	v37 =	vmov s28;
	[tilespmem:v61+s19+$0x0] =	vst.idx.msk $0xffff, v47  }
0x166: {  	v35 =	vld [tilespmem:$0x1FF70];
	v40 =	vadd.s32 v31, v63;
	v39 =	vshrl.u32 v37, $0x3;
	[tilespmem:v62+s19+$0x0] =	vst.idx.msk $0xffff, v46  }
0x167: {  	v55 =	vshll.u32 v39, v9;
	[tilespmem:v36+s19+$0x0] =	vst.idx.msk $0xffff, v45;
	v36 =	vld [tilespmem:$0x1FF80]  }
0x168: {  	s29 =	simm.s32 $0x5;
	v56 =	vadd.s32 v32, v63;
	v37 =	vld [tilespmem:$0x1FF90];
	v49 =	vbroadcast v55, $0x0  }
0x169: {  	v58 =	vmov s29;
	v57 =	vadd.s32 v33, v63;
	[tilespmem:v38+s19+$0x0] =	vst.idx.msk $0xffff, v44;
	v38 =	vld [tilespmem:$0x1FFA0]  }
0x16a: {  	v60 =	vshrl.u32 v58, $0x3;
	v39 =	vld [tilespmem:$0x1FFB0];
	v59 =	vadd.s32 v34, v49  }
0x16b: {  	v62 =	vshll.u32 v60, v9;
	v61 =	vadd.s32 v35, v49;
	[tilespmem:v40+s19+$0x0] =	vst.idx.msk $0xffff, v16;
	v40 =	vld [tilespmem:$0x1FFC0]  }
0x16c: {  	s30 =	simm.s32 $0x6;
	v63 =	vbroadcast v62, $0x0;
	v16 =	vadd.s32 v36, v49  }
0x16d: {  	v50 =	vmov s30;
	[tilespmem:v56+s19+$0x0] =	vst.idx.msk $0xffff, v15;
	v15 =	vadd.s32 v37, v49  }
0x16e: {  	v52 =	vshrl.u32 v50, $0x3;
	v18 =	vld [tilespmem:$0x1FFD0];
	[tilespmem:v57+s19+$0x0] =	vst.idx.msk $0xffff, v14;
	v51 =	vadd.s32 v38, v63  }
0x16f: {  	v54 =	vshll.u32 v52, v9;
	v53 =	vadd.s32 v39, v63;
	[tilespmem:v59+s19+$0x0] =	vst.idx.msk $0xffff, v13  }
0x170: {  	s31 =	simm.s32 $0x7;
	v56 =	vbroadcast v54, $0x0;
	[tilespmem:v61+s19+$0x0] =	vst.idx.msk $0xffff, v12;
	v55 =	vadd.s32 v40, v63  }
0x171: {  	[tilespmem:v16+s19+$0x0] =	vst.idx.msk $0xffff, v11;
	v11 =	vadd.s32 v19, v63;
	v16 =	vmov s31  }
0x172: {  	[tilespmem:v15+s19+$0x0] =	vst.idx.msk $0xffff, v10;
	v10 =	vadd.s32 v21, v56;
	v15 =	vshrl.u32 v16, $0x3  }
0x173: {  	[tilespmem:v51+s19+$0x0] =	vst.idx.msk $0xffff, v8;
	v8 =	vadd.s32 v18, v56;
	v57 =	vshll.u32 v15, v9  }
0x174: {  	v58 =	vadd.s32 v23, v56;
	[tilespmem:v53+s19+$0x0] =	vst.idx.msk $0xffff, v7;
	v59 =	vbroadcast v57, $0x0  }
0x175: {  	v60 =	vadd.s32 v24, v56;
	[tilespmem:v55+s19+$0x0] =	vst.idx.msk $0xffff, v6  }
0x176: {  	[tilespmem:v11+s19+$0x0] =	vst.idx.msk $0xffff, v5;
	v61 =	vadd.s32 v25, v59  }
0x177: {  	v62 =	vadd.s32 v26, v59;
	[tilespmem:v10+s19+$0x0] =	vst.idx.msk $0xffff, v4  }
0x178: {  	v29 =	vld [tilespmem:$0x1FFE0];
	v63 =	vadd.s32 v27, v59;
	[tilespmem:v8+s19+$0x0] =	vst.idx.msk $0xffff, v3  }
0x179: {  	[tilespmem:v58+s19+$0x0] =	vst.idx.msk $0xffff, v2  }
0x17a: {  	[tilespmem:v60+s19+$0x0] =	vst.idx.msk $0xffff, v1  }
0x17b: {  	[tilespmem:v61+s19+$0x0] =	vst.idx.msk $0xffff, v0  }
0x17c: {  	[tilespmem:v62+s19+$0x0] =	vst.idx.msk $0xffff, v43  }
0x17d: {  	v20 =	vmovc v19;
	v22 =	vmov v21;
	v28 =	vmov v27;
	s25 =	simm.s32 $0xF;
	v46 =	vadd.s32 v29, v59;
	[tilespmem:v63+s19+$0x0] =	vst.idx.msk $0xffff, v42  }
.LBB2_9:
0x17e: {  	v55 =	vld [tilespmem:$0x1FFF0]  }
0x17f: {  	v57 =	vld [tilespmem:$0x1FE70]  }
0x180: {  	v59 =	vld [tilespmem:$0x1FE80]  }
0x181: {  	v61 =	vld [tilespmem:$0x1FE90]  }
0x182: {  	[tilespmem:v46+s19+$0x0] =	vst.idx.msk $0xffff, v41;
	s24 =	sadd.s32 $0x200, s24;
	v63 =	vld [tilespmem:$0x1FEA0]  }
0x183: {  	v41 =	vld [tilespmem:s24+$0x0]  }
0x184: {  	v42 =	vld [tilespmem:s24+$0xFFFFFFF0]  }
0x185: {  	v43 =	vld [tilespmem:s24+$0xFFFFFFE0]  }
0x186: {  	v44 =	vld [tilespmem:s24+$0xFFFFFFD0]  }
0x187: {  	v45 =	vld [tilespmem:s24+$0xFFFFFFC0]  }
0x188: {  	v46 =	vld [tilespmem:s24+$0xFFFFFFB0]  }
0x189: {  	v47 =	vld [tilespmem:s24+$0xFFFFFFA0]  }
0x18a: {  	v48 =	vld [tilespmem:s24+$0xFFFFFF90]  }
0x18b: {  	v49 =	vld [tilespmem:s24+$0xFFFFFF80]  }
0x18c: {  	v50 =	vld [tilespmem:s24+$0xFFFFFF70]  }
0x18d: {  	v51 =	vld [tilespmem:s24+$0xFFFFFF60]  }
0x18e: {  	v52 =	vld [tilespmem:s24+$0xFFFFFF50]  }
0x18f: {  	v53 =	vld [tilespmem:s24+$0xFFFFFF40]  }
0x190: {  	v54 =	vld [tilespmem:s24+$0xFFFFFF30]  }
0x191: {  	v0 =	vld [tilespmem:s24+$0xFFFFFF20]  }
0x192: {  	v1 =	vld [tilespmem:s24+$0xFFFFFF10]  }
0x193: {  	v2 =	vld [tilespmem:s24+$0xFFFFFF00]  }
0x194: {  	v3 =	vld [tilespmem:s24+$0xFFFFFEF0]  }
0x195: {  	v4 =	vld [tilespmem:s24+$0xFFFFFEE0]  }
0x196: {  	v5 =	vld [tilespmem:s24+$0xFFFFFED0]  }
0x197: {  	s26 =	smov.u32 s25;
	v6 =	vld [tilespmem:s24+$0xFFFFFEC0]  }
0x198: {  	s28 =	sadd.s32 $0xFFFFFFF9, s26;
	v7 =	vld [tilespmem:s24+$0xFFFFFEB0]  }
0x199: {  	v8 =	vld [tilespmem:s24+$0xFFFFFEA0];
	v10 =	vmov s28  }
0x19a: {  	v11 =	vld [tilespmem:s24+$0xFFFFFE90];
	v10 =	vshrl.u32 v10, $0x3  }
0x19b: {  	v12 =	vld [tilespmem:s24+$0xFFFFFE80];
	v10 =	vshll.u32 v10, v9  }
0x19c: {  	v13 =	vld [tilespmem:s24+$0xFFFFFE70];
	v10 =	vbroadcast v10, $0x0  }
0x19d: {  	v14 =	vld [tilespmem:s24+$0xFFFFFE60]  }
0x19e: {  	s29 =	sadd.s32 $0xFFFFFFFA, s26;
	v16 =	vld [tilespmem:s24+$0xFFFFFE10];
	v55 =	vadd.s32 v55, v10  }
0x19f: {  	v56 =	vld [tilespmem:s24+$0xFFFFFE20];
	v15 =	vmov s29  }
0x1a0: {  	v58 =	vld [tilespmem:s24+$0xFFFFFE30];
	s30 =	sadd.s32 $0xFFFFFFFB, s26;
	v15 =	vshrl.u32 v15, $0x3;
	v57 =	vadd.s32 v57, v10  }
0x1a1: {  	v60 =	vld [tilespmem:s24+$0xFFFFFE40];
	v59 =	vadd.s32 v59, v10;
	v10 =	vadd.s32 v61, v10;
	v61 =	vmov s30  }
0x1a2: {  	v62 =	vld [tilespmem:s24+$0xFFFFFE50];
	v15 =	vshll.u32 v15, v9;
	v61 =	vshrl.u32 v61, $0x3  }
0x1a3: {  	v15 =	vbroadcast v15, $0x0;
	[tilespmem:v55+s19+$0x0] =	vst.idx.msk $0xffff, v16;
	v55 =	vshll.u32 v61, v9;
	v61 =	vld [tilespmem:$0x1FEC0];
	_ =	sdelay $0x1  }
0x1a4: {  	v63 =	vadd.s32 v63, v15  }
0x1a5: {  	v16 =	vld [tilespmem:$0x1FEB0]  }
0x1a6: {  	[tilespmem:v57+s19+$0x0] =	vst.idx.msk $0xffff, v56  }
0x1a7: {  	[tilespmem:v59+s19+$0x0] =	vst.idx.msk $0xffff, v58;
	v56 =	vadd.s32 v61, v15;
	v61 =	vld [tilespmem:$0x1FED0]  }
0x1a8: {  	[tilespmem:v10+s19+$0x0] =	vst.idx.msk $0xffff, v60;
	v10 =	vld [tilespmem:$0x1FEE0]  }
0x1a9: {  	[tilespmem:v63+s19+$0x0] =	vst.idx.msk $0xffff, v62;
	v62 =	vld [tilespmem:$0x1FEF0]  }
0x1aa: {  	v63 =	vld [tilespmem:$0x1FF00];
	v16 =	vadd.s32 v16, v15  }
0x1ab: {  	s31 =	sadd.s32 $0xFFFFFFFC, s26;
	v55 =	vbroadcast v55, $0x0;
	v59 =	vld [tilespmem:$0x1FF10]  }
0x1ac: {  	v15 =	vadd.s32 v61, v15;
	v61 =	vmov s31  }
0x1ad: {  	v10 =	vadd.s32 v10, v55;
	v57 =	vshrl.u32 v61, $0x3  }
0x1ae: {  	v58 =	vadd.s32 v62, v55;
	v57 =	vshll.u32 v57, v9  }
0x1af: {  	s29 =	sadd.s32 $0xFFFFFFFD, s26;
	[tilespmem:v16+s19+$0x0] =	vst.idx.msk $0xffff, v14;
	v14 =	vadd.s32 v63, v55;
	v16 =	vbroadcast v57, $0x0  }
0x1b0: {  	v60 =	vmov s29;
	[tilespmem:v56+s19+$0x0] =	vst.idx.msk $0xffff, v13;
	v13 =	vadd.s32 v59, v55  }
0x1b1: {  	[tilespmem:v15+s19+$0x0] =	vst.idx.msk $0xffff, v12;
	v61 =	vadd.s32 v30, v16;
	v15 =	vshrl.u32 v60, $0x3  }
0x1b2: {  	[tilespmem:v10+s19+$0x0] =	vst.idx.msk $0xffff, v11;
	v10 =	vadd.s32 v31, v16;
	v11 =	vshll.u32 v15, v9  }
0x1b3: {  	s30 =	sadd.s32 $0xFFFFFFFE, s26;
	[tilespmem:v58+s19+$0x0] =	vst.idx.msk $0xffff, v8;
	v8 =	vadd.s32 v32, v16;
	v11 =	vbroadcast v11, $0x0  }
0x1b4: {  	v63 =	vmov s30;
	v62 =	vadd.s32 v33, v16;
	[tilespmem:v14+s19+$0x0] =	vst.idx.msk $0xffff, v7  }
0x1b5: {  	v56 =	vshrl.u32 v63, $0x3;
	[tilespmem:v13+s19+$0x0] =	vst.idx.msk $0xffff, v6;
	v55 =	vadd.s32 v34, v11  }
0x1b6: {  	v58 =	vshll.u32 v56, v9;
	v57 =	vadd.s32 v35, v11;
	[tilespmem:v61+s19+$0x0] =	vst.idx.msk $0xffff, v5  }
0x1b7: {  	s31 =	sadd.s32 $0xFFFFFFFF, s26;
	v59 =	vadd.s32 v36, v11;
	[tilespmem:v10+s19+$0x0] =	vst.idx.msk $0xffff, v4;
	v10 =	vbroadcast v58, $0x0  }
0x1b8: {  	v60 =	vadd.s32 v37, v11;
	[tilespmem:v8+s19+$0x0] =	vst.idx.msk $0xffff, v3;
	v8 =	vmov s31  }
0x1b9: {  	[tilespmem:v62+s19+$0x0] =	vst.idx.msk $0xffff, v2;
	v61 =	vadd.s32 v38, v10;
	v62 =	vshrl.u32 v8, $0x3  }
0x1ba: {  	v63 =	vadd.s32 v39, v10;
	[tilespmem:v55+s19+$0x0] =	vst.idx.msk $0xffff, v1;
	v12 =	vshll.u32 v62, v9  }
0x1bb: {  	v13 =	vadd.s32 v40, v10;
	[tilespmem:v57+s19+$0x0] =	vst.idx.msk $0xffff, v0;
	v14 =	vbroadcast v12, $0x0  }
0x1bc: {  	v56 =	vmov s26;
	v55 =	vadd.s32 v20, v10;
	[tilespmem:v59+s19+$0x0] =	vst.idx.msk $0xffff, v54  }
0x1bd: {  	v6 =	vshrl.u32 v56, $0x3;
	[tilespmem:v60+s19+$0x0] =	vst.idx.msk $0xffff, v53;
	v57 =	vadd.s32 v22, v14  }
0x1be: {  	v6 =	vshll.u32 v6, v9;
	v58 =	vadd.s32 v18, v14;
	[tilespmem:v61+s19+$0x0] =	vst.idx.msk $0xffff, v52  }
0x1bf: {  	v6 =	vbroadcast v6, $0x0;
	v59 =	vadd.s32 v23, v14;
	[tilespmem:v63+s19+$0x0] =	vst.idx.msk $0xffff, v51  }
0x1c0: {  	v60 =	vadd.s32 v24, v14;
	[tilespmem:v13+s19+$0x0] =	vst.idx.msk $0xffff, v50  }
0x1c1: {  	v61 =	vadd.s32 v25, v6;
	[tilespmem:v55+s19+$0x0] =	vst.idx.msk $0xffff, v49  }
0x1c2: {  	v62 =	vadd.s32 v26, v6;
	[tilespmem:v57+s19+$0x0] =	vst.idx.msk $0xffff, v48  }
0x1c3: {  	p0 =	sne.s32 s25, $0x7F;
	v63 =	vadd.s32 v28, v6;
	[tilespmem:v58+s19+$0x0] =	vst.idx.msk $0xffff, v47  }
.Ltmp3:
0x1c4: {  	[tilespmem:v59+s19+$0x0] =	vst.idx.msk $0xffff, v46;
	(pc) =	sbr.rel @p0 .LBB2_9-.Ltmp3, $4  }
0x1c5: {  	[tilespmem:v60+s19+$0x0] =	vst.idx.msk $0xffff, v45  }
0x1c6: {  	[tilespmem:v61+s19+$0x0] =	vst.idx.msk $0xffff, v44  }
0x1c7: {  	[tilespmem:v62+s19+$0x0] =	vst.idx.msk $0xffff, v43  }
0x1c8: {  	s25 =	sadd.s32 $0x8, s25;
	v46 =	vadd.s32 v29, v6;
	[tilespmem:v63+s19+$0x0] =	vst.idx.msk $0xffff, v42  }
0x1c9: {  	_ = 	snop  }
0x1ca: {  	s23 =	sshll.u32 s23, $0x12  }
0x1cb: {  	s23 =	sor.u32 s8, s23  }
0x1cc: {  	s23 =	sshrl.u32 s23, $0x3  }
0x1cd: {  	[tilespmem:v46+s19+$0x0] =	vst.idx.msk $0xffff, v41;
	s26 =	simm.s32 $0x12A00;
	s24 =	sadd.s32 s2, s23  }
0x1ce: {  	[hbm4b:s24+s3] =	stream.linear.scatter [tilespmem:s26], [sflag:$0x2], $0x80, $0x38;
	[tilespmem:$0x14C20] =	vst v63  }
0x1cf: {  	s29 =	simm.s32 $0x12A88;
	s25 =	sadd.s32 $0x10, s24  }
0x1d0: {  	[hbm4b:s25+s3] =	stream.linear.scatter [tilespmem:s29], [sflag:$0x2], $0x80, $0x38;
	[tilespmem:$0x14C20] =	vst v63  }
0x1d1: {  	s30 =	simm.s32 $0x12B10;
	s23 =	simm.s32 $0x440;
	s31 =	sadd.s32 $0x20, s24  }
0x1d2: {  	[hbm4b:s31+s3] =	stream.linear.scatter [tilespmem:s30], [sflag:$0x2], $0x80, $0x38;
	[tilespmem:$0x14C20] =	vst v63  }
0x1d3: {  	s26 =	simm.s32 $0x12B98;
	s28 =	sadd.s32 $0x70, s24;
	s29 =	sadd.s32 $0x30, s24  }
0x1d4: {  	[hbm4b:s29+s3] =	stream.linear.scatter [tilespmem:s26], [sflag:$0x2], $0x80, $0x38;
	[tilespmem:$0x14C20] =	vst v63  }
0x1d5: {  	s25 =	simm.s32 $0x2200;
	s30 =	simm.s32 $0x12C20;
	s31 =	sadd.s32 $0x40, s24  }
0x1d6: {  	[hbm4b:s31+s3] =	stream.linear.scatter [tilespmem:s30], [sflag:$0x2], $0x80, $0x38;
	[tilespmem:$0x14C20] =	vst v63  }
0x1d7: {  	s26 =	simm.s32 $0x12CA8;
	s29 =	sadd.s32 $0x50, s24;
	s30 =	simm.s32 $0x12D30  }
0x1d8: {  	[hbm4b:s29+s3] =	stream.linear.scatter [tilespmem:s26], [sflag:$0x2], $0x80, $0x38;
	[tilespmem:$0x14C20] =	vst v63  }
0x1d9: {  	s31 =	sadd.s32 $0x60, s24;
	s24 =	sadd.s32 $0x1000, s24;
	s26 =	simm.s32 $0x12DB8  }
0x1da: {  	v15 =	vmovc v23;
	v16 =	vmov v26;
	v14 =	vmov v25;
	v12 =	vmov v24;
	[hbm4b:s31+s3] =	stream.linear.scatter [tilespmem:s30], [sflag:$0x2], $0x80, $0x38;
	[tilespmem:$0x14C20] =	vst v63  }
.LBB2_11:
0x1db: {  	[hbm4b:s28+s3] =	stream.linear.scatter [tilespmem:s26], [sflag:$0x2], $0x80, $0x38;
	[tilespmem:$0x14C20] =	vst v63  }
0x1dc: {  	s26 =	smov.u32 s23;
	s23 =	smov.u32 s25  }
0x1dd: {  	s29 =	sadd.s32 $0x1100, s25;
	s23 =	sshra.s32 s23, $0x2;
	s28 =	sadd.s32 $0x12A00, s26  }
0x1de: {  	[hbm4b:s24+s3] =	stream.linear.scatter [tilespmem:s28], [sflag:$0x2], $0x80, $0x38;
	[tilespmem:$0x14C20] =	vst v63  }
0x1df: {  	p0 =	sne.s32 s25, $0x7700;
	s25 =	sadd.s32 $0x12A88, s26;
	s28 =	sadd.s32 $0x10, s24  }
0x1e0: {  	[hbm4b:s28+s3] =	stream.linear.scatter [tilespmem:s25], [sflag:$0x2], $0x80, $0x38;
	[tilespmem:$0x14C20] =	vst v63  }
0x1e1: {  	s25 =	sadd.s32 $0x12B10, s26;
	s28 =	sadd.s32 $0x20, s24  }
0x1e2: {  	[hbm4b:s28+s3] =	stream.linear.scatter [tilespmem:s25], [sflag:$0x2], $0x80, $0x38;
	[tilespmem:$0x14C20] =	vst v63  }
0x1e3: {  	s25 =	sadd.s32 $0x12B98, s26;
	s28 =	sadd.s32 $0x30, s24  }
0x1e4: {  	[hbm4b:s28+s3] =	stream.linear.scatter [tilespmem:s25], [sflag:$0x2], $0x80, $0x38;
	[tilespmem:$0x14C20] =	vst v63  }
0x1e5: {  	s25 =	sadd.s32 $0x12C20, s26;
	s28 =	sadd.s32 $0x40, s24  }
0x1e6: {  	[hbm4b:s28+s3] =	stream.linear.scatter [tilespmem:s25], [sflag:$0x2], $0x80, $0x38;
	[tilespmem:$0x14C20] =	vst v63  }
.Ltmp4:
0x1e7: {  	s25 =	sadd.s32 $0x12CA8, s26;
	s28 =	sadd.s32 $0x50, s24;
	(pc) =	sbr.rel @p0 .LBB2_11-.Ltmp4, $4  }
0x1e8: {  	[hbm4b:s28+s3] =	stream.linear.scatter [tilespmem:s25], [sflag:$0x2], $0x80, $0x38;
	[tilespmem:$0x14C20] =	vst v63  }
0x1e9: {  	s25 =	sadd.s32 $0x12D30, s26;
	s28 =	sadd.s32 $0x60, s24;
	s26 =	sadd.s32 $0x12DB8, s26  }
0x1ea: {  	[hbm4b:s28+s3] =	stream.linear.scatter [tilespmem:s25], [sflag:$0x2], $0x80, $0x38;
	[tilespmem:$0x14C20] =	vst v63  }
0x1eb: {  	s28 =	sadd.s32 $0x70, s24;
	s24 =	sadd.s32 $0x1000, s24;
	s25 =	smov.u32 s29  }
0x1ec: {  	v42 =	vld [tilespmem:$0x1FE70]  }
0x1ed: {  	v20 =	vld [tilespmem:$0x1FE80]  }
0x1ee: {  	v18 =	vld [tilespmem:$0x1FE90]  }
0x1ef: {  	v22 =	vld [tilespmem:$0x1FEA0]  }
0x1f0: {  	[hbm4b:s28+s3] =	stream.linear.scatter [tilespmem:s26], [sflag:$0x2], $0x80, $0x38;
	v24 =	vld [tilespmem:$0x1FEB0]  }
0x1f1: {  	s25 =	sadd.s32 $0x12A00, s23;
	v25 =	vld [tilespmem:$0x1FEC0]  }
0x1f2: {  	v26 =	vld [tilespmem:$0x1FED0];
	[hbm4b:s24+s3] =	stream.linear.scatter [tilespmem:s25], [sflag:$0x2], $0x80, $0x38  }
0x1f3: {  	s30 =	sadd.s32 $0x12A88, s23;
	s31 =	sadd.s32 $0x10, s24;
	v28 =	vld [tilespmem:$0x1FEE0]  }
0x1f4: {  	v29 =	vld [tilespmem:$0x1FEF0];
	[hbm4b:s31+s3] =	stream.linear.scatter [tilespmem:s30], [sflag:$0x2], $0x80, $0x38  }
0x1f5: {  	s28 =	sadd.s32 $0x12B10, s23;
	s29 =	sadd.s32 $0x20, s24;
	v30 =	vld [tilespmem:$0x1FF00]  }
0x1f6: {  	v31 =	vld [tilespmem:$0x1FF10];
	[hbm4b:s29+s3] =	stream.linear.scatter [tilespmem:s28], [sflag:$0x2], $0x80, $0x38  }
0x1f7: {  	v32 =	vld [tilespmem:$0x1FF20];
	s30 =	sadd.s32 $0x12B98, s23;
	s31 =	sadd.s32 $0x30, s24  }
0x1f8: {  	v33 =	vld [tilespmem:$0x1FF30];
	[hbm4b:s31+s3] =	stream.linear.scatter [tilespmem:s30], [sflag:$0x2], $0x80, $0x38  }
0x1f9: {  	s22 =	sadd.s32 $0x1, s22;
	v34 =	vld [tilespmem:$0x1FF40];
	s28 =	sadd.s32 $0x12C20, s23;
	s29 =	sadd.s32 $0x40, s24  }
0x1fa: {  	v35 =	vld [tilespmem:$0x1FF50];
	[hbm4b:s29+s3] =	stream.linear.scatter [tilespmem:s28], [sflag:$0x2], $0x80, $0x38  }
0x1fb: {  	v36 =	vld [tilespmem:$0x1FF60];
	p0 =	sne.s32 s22, $0x64;
	s30 =	sadd.s32 $0x12CA8, s23;
	s31 =	sadd.s32 $0x50, s24  }
0x1fc: {  	v37 =	vld [tilespmem:$0x1FF70];
	[hbm4b:s31+s3] =	stream.linear.scatter [tilespmem:s30], [sflag:$0x2], $0x80, $0x38  }
.Ltmp5:
0x1fd: {  	v38 =	vld [tilespmem:$0x1FF80];
	(pc) =	sbr.rel @p0 .LBB2_4-.Ltmp5, $4  }
0x1fe: {  	v39 =	vld [tilespmem:$0x1FF90];
	s28 =	sadd.s32 $0x12D30, s23;
	s29 =	sadd.s32 $0x60, s24  }
0x1ff: {  	v40 =	vld [tilespmem:$0x1FFA0];
	[hbm4b:s29+s3] =	stream.linear.scatter [tilespmem:s28], [sflag:$0x2], $0x80, $0x38  }
0x200: {  	v23 =	vld [tilespmem:$0x1FFD0];
	s30 =	sadd.s32 $0x12DB8, s23;
	s31 =	sadd.s32 $0x70, s24  }
0x201: {  	v6 =	vmovc v17;
	v10 =	vmov v19;
	v11 =	vmov v21;
	v13 =	vmov v27;
	v17 =	vld [tilespmem:$0x1FFE0];
	[hbm4b:s31+s3] =	stream.linear.scatter [tilespmem:s30], [sflag:$0x2], $0x80, $0x38  }
0x202: {  	_ =	swait.ge [sflag:s20], $0x2000  }
0x203: {  	[sflag:s20] =	ssyncset.done $0x0  }
0x204: {  	[sflag:s20] =	ssyncadd.s32 $0xFFFFE000  }
0x205: {  	_ =	swait.ge [sflag:s20], $0x2000  }
0x206: {  	v0 =	vld [tilespmem:$0x1FDF0]  }
0x207: {  	s21 =	sadd.s32 $0x1, s21;
	v1 =	vld [tilespmem:$0x1FE00]  }
0x208: {  	p0 =	sne.s32 s21, s9;
	v2 =	vld [tilespmem:$0x1FE10]  }
.Ltmp6:
0x209: {  	v3 =	vld [tilespmem:$0x1FE20];
	(pc) =	sbr.rel @p0 .LBB2_1-.Ltmp6, $4  }
0x20a: {  	v5 =	vld [tilespmem:$0x1FE40]  }
0x20b: {  	v7 =	vld [tilespmem:$0x1FE50]  }
0x20c: {  	[sflag:s20] =	ssyncset.done $0x0;
	v4 =	vld [tilespmem:$0x1FE30]  }
0x20d: {  	v8 =	vld [tilespmem:$0x1FE60];
	[sflag:s20] =	ssyncadd.s32 $0xFFFFE000  }
0x20e: {  	_ =	sfence.sel $0x180000  }
0x20f: {  	[bflag:$0x0] =	sbarrier.arrive $0xFFFF  }
0x210: {  	p0 =	sne.s32 s0, $0x0;
	_ =	strace $0x90000047  }
0x211: {  	s0 =	sadd.s32 @!p0 $0x100000, s1;
	[bflag:$0x2] =	sbarrier.arrive $0xFFFF  }
0x212: {  	[sflag:s0] =	ssyncadd.tile.s32 @!p0 $0x1;
	_ =	shalt  }
.Lfunc_end2:
_tile_overlayer_lowered:
.L_overlay_start_2:
0x213: {  	(tag) =	ssettag $0x2  }
0x214: {  	s0 =	rddreg [dreg:$0x0];
	s2 =	stileid.u32  }
0x215: {  	s1 =	rddreg [dreg:$0x1];
	p0 =	sne.s32 s2, $0x0  }
0x216: {  	s3 =	rddreg [dreg:$0x2];
	[bflag:$0x3] =	sbarrier.arrive $0xFFFF;
	s2 =	simm.s32 @!p0 $0x1C03  }
0x217: {  	[timem:s3], [sflag:s2] =	dma.local @!p0 [hbm:s0], s1  }
0x218: {  	s0 =	simm.s32 @!p0 $0x3  }
0x219: {  	_ =	swait.ge @!p0 [sflag:s0], s1  }
0x21a: {  	s1 =	ssub.s32 @!p0 $0x0, s1;
	[sflag:s0] =	ssyncset.done @!p0 $0x0  }
0x21b: {  	[sflag:s0] =	ssyncadd.s32 @!p0 s1  }
0x21c: {  	[bflag:$0x3] =	sbarrier.arrive $0xFFFF  }
0x21d: {  	_ =	shalt  }

</sc_bundles>
